<compile_context>
chip_gen: v7x
topology: tpu7x:2x2x1
jax: 0.10.2.dev20260603
libtpu: 0.0.44.dev20260713+nightly
codegen_flags: <defaults>
</compile_context>

<pallas_src>
import functools

import jax
import jax.numpy as jnp
import numpy as np
from jax import lax
from jax.experimental import pallas as pl
from jax.experimental.pallas import tpu as pltpu
from jax.experimental.pallas import tpu_sc as plsc

_NC = 2
_NS = 16
_L = 16
_NW = _NC * _NS

_N = 10000
_E = 320000
_D = 128
_DH = _D // 2
_NG = 50
_NGP = 64

_E_PER_W = _E // _NW
_EV_PER_W = _E_PER_W // _L

_E_PER_S = _E // _NS
_CH = 100
_NCH = _E_PER_S // _CH
_NBUF = 4
_NGRP = _NCH // _NBUF
_NB = _N // _CH
_NQ = -(-_NB // _NS)

_HV = _DH // _L


def _sc_mesh():
    return plsc.VectorSubcoreMesh(
        core_axis_name="c", subcore_axis_name="s",
        num_cores=_NC, num_subcores=_NS)


def _dist_body(px_h, py_h, pz_h, src_h, dst_h, d2_h,
               px_v, py_v, pz_v, src_v, dst_v, d2_v):
    c = lax.axis_index("c")
    s = lax.axis_index("s")
    w = s * _NC + c
    base = w * _E_PER_W
    pltpu.sync_copy(px_h, px_v)
    pltpu.sync_copy(py_h, py_v)
    pltpu.sync_copy(pz_h, pz_v)
    pltpu.sync_copy(src_h.at[pl.ds(base, _E_PER_W)], src_v)
    pltpu.sync_copy(dst_h.at[pl.ds(base, _E_PER_W)], dst_v)

    def step(i, carry):
        off = i * _L
        si = src_v[pl.ds(off, _L)]
        di = dst_v[pl.ds(off, _L)]
        ax = plsc.load_gather(px_v, [si])
        bx = plsc.load_gather(px_v, [di])
        ay = plsc.load_gather(py_v, [si])
        by = plsc.load_gather(py_v, [di])
        az = plsc.load_gather(pz_v, [si])
        bz = plsc.load_gather(pz_v, [di])
        dx = bx - ax
        dy = by - ay
        dz = bz - az
        d2_v[pl.ds(off, _L)] = dx * dx + dy * dy + dz * dz + 1e-12
        return carry

    lax.fori_loop(0, _EV_PER_W, step, 0)
    pltpu.sync_copy(d2_v, d2_h.at[pl.ds(base, _E_PER_W)])


def _run_dist(px, py, pz, src, dst):
    return pl.kernel(
        _dist_body,
        out_type=jax.ShapeDtypeStruct((_E,), jnp.float32),
        mesh=_sc_mesh(),
        scratch_types=[
            pltpu.VMEM((_N,), jnp.float32),
            pltpu.VMEM((_N,), jnp.float32),
            pltpu.VMEM((_N,), jnp.float32),
            pltpu.VMEM((_E_PER_W,), jnp.int32),
            pltpu.VMEM((_E_PER_W,), jnp.int32),
            pltpu.VMEM((_E_PER_W,), jnp.float32),
        ],
        compiler_params=pltpu.CompilerParams(needs_layout_passes=False),
    )(px, py, pz, src, dst)


_BE = 8192
_EP = 327680

_OFFSETS = np.zeros((1, _NGP), dtype=np.float32)
_OFFSETS[0, :_NG] = np.linspace(0.0, 5.0, _NG, dtype=np.float32)
_STEP = float(_OFFSETS[0, 1] - _OFFSETS[0, 0])
_COEFF = -0.5 / (_STEP * _STEP)


def _ef_body(d2_ref, off_ref, we_ref, be_ref, ef_ref):
    dist = jnp.sqrt(d2_ref[...]).reshape(_BE, 1)
    diff = dist - off_ref[...]
    g = jnp.exp(_COEFF * (diff * diff))
    ef = jnp.dot(g, we_ref[...], preferred_element_type=jnp.float32)
    ef_ref[...] = jnp.maximum(ef + be_ref[...], 0.0)


def _run_edge_feat(d2, W_e_pad, b_e):
    d2p = jnp.pad(d2, (0, _EP - _E))
    return pl.pallas_call(
        _ef_body,
        grid=(_EP // _BE,),
        in_specs=[
            pl.BlockSpec((_BE,), lambda i: (i,)),
            pl.BlockSpec((1, _NGP), lambda i: (0, 0)),
            pl.BlockSpec((_NGP, _D), lambda i: (0, 0)),
            pl.BlockSpec((1, _D), lambda i: (0, 0)),
        ],
        out_specs=pl.BlockSpec((_BE, _D), lambda i: (i, 0)),
        out_shape=jax.ShapeDtypeStruct((_EP, _D), jnp.float32),
    )(d2p, jnp.asarray(_OFFSETS), W_e_pad, b_e.reshape(1, _D))


def _msg_body(xs_h, srcr_h, dstr_h, ef_h, part_h,
              sidx, didx, rows, feat, msg,
              agg_sh, sem_i,
              sg0, sg1, sg2, sg3,
              se0, se1, se2, se3,
              ss0, ss1):
    c = lax.axis_index("c")
    s = lax.axis_index("s")
    sgs = (sg0, sg1, sg2, sg3)
    ses = (se0, se1, se2, se3)
    sss = (ss0, ss1)
    erow0 = s * _E_PER_S
    ecol = c * _DH

    def zstore(i, carry):
        msg[0, i // _HV, pl.ds((i % _HV) * _L, _L)] = jnp.zeros(
            (_L,), jnp.float32)
        return carry

    lax.fori_loop(0, _CH * _HV, zstore, 0)

    def zcopy(q, carry):
        b = q * _NS + s

        @pl.when(b < _NB)
        def _():
            pltpu.sync_copy(msg.at[0], agg_sh.at[pl.ds(b * _CH, _CH)])

        return carry

    lax.fori_loop(0, _NQ, zcopy, 0)
    plsc.subcore_barrier()

    def issue_idx(g, slot):
        pltpu.async_copy(srcr_h.at[c, s, pl.ds(g * _NBUF, _NBUF)],
                         sidx.at[slot], sem_i)
        pltpu.async_copy(dstr_h.at[s, pl.ds(g * _NBUF, _NBUF)],
                         didx.at[slot], sem_i)

    def drain_idx():
        pltpu.make_async_copy(srcr_h.at[c, s, pl.ds(0, _NBUF)],
                              sidx.at[0], sem_i).wait()
        pltpu.make_async_copy(dstr_h.at[s, pl.ds(0, _NBUF)],
                              didx.at[0], sem_i).wait()

    def issue_gather(slot, b, j):
        pltpu.async_copy(xs_h.at[sidx.at[slot, b]], rows.at[b], sgs[b])
        pltpu.async_copy(
            ef_h.at[pl.ds(erow0 + j * _CH, _CH), pl.ds(ecol, _DH)],
            feat.at[b], ses[b])

    def drain_gather(slot, b):
        pltpu.make_async_copy(xs_h.at[sidx.at[slot, b]],
                              rows.at[b], sgs[b]).wait()
        pltpu.make_async_copy(
            ef_h.at[pl.ds(erow0, _CH), pl.ds(ecol, _DH)],
            feat.at[b], ses[b]).wait()

    def drain_scatter(slot, m):
        pltpu.make_async_copy(msg.at[m], agg_sh.at[didx.at[slot, m]],
                              sss[m]).wait()

    issue_idx(0, 0)
    drain_idx()
    for b in range(_NBUF):
        issue_gather(0, b, b)
    issue_idx(1, 1)

    def group(o, carry):
        par = lax.rem(o, 3)
        npar = lax.rem(o + 1, 3)

        for b in range(_NBUF):
            j = o * _NBUF + b
            m = b % 2
            drain_gather(par, b)

            @pl.when(j >= 2)
            def _():
                drain_scatter(par, m)

            def mul(eh, inner):
                for ee in range(2):
                    e = eh * 2 + ee
                    for k in range(_HV):
                        sl = pl.ds(k * _L, _L)
                        msg[m, e, sl] = rows[b, e, sl] * feat[b, e, sl]
                return inner

            lax.fori_loop(0, _CH // 2, mul, 0)
            pltpu.async_copy(msg.at[m], agg_sh.at[didx.at[par, b]],
                             sss[m], add=True)

            @pl.when(o + 1 < _NGRP)
            def _():
                if b == 0:
                    drain_idx()
                issue_gather(npar, b, j + _NBUF)

        @pl.when(o + 2 < _NGRP)
        def _():
            issue_idx(o + 2, lax.rem(o + 2, 3))

        return carry

    lax.fori_loop(0, _NGRP, group, 0)
    lpar = (_NGRP - 1) % 3
    drain_scatter(lpar, 0)
    drain_scatter(lpar, 1)
    plsc.subcore_barrier()

    def wback(q, carry):
        b = q * _NS + s

        @pl.when(b < _NB)
        def _():
            pltpu.sync_copy(agg_sh.at[pl.ds(b * _CH, _CH)], msg.at[0])
            pltpu.sync_copy(msg.at[0],
                            part_h.at[b, slice(None), pl.ds(ecol, _DH)])

        return carry

    lax.fori_loop(0, _NQ, wback, 0)


def _run_messages(xs, src_r, dst_r, ef):
    return pl.kernel(
        _msg_body,
        out_type=jax.ShapeDtypeStruct((_NB, _CH, _D), jnp.float32),
        mesh=_sc_mesh(),
        scratch_types=[
            pltpu.VMEM((3, _NBUF, _CH), jnp.int32),
            pltpu.VMEM((3, _NBUF, _CH), jnp.int32),
            pltpu.VMEM((_NBUF, _CH, _DH), jnp.float32),
            pltpu.VMEM((_NBUF, _CH, _DH), jnp.float32),
            pltpu.VMEM((2, _CH, _DH), jnp.float32),
            pltpu.VMEM_SHARED((_N, _DH), jnp.float32),
            pltpu.SemaphoreType.DMA,
            pltpu.SemaphoreType.DMA,
            pltpu.SemaphoreType.DMA,
            pltpu.SemaphoreType.DMA,
            pltpu.SemaphoreType.DMA,
            pltpu.SemaphoreType.DMA,
            pltpu.SemaphoreType.DMA,
            pltpu.SemaphoreType.DMA,
            pltpu.SemaphoreType.DMA,
            pltpu.SemaphoreType.DMA,
            pltpu.SemaphoreType.DMA,
        ],
        compiler_params=pltpu.CompilerParams(
            needs_layout_passes=False, use_tc_tiling_on_sc=False),
    )(xs, src_r, dst_r, ef)


_BR = 1000


def _out_body(agg_ref, x_ref, wo_ref, ws_ref, bo_ref, o_ref):
    o_ref[...] = (
        jnp.dot(agg_ref[...], wo_ref[...], preferred_element_type=jnp.float32)
        + jnp.dot(x_ref[...], ws_ref[...], preferred_element_type=jnp.float32)
        + bo_ref[...])


def _run_out(agg, x, W_out, W_self, b_out):
    return pl.pallas_call(
        _out_body,
        grid=(_N // _BR,),
        in_specs=[
            pl.BlockSpec((_BR, _D), lambda i: (i, 0)),
            pl.BlockSpec((_BR, _D), lambda i: (i, 0)),
            pl.BlockSpec((_D, _D), lambda i: (0, 0)),
            pl.BlockSpec((_D, _D), lambda i: (0, 0)),
            pl.BlockSpec((1, _D), lambda i: (0, 0)),
        ],
        out_specs=pl.BlockSpec((_BR, _D), lambda i: (i, 0)),
        out_shape=jax.ShapeDtypeStruct((_N, _D), jnp.float32),
    )(agg, x, W_out, W_self, b_out.reshape(1, _D))


def kernel(x, pos, edge_index, W_e, b_e, W_self, W_out, b_out):
    src = edge_index[0]
    dst = edge_index[1]
    px = jnp.asarray(pos[:, 0], jnp.float32)
    py = jnp.asarray(pos[:, 1], jnp.float32)
    pz = jnp.asarray(pos[:, 2], jnp.float32)

    d2 = _run_dist(px, py, pz, src, dst)

    W_e_pad = jnp.zeros((_NGP, _D), jnp.float32).at[:_NG].set(W_e)
    ef = _run_edge_feat(d2, W_e_pad, b_e)

    xs = jnp.concatenate([x[:, :_DH], x[:, _DH:]], axis=0)
    src2 = src.reshape(_NS, _NCH, _CH)
    src_r = jnp.stack([src2, src2 + _N])
    dst_r = dst.reshape(_NS, _NCH, _CH)
    part = _run_messages(xs, src_r, dst_r, ef)
    agg = part.reshape(_N, _D)

    return _run_out(agg, x, W_out, W_self, b_out)

# --- scband reference (transcript-rebuilt; emitter-appended) ---
"""Pipeline reference for scband-tensor-product-score-model-60103772340560 (READ-ONLY COPY).

The authoritative reference and input builder live on the scoring server;
editing this copy changes nothing except your own understanding.
"""

import jax, jax.numpy as jnp
import numpy as np

N_NODES = 10000
N_EDGES = 320000
D = 128
NG = 50


def setup_inputs(seed: int = 0) -> dict:
    key = jax.random.key(seed)
    ks = jax.random.split(key, 8)
    x = jax.random.normal(ks[0], (N_NODES, D), dtype=jnp.float32)
    pos = jax.random.normal(ks[1], (N_NODES, 3), dtype=jnp.float32)
    edge_index = jax.random.randint(ks[2], (2, N_EDGES), 0, N_NODES, dtype=jnp.int32)
    # learned parameters (distance-embedding MLP + tensor-product conv linear maps)
    W_e = jax.random.normal(ks[3], (NG, D), dtype=jnp.float32) * (1.0 / np.sqrt(NG))
    b_e = jnp.zeros((D,), dtype=jnp.float32)
    W_self = jax.random.normal(ks[4], (D, D), dtype=jnp.float32) * (1.0 / np.sqrt(D))
    W_out = jax.random.normal(ks[5], (D, D), dtype=jnp.float32) * (1.0 / np.sqrt(D))
    b_out = jnp.zeros((D,), dtype=jnp.float32)
    return {"x": x, "pos": pos, "edge_index": edge_index, "W_e": W_e, "b_e": b_e,
            "W_self": W_self, "W_out": W_out, "b_out": b_out}


def _gaussian_smearing(dist, start=0.0, stop=5.0, num_gaussians=NG):
    offset = jnp.linspace(start, stop, num_gaussians)
    coeff = -0.5 / (offset[1] - offset[0]) ** 2
    d = dist[:, None] - offset[None, :]
    return jnp.exp(coeff * d * d)


def reference(x, pos, edge_index, W_e, b_e, W_self, W_out, b_out):
    src = edge_index[0]
    dst = edge_index[1]
    # edge geometry (gather)
    edge_vec = pos[dst] - pos[src]
    dist = jnp.sqrt(jnp.sum(edge_vec * edge_vec, axis=-1) + 1e-12)
    # GaussianSmearing distance embedding
    g = _gaussian_smearing(dist)
    edge_feat = jax.nn.relu(g @ W_e + b_e)
    # tensor-product-style message: gathered source features modulated by edge embedding
    msg = x[src] * edge_feat
    # scatter-add aggregation to destination nodes
    agg = jax.ops.segment_sum(msg, dst, num_segments=x.shape[0])
    # residual update
    out = agg @ W_out + x @ W_self + b_out
    return out

if __name__ == "__main__":
    import jax
    _d = setup_inputs()
    print(jax.jit(kernel)(*tuple(_d.values())))

</pallas_src>

<mosaic_0001>
#map = affine_map<(d0, d1) -> (0)>
module attributes {stable_mosaic.version = 14 : i64} {
  func.func @_dist_body(%arg0: i32, %arg1: i32, %arg2: memref<10000xf32, #tpu.memory_space<hbm>>, %arg3: memref<10000xf32, #tpu.memory_space<hbm>>, %arg4: memref<10000xf32, #tpu.memory_space<hbm>>, %arg5: memref<320000xi32, #tpu.memory_space<hbm>>, %arg6: memref<320000xi32, #tpu.memory_space<hbm>>, %arg7: memref<320000xf32, #tpu.memory_space<hbm>>, %arg8: memref<10000xf32, #tpu.memory_space<vmem>>, %arg9: memref<10000xf32, #tpu.memory_space<vmem>>, %arg10: memref<10000xf32, #tpu.memory_space<vmem>>, %arg11: memref<10000xi32, #tpu.memory_space<vmem>>, %arg12: memref<10000xi32, #tpu.memory_space<vmem>>, %arg13: memref<10000xf32, #tpu.memory_space<vmem>>) attributes {dimension_semantics = [#tpu.dimension_semantics<core_parallel>, #tpu.dimension_semantics<subcore_parallel>], iteration_bounds = array<i64: 2, 16>, scalar_prefetch = 0 : i64, scratch_operands = 6 : i64, tpu.core_type = #tpu.core_type<sc_vector_subcore>, window_params = [{transform_indices = #map}, {transform_indices = #map}, {transform_indices = #map}, {transform_indices = #map}, {transform_indices = #map}, {transform_indices = #map}]} {
    %mul3A = arith.constant 2 : i32
    %mul3A_0 = arith.muli %arg1, %mul3A : i32
    %add3A = arith.addi %mul3A_0, %arg0 : i32
    %mul3A_1 = arith.constant 10000 : i32
    %mul3A_2 = arith.muli %add3A, %mul3A_1 : i32
    "tpu.region"() ({
      %run_scoped3A = tpu.sem_alloc : memref<!tpu.dma_semaphore, #tpu.memory_space<semaphore_mem>>
      tpu.enqueue_dma source(%arg2 : memref<10000xf32, #tpu.memory_space<hbm>>) target(%arg8 : memref<10000xf32, #tpu.memory_space<vmem>>) target_semaphore(%run_scoped3A : memref<!tpu.dma_semaphore, #tpu.memory_space<semaphore_mem>>)
      tpu.wait_dma2 semaphore(%run_scoped3A : memref<!tpu.dma_semaphore, #tpu.memory_space<semaphore_mem>>) src(%arg2 : memref<10000xf32, #tpu.memory_space<hbm>>) dst(%arg8 : memref<10000xf32, #tpu.memory_space<vmem>>)
      tpu.yield
    }) : () -> ()
    "tpu.region"() ({
      %run_scoped3A = tpu.sem_alloc : memref<!tpu.dma_semaphore, #tpu.memory_space<semaphore_mem>>
      tpu.enqueue_dma source(%arg3 : memref<10000xf32, #tpu.memory_space<hbm>>) target(%arg9 : memref<10000xf32, #tpu.memory_space<vmem>>) target_semaphore(%run_scoped3A : memref<!tpu.dma_semaphore, #tpu.memory_space<semaphore_mem>>)
      tpu.wait_dma2 semaphore(%run_scoped3A : memref<!tpu.dma_semaphore, #tpu.memory_space<semaphore_mem>>) src(%arg3 : memref<10000xf32, #tpu.memory_space<hbm>>) dst(%arg9 : memref<10000xf32, #tpu.memory_space<vmem>>)
      tpu.yield
    }) : () -> ()
    "tpu.region"() ({
      %run_scoped3A = tpu.sem_alloc : memref<!tpu.dma_semaphore, #tpu.memory_space<semaphore_mem>>
      tpu.enqueue_dma source(%arg4 : memref<10000xf32, #tpu.memory_space<hbm>>) target(%arg10 : memref<10000xf32, #tpu.memory_space<vmem>>) target_semaphore(%run_scoped3A : memref<!tpu.dma_semaphore, #tpu.memory_space<semaphore_mem>>)
      tpu.wait_dma2 semaphore(%run_scoped3A : memref<!tpu.dma_semaphore, #tpu.memory_space<semaphore_mem>>) src(%arg4 : memref<10000xf32, #tpu.memory_space<hbm>>) dst(%arg10 : memref<10000xf32, #tpu.memory_space<vmem>>)
      tpu.yield
    }) : () -> ()
    "tpu.region"() ({
      %run_scoped3A = tpu.sem_alloc : memref<!tpu.dma_semaphore, #tpu.memory_space<semaphore_mem>>
      %dma_start3A = tpu.memref_slice %arg5[%mul3A_2] : memref<320000xi32, #tpu.memory_space<hbm>> -> memref<10000xi32, #tpu.memory_space<hbm>>
      %dma_start3A_8 = tpu.memref_slice %arg5[%mul3A_2] : memref<320000xi32, #tpu.memory_space<hbm>> -> memref<10000xi32, #tpu.memory_space<hbm>>
      tpu.enqueue_dma source(%dma_start3A_8 : memref<10000xi32, #tpu.memory_space<hbm>>) target(%arg11 : memref<10000xi32, #tpu.memory_space<vmem>>) target_semaphore(%run_scoped3A : memref<!tpu.dma_semaphore, #tpu.memory_space<semaphore_mem>>)
      %dma_wait3A = tpu.memref_slice %arg5[%mul3A_2] : memref<320000xi32, #tpu.memory_space<hbm>> -> memref<10000xi32, #tpu.memory_space<hbm>>
      %dma_wait3A_9 = tpu.memref_slice %arg5[%mul3A_2] : memref<320000xi32, #tpu.memory_space<hbm>> -> memref<10000xi32, #tpu.memory_space<hbm>>
      tpu.wait_dma2 semaphore(%run_scoped3A : memref<!tpu.dma_semaphore, #tpu.memory_space<semaphore_mem>>) src(%dma_wait3A_9 : memref<10000xi32, #tpu.memory_space<hbm>>) dst(%arg11 : memref<10000xi32, #tpu.memory_space<vmem>>)
      tpu.yield
    }) : () -> ()
    "tpu.region"() ({
      %run_scoped3A = tpu.sem_alloc : memref<!tpu.dma_semaphore, #tpu.memory_space<semaphore_mem>>
      %dma_start3A = tpu.memref_slice %arg6[%mul3A_2] : memref<320000xi32, #tpu.memory_space<hbm>> -> memref<10000xi32, #tpu.memory_space<hbm>>
      %dma_start3A_8 = tpu.memref_slice %arg6[%mul3A_2] : memref<320000xi32, #tpu.memory_space<hbm>> -> memref<10000xi32, #tpu.memory_space<hbm>>
      tpu.enqueue_dma source(%dma_start3A_8 : memref<10000xi32, #tpu.memory_space<hbm>>) target(%arg12 : memref<10000xi32, #tpu.memory_space<vmem>>) target_semaphore(%run_scoped3A : memref<!tpu.dma_semaphore, #tpu.memory_space<semaphore_mem>>)
      %dma_wait3A = tpu.memref_slice %arg6[%mul3A_2] : memref<320000xi32, #tpu.memory_space<hbm>> -> memref<10000xi32, #tpu.memory_space<hbm>>
      %dma_wait3A_9 = tpu.memref_slice %arg6[%mul3A_2] : memref<320000xi32, #tpu.memory_space<hbm>> -> memref<10000xi32, #tpu.memory_space<hbm>>
      tpu.wait_dma2 semaphore(%run_scoped3A : memref<!tpu.dma_semaphore, #tpu.memory_space<semaphore_mem>>) src(%dma_wait3A_9 : memref<10000xi32, #tpu.memory_space<hbm>>) dst(%arg12 : memref<10000xi32, #tpu.memory_space<vmem>>)
      tpu.yield
    }) : () -> ()
    %scan3A = arith.constant 0 : i32
    %scan3A_3 = arith.constant 0 : i32
    %scan3A_4 = arith.constant 625 : i32
    %scan3A_5 = arith.addi %scan3A_3, %scan3A_4 : i32
    %scan3A_6 = arith.constant 1 : i32
    scf.for %scan3A_8 = %scan3A_3 to %scan3A_5 step %scan3A_6  : i32 {
      %mul3A_9 = arith.constant 16 : i32
      %mul3A_10 = arith.muli %scan3A_8, %mul3A_9 : i32
      %get3A = arith.index_cast %mul3A_10 : i32 to index
      %get3A_11 = tpu.vector_load %arg11[%get3A] {strides = array<i32>} : memref<10000xi32, #tpu.memory_space<vmem>>, vector<16xi32>,
      %get3A_12 = arith.index_cast %mul3A_10 : i32 to index
      %get3A_13 = tpu.vector_load %arg12[%get3A_12] {strides = array<i32>} : memref<10000xi32, #tpu.memory_space<vmem>>, vector<16xi32>,
      %gather3A = tpu.vector_load_idx %arg8[%get3A_11] : memref<10000xf32, #tpu.memory_space<vmem>>[vector<16xi32>], vector<16xf32>,
      %gather3A_14 = tpu.vector_load_idx %arg8[%get3A_13] : memref<10000xf32, #tpu.memory_space<vmem>>[vector<16xi32>], vector<16xf32>,
      %gather3A_15 = tpu.vector_load_idx %arg9[%get3A_11] : memref<10000xf32, #tpu.memory_space<vmem>>[vector<16xi32>], vector<16xf32>,
      %gather3A_16 = tpu.vector_load_idx %arg9[%get3A_13] : memref<10000xf32, #tpu.memory_space<vmem>>[vector<16xi32>], vector<16xf32>,
      %gather3A_17 = tpu.vector_load_idx %arg10[%get3A_11] : memref<10000xf32, #tpu.memory_space<vmem>>[vector<16xi32>], vector<16xf32>,
      %gather3A_18 = tpu.vector_load_idx %arg10[%get3A_13] : memref<10000xf32, #tpu.memory_space<vmem>>[vector<16xi32>], vector<16xf32>,
      %sub3A = arith.subf %gather3A_14, %gather3A : vector<16xf32>
      %sub3A_19 = arith.subf %gather3A_16, %gather3A_15 : vector<16xf32>
      %sub3A_20 = arith.subf %gather3A_18, %gather3A_17 : vector<16xf32>
      %mul3A_21 = arith.mulf %sub3A, %sub3A : vector<16xf32>
      %mul3A_22 = arith.mulf %sub3A_19, %sub3A_19 : vector<16xf32>
      %add3A_23 = arith.addf %mul3A_21, %mul3A_22 : vector<16xf32>
      %mul3A_24 = arith.mulf %sub3A_20, %sub3A_20 : vector<16xf32>
      %add3A_25 = arith.addf %add3A_23, %mul3A_24 : vector<16xf32>
      %add3A_26 = arith.constant 9.99999996E-13 : f32
      %add3A_27 = vector.broadcast %add3A_26 : f32 to vector<16xf32>
      %add3A_28 = arith.addf %add3A_25, %add3A_27 : vector<16xf32>
      %swap3A = arith.index_cast %mul3A_10 : i32 to index
      %swap3A_29 = tpu.vector_load %arg13[%swap3A] {strides = array<i32>} : memref<10000xf32, #tpu.memory_space<vmem>>, vector<16xf32>,
      tpu.vector_store %arg13[%swap3A], %add3A_28 {strides = array<i32>} : memref<10000xf32, #tpu.memory_space<vmem>>, vector<16xf32>,
    }
    %scan3A_7 = arith.constant 625 : i32
    "tpu.region"() ({
      %run_scoped3A = tpu.sem_alloc : memref<!tpu.dma_semaphore, #tpu.memory_space<semaphore_mem>>
      %dma_start3A = tpu.memref_slice %arg7[%mul3A_2] : memref<320000xf32, #tpu.memory_space<hbm>> -> memref<10000xf32, #tpu.memory_space<hbm>>
      %dma_start3A_8 = tpu.memref_slice %arg7[%mul3A_2] : memref<320000xf32, #tpu.memory_space<hbm>> -> memref<10000xf32, #tpu.memory_space<hbm>>
      tpu.enqueue_dma source(%arg13 : memref<10000xf32, #tpu.memory_space<vmem>>) target(%dma_start3A_8 : memref<10000xf32, #tpu.memory_space<hbm>>) target_semaphore(%run_scoped3A : memref<!tpu.dma_semaphore, #tpu.memory_space<semaphore_mem>>)
      %dma_wait3A = tpu.memref_slice %arg7[%mul3A_2] : memref<320000xf32, #tpu.memory_space<hbm>> -> memref<10000xf32, #tpu.memory_space<hbm>>
      %dma_wait3A_9 = tpu.memref_slice %arg7[%mul3A_2] : memref<320000xf32, #tpu.memory_space<hbm>> -> memref<10000xf32, #tpu.memory_space<hbm>>
      tpu.wait_dma2 semaphore(%run_scoped3A : memref<!tpu.dma_semaphore, #tpu.memory_space<semaphore_mem>>) src(%arg13 : memref<10000xf32, #tpu.memory_space<vmem>>) dst(%dma_wait3A_9 : memref<10000xf32, #tpu.memory_space<hbm>>)
      tpu.yield
    }) : () -> ()
    return
  }
}

#map = affine_map<(d0, d1) -> (0, 0)>
#map1 = affine_map<(d0, d1) -> (0, 0, 0, 0)>
#map2 = affine_map<(d0, d1) -> (0, 0, 0)>
module attributes {stable_mosaic.version = 14 : i64} {
  func.func @_msg_body(%arg0: i32, %arg1: i32, %arg2: memref<20000x64xf32, #tpu.memory_space<hbm>>, %arg3: memref<2x16x200x100xi32, #tpu.memory_space<hbm>>, %arg4: memref<16x200x100xi32, #tpu.memory_space<hbm>>, %arg5: memref<327680x128xf32, #tpu.memory_space<hbm>>, %arg6: memref<100x100x128xf32, #tpu.memory_space<hbm>>, %arg7: memref<3x4x100xi32, #tpu.memory_space<vmem>>, %arg8: memref<3x4x100xi32, #tpu.memory_space<vmem>>, %arg9: memref<4x100x64xf32, #tpu.memory_space<vmem>>, %arg10: memref<4x100x64xf32, #tpu.memory_space<vmem>>, %arg11: memref<2x100x64xf32, #tpu.memory_space<vmem>>, %arg12: memref<10000x64xf32, #tpu.memory_space<vmem_shared>>, %arg13: memref<!tpu.dma_semaphore, #tpu.memory_space<semaphore_mem>>, %arg14: memref<!tpu.dma_semaphore, #tpu.memory_space<semaphore_mem>>, %arg15: memref<!tpu.dma_semaphore, #tpu.memory_space<semaphore_mem>>, %arg16: memref<!tpu.dma_semaphore, #tpu.memory_space<semaphore_mem>>, %arg17: memref<!tpu.dma_semaphore, #tpu.memory_space<semaphore_mem>>, %arg18: memref<!tpu.dma_semaphore, #tpu.memory_space<semaphore_mem>>, %arg19: memref<!tpu.dma_semaphore, #tpu.memory_space<semaphore_mem>>, %arg20: memref<!tpu.dma_semaphore, #tpu.memory_space<semaphore_mem>>, %arg21: memref<!tpu.dma_semaphore, #tpu.memory_space<semaphore_mem>>, %arg22: memref<!tpu.dma_semaphore, #tpu.memory_space<semaphore_mem>>, %arg23: memref<!tpu.dma_semaphore, #tpu.memory_space<semaphore_mem>>) attributes {dimension_semantics = [#tpu.dimension_semantics<core_parallel>, #tpu.dimension_semantics<subcore_parallel>], iteration_bounds = array<i64: 2, 16>, scalar_prefetch = 0 : i64, scratch_operands = 17 : i64, tpu.core_type = #tpu.core_type<sc_vector_subcore>, window_params = [{transform_indices = #map}, {transform_indices = #map1}, {transform_indices = #map2}, {transform_indices = #map}, {transform_indices = #map2}]} {
    %mul3A = arith.constant 20000 : i32
    %mul3A_0 = arith.muli %arg1, %mul3A : i32
    %mul3A_1 = arith.constant 64 : i32
    %mul3A_2 = arith.muli %arg0, %mul3A_1 : i32
    %scan3A = arith.constant 0 : i32
    %scan3A_3 = arith.constant 0 : i32
    %scan3A_4 = arith.constant 400 : i32
    %scan3A_5 = arith.addi %scan3A_3, %scan3A_4 : i32
    %scan3A_6 = arith.constant 1 : i32
    scf.for %scan3A_256 = %scan3A_3 to %scan3A_5 step %scan3A_6  : i32 {
      %broadcast_in_dim3A = arith.constant 0.000000e+00 : f32
      %broadcast_in_dim3A_257 = vector.broadcast %broadcast_in_dim3A : f32 to vector<16xf32>
      %jit3A = arith.constant 4 : i32
      %div3A = arith.divsi %scan3A_256, %jit3A : i32
      %sign3A = arith.constant 0 : i32
      %sign3A_258 = arith.cmpi sgt, %scan3A_256, %sign3A : i32
      %sign3A_259 = arith.extui %sign3A_258 : i1 to i32
      %sign3A_260 = arith.constant 0 : i32
      %sign3A_261 = arith.cmpi slt, %scan3A_256, %sign3A_260 : i32
      %sign3A_262 = arith.extui %sign3A_261 : i1 to i32
      %sign3A_263 = arith.subi %sign3A_259, %sign3A_262 : i32
      %sign3A_264 = arith.constant 0 : i32
      %sign3A_265 = arith.cmpi sgt, %jit3A, %sign3A_264 : i32
      %sign3A_266 = arith.extui %sign3A_265 : i1 to i32
      %sign3A_267 = arith.constant 0 : i32
      %sign3A_268 = arith.cmpi slt, %jit3A, %sign3A_267 : i32
      %sign3A_269 = arith.extui %sign3A_268 : i1 to i32
      %sign3A_270 = arith.subi %sign3A_266, %sign3A_269 : i32
      %ne3A = arith.cmpi ne, %sign3A_263, %sign3A_270 : i32
      %rem3A = arith.remsi %scan3A_256, %jit3A : i32
      %ne3A_271 = arith.constant 0 : i32
      %ne3A_272 = arith.cmpi ne, %rem3A, %ne3A_271 : i32
      %and3A = arith.andi %ne3A, %ne3A_272 : i1
      %sub3A = arith.constant 1 : i32
      %sub3A_273 = arith.subi %div3A, %sub3A : i32
      %select_n3A = arith.select %and3A, %sub3A_273, %div3A : i32
      %jit3A_274 = arith.constant 4 : i32
      %eq3A = arith.constant 0 : i32
      %eq3A_275 = arith.cmpi eq, %jit3A_274, %eq3A : i32
      %jit3A_276 = arith.constant 1 : i32
      %select_n3A_277 = arith.select %eq3A_275, %jit3A_276, %jit3A_274 : i32
      %rem3A_278 = arith.remsi %scan3A_256, %select_n3A_277 : i32
      %ne3A_279 = arith.constant 0 : i32
      %ne3A_280 = arith.cmpi ne, %rem3A_278, %ne3A_279 : i32
      %lt3A = arith.constant 0 : i32
      %lt3A_281 = arith.cmpi slt, %rem3A_278, %lt3A : i32
      %lt3A_282 = arith.constant 0 : i32
      %lt3A_283 = arith.cmpi slt, %select_n3A_277, %lt3A_282 : i32
      %ne3A_284 = arith.xori %lt3A_281, %lt3A_283 : i1
      %and3A_285 = arith.andi %ne3A_284, %ne3A_280 : i1
      %add3A_286 = arith.addi %rem3A_278, %select_n3A_277 : i32
      %select_n3A_287 = arith.select %and3A_285, %add3A_286, %rem3A_278 : i32
      %mul3A_288 = arith.constant 16 : i32
      %mul3A_289 = arith.muli %select_n3A_287, %mul3A_288 : i32
      %swap3A = arith.constant 0 : i32
      %swap3A_290 = arith.index_cast %swap3A : i32 to index
      %swap3A_291 = arith.index_cast %select_n3A : i32 to index
      %swap3A_292 = arith.index_cast %mul3A_289 : i32 to index
      %swap3A_293 = tpu.vector_load %arg11[%swap3A_290, %swap3A_291, %swap3A_292] {strides = array<i32>} : memref<2x100x64xf32, #tpu.memory_space<vmem>>, vector<16xf32>,
      tpu.vector_store %arg11[%swap3A_290, %swap3A_291, %swap3A_292], %broadcast_in_dim3A_257 {strides = array<i32>} : memref<2x100x64xf32, #tpu.memory_space<vmem>>, vector<16xf32>,
    }
    %scan3A_7 = arith.constant 400 : i32
    %scan3A_8 = arith.constant 0 : i32
    %scan3A_9 = arith.constant 0 : i32
    %scan3A_10 = arith.constant 7 : i32
    %scan3A_11 = arith.addi %scan3A_9, %scan3A_10 : i32
    %scan3A_12 = arith.constant 1 : i32
    scf.for %scan3A_256 = %scan3A_9 to %scan3A_11 step %scan3A_12  : i32 {
      %mul3A_257 = arith.constant 16 : i32
      %mul3A_258 = arith.muli %scan3A_256, %mul3A_257 : i32
      %add3A_259 = arith.addi %mul3A_258, %arg1 : i32
      %lt3A = arith.constant 100 : i32
      %lt3A_260 = arith.cmpi slt, %add3A_259, %lt3A : i32
      %convert_element_type3A = arith.extui %lt3A_260 : i1 to i32
      %cond3A = arith.constant 0 : i32
      %cond3A_261 = arith.cmpi ne, %convert_element_type3A, %cond3A : i32
      scf.if %cond3A_261 {
        %mul3A_262 = arith.constant 100 : i32
        %mul3A_263 = arith.muli %add3A_259, %mul3A_262 : i32
        %run_scoped3A = arith.constant 0 : i32
        "tpu.region"() ({
          %run_scoped3A_264 = tpu.sem_alloc : memref<!tpu.dma_semaphore, #tpu.memory_space<semaphore_mem>>
          %dma_start3A_265 = arith.constant 0 : i32
          %dma_start3A_266 = arith.constant 0 : i32
          %dma_start3A_267 = tpu.memref_slice %arg11[%run_scoped3A, %dma_start3A_265, %dma_start3A_266] : memref<2x100x64xf32, #tpu.memory_space<vmem>> -> memref<1x100x64xf32, #tpu.memory_space<vmem>>
          %dma_start3A_268 = tpu.memref_squeeze %dma_start3A_267 : memref<1x100x64xf32, #tpu.memory_space<vmem>> -> memref<100x64xf32, #tpu.memory_space<vmem>>
          %dma_start3A_269 = arith.constant 0 : i32
          %dma_start3A_270 = tpu.memref_slice %arg12[%mul3A_263, %dma_start3A_269] : memref<10000x64xf32, #tpu.memory_space<vmem_shared>> -> memref<100x64xf32, #tpu.memory_space<vmem_shared>>
          %dma_start3A_271 = arith.constant 0 : i32
          %dma_start3A_272 = tpu.memref_slice %arg12[%mul3A_263, %dma_start3A_271] : memref<10000x64xf32, #tpu.memory_space<vmem_shared>> -> memref<100x64xf32, #tpu.memory_space<vmem_shared>>
          %dma_start3A_273 = arith.constant 0 : i32
          %dma_start3A_274 = arith.constant 0 : i32
          %dma_start3A_275 = tpu.memref_slice %arg11[%run_scoped3A, %dma_start3A_273, %dma_start3A_274] : memref<2x100x64xf32, #tpu.memory_space<vmem>> -> memref<1x100x64xf32, #tpu.memory_space<vmem>>
          %dma_start3A_276 = tpu.memref_squeeze %dma_start3A_275 : memref<1x100x64xf32, #tpu.memory_space<vmem>> -> memref<100x64xf32, #tpu.memory_space<vmem>>
          tpu.enqueue_dma source(%dma_start3A_276 : memref<100x64xf32, #tpu.memory_space<vmem>>) target(%dma_start3A_272 : memref<100x64xf32, #tpu.memory_space<vmem_shared>>) target_semaphore(%run_scoped3A_264 : memref<!tpu.dma_semaphore, #tpu.memory_space<semaphore_mem>>)
          %dma_wait3A_277 = arith.constant 0 : i32
          %dma_wait3A_278 = arith.constant 0 : i32
          %dma_wait3A_279 = tpu.memref_slice %arg11[%run_scoped3A, %dma_wait3A_277, %dma_wait3A_278] : memref<2x100x64xf32, #tpu.memory_space<vmem>> -> memref<1x100x64xf32, #tpu.memory_space<vmem>>
          %dma_wait3A_280 = tpu.memref_squeeze %dma_wait3A_279 : memref<1x100x64xf32, #tpu.memory_space<vmem>> -> memref<100x64xf32, #tpu.memory_space<vmem>>
          %dma_wait3A_281 = arith.constant 0 : i32
          %dma_wait3A_282 = tpu.memref_slice %arg12[%mul3A_263, %dma_wait3A_281] : memref<10000x64xf32, #tpu.memory_space<vmem_shared>> -> memref<100x64xf32, #tpu.memory_space<vmem_shared>>
          %dma_wait3A_283 = arith.constant 0 : i32
          %dma_wait3A_284 = tpu.memref_slice %arg12[%mul3A_263, %dma_wait3A_283] : memref<10000x64xf32, #tpu.memory_space<vmem_shared>> -> memref<100x64xf32, #tpu.memory_space<vmem_shared>>
          %dma_wait3A_285 = arith.constant 0 : i32
          %dma_wait3A_286 = arith.constant 0 : i32
          %dma_wait3A_287 = tpu.memref_slice %arg11[%run_scoped3A, %dma_wait3A_285, %dma_wait3A_286] : memref<2x100x64xf32, #tpu.memory_space<vmem>> -> memref<1x100x64xf32, #tpu.memory_space<vmem>>
          %dma_wait3A_288 = tpu.memref_squeeze %dma_wait3A_287 : memref<1x100x64xf32, #tpu.memory_space<vmem>> -> memref<100x64xf32, #tpu.memory_space<vmem>>
          tpu.wait_dma2 semaphore(%run_scoped3A_264 : memref<!tpu.dma_semaphore, #tpu.memory_space<semaphore_mem>>) src(%dma_wait3A_288 : memref<100x64xf32, #tpu.memory_space<vmem>>) dst(%dma_wait3A_284 : memref<100x64xf32, #tpu.memory_space<vmem_shared>>)
          tpu.yield
        }) : () -> ()
      } else {
      }
    }
    %scan3A_13 = arith.constant 7 : i32
    %barrier3A = arith.constant 0 : index
    tpu.barrier barrier_id(%barrier3A)
    %dma_start3A = arith.constant 0 : i32
    %dma_start3A_14 = arith.constant 0 : i32
    %dma_start3A_15 = arith.constant 0 : i32
    %dma_start3A_16 = tpu.memref_slice %arg7[%dma_start3A, %dma_start3A_14, %dma_start3A_15] : memref<3x4x100xi32, #tpu.memory_space<vmem>> -> memref<1x4x100xi32, #tpu.memory_space<vmem>>
    %dma_start3A_17 = tpu.memref_squeeze %dma_start3A_16 : memref<1x4x100xi32, #tpu.memory_space<vmem>> -> memref<4x100xi32, #tpu.memory_space<vmem>>
    %dma_start3A_18 = arith.constant 0 : i32
    %dma_start3A_19 = arith.constant 0 : i32
    %dma_start3A_20 = tpu.memref_slice %arg3[%arg0, %arg1, %dma_start3A_18, %dma_start3A_19] : memref<2x16x200x100xi32, #tpu.memory_space<hbm>> -> memref<1x1x4x100xi32, #tpu.memory_space<hbm>>
    %dma_start3A_21 = tpu.memref_squeeze %dma_start3A_20 : memref<1x1x4x100xi32, #tpu.memory_space<hbm>> -> memref<4x100xi32, #tpu.memory_space<hbm>>
    %dma_start3A_22 = arith.constant 0 : i32
    %dma_start3A_23 = arith.constant 0 : i32
    %dma_start3A_24 = tpu.memref_slice %arg7[%dma_start3A, %dma_start3A_22, %dma_start3A_23] : memref<3x4x100xi32, #tpu.memory_space<vmem>> -> memref<1x4x100xi32, #tpu.memory_space<vmem>>
    %dma_start3A_25 = tpu.memref_squeeze %dma_start3A_24 : memref<1x4x100xi32, #tpu.memory_space<vmem>> -> memref<4x100xi32, #tpu.memory_space<vmem>>
    %dma_start3A_26 = arith.constant 0 : i32
    %dma_start3A_27 = arith.constant 0 : i32
    %dma_start3A_28 = tpu.memref_slice %arg3[%arg0, %arg1, %dma_start3A_26, %dma_start3A_27] : memref<2x16x200x100xi32, #tpu.memory_space<hbm>> -> memref<1x1x4x100xi32, #tpu.memory_space<hbm>>
    %dma_start3A_29 = tpu.memref_squeeze %dma_start3A_28 : memref<1x1x4x100xi32, #tpu.memory_space<hbm>> -> memref<4x100xi32, #tpu.memory_space<hbm>>
    tpu.enqueue_dma source(%dma_start3A_29 : memref<4x100xi32, #tpu.memory_space<hbm>>) target(%dma_start3A_25 : memref<4x100xi32, #tpu.memory_space<vmem>>) target_semaphore(%arg13 : memref<!tpu.dma_semaphore, #tpu.memory_space<semaphore_mem>>)
    %dma_start3A_30 = arith.constant 0 : i32
    %dma_start3A_31 = arith.constant 0 : i32
    %dma_start3A_32 = arith.constant 0 : i32
    %dma_start3A_33 = tpu.memref_slice %arg8[%dma_start3A_30, %dma_start3A_31, %dma_start3A_32] : memref<3x4x100xi32, #tpu.memory_space<vmem>> -> memref<1x4x100xi32, #tpu.memory_space<vmem>>
    %dma_start3A_34 = tpu.memref_squeeze %dma_start3A_33 : memref<1x4x100xi32, #tpu.memory_space<vmem>> -> memref<4x100xi32, #tpu.memory_space<vmem>>
    %dma_start3A_35 = arith.constant 0 : i32
    %dma_start3A_36 = arith.constant 0 : i32
    %dma_start3A_37 = tpu.memref_slice %arg4[%arg1, %dma_start3A_35, %dma_start3A_36] : memref<16x200x100xi32, #tpu.memory_space<hbm>> -> memref<1x4x100xi32, #tpu.memory_space<hbm>>
    %dma_start3A_38 = tpu.memref_squeeze %dma_start3A_37 : memref<1x4x100xi32, #tpu.memory_space<hbm>> -> memref<4x100xi32, #tpu.memory_space<hbm>>
    %dma_start3A_39 = arith.constant 0 : i32
    %dma_start3A_40 = arith.constant 0 : i32
    %dma_start3A_41 = tpu.memref_slice %arg8[%dma_start3A_30, %dma_start3A_39, %dma_start3A_40] : memref<3x4x100xi32, #tpu.memory_space<vmem>> -> memref<1x4x100xi32, #tpu.memory_space<vmem>>
    %dma_start3A_42 = tpu.memref_squeeze %dma_start3A_41 : memref<1x4x100xi32, #tpu.memory_space<vmem>> -> memref<4x100xi32, #tpu.memory_space<vmem>>
    %dma_start3A_43 = arith.constant 0 : i32
    %dma_start3A_44 = arith.constant 0 : i32
    %dma_start3A_45 = tpu.memref_slice %arg4[%arg1, %dma_start3A_43, %dma_start3A_44] : memref<16x200x100xi32, #tpu.memory_space<hbm>> -> memref<1x4x100xi32, #tpu.memory_space<hbm>>
    %dma_start3A_46 = tpu.memref_squeeze %dma_start3A_45 : memref<1x4x100xi32, #tpu.memory_space<hbm>> -> memref<4x100xi32, #tpu.memory_space<hbm>>
    tpu.enqueue_dma source(%dma_start3A_46 : memref<4x100xi32, #tpu.memory_space<hbm>>) target(%dma_start3A_42 : memref<4x100xi32, #tpu.memory_space<vmem>>) target_semaphore(%arg13 : memref<!tpu.dma_semaphore, #tpu.memory_space<semaphore_mem>>)
    %dma_wait3A = arith.constant 0 : i32
    %dma_wait3A_47 = arith.constant 0 : i32
    %dma_wait3A_48 = arith.constant 0 : i32
    %dma_wait3A_49 = tpu.memref_slice %arg7[%dma_wait3A, %dma_wait3A_47, %dma_wait3A_48] : memref<3x4x100xi32, #tpu.memory_space<vmem>> -> memref<1x4x100xi32, #tpu.memory_space<vmem>>
    %dma_wait3A_50 = tpu.memref_squeeze %dma_wait3A_49 : memref<1x4x100xi32, #tpu.memory_space<vmem>> -> memref<4x100xi32, #tpu.memory_space<vmem>>
    %dma_wait3A_51 = arith.constant 0 : i32
    %dma_wait3A_52 = arith.constant 0 : i32
    %dma_wait3A_53 = tpu.memref_slice %arg3[%arg0, %arg1, %dma_wait3A_51, %dma_wait3A_52] : memref<2x16x200x100xi32, #tpu.memory_space<hbm>> -> memref<1x1x4x100xi32, #tpu.memory_space<hbm>>
    %dma_wait3A_54 = tpu.memref_squeeze %dma_wait3A_53 : memref<1x1x4x100xi32, #tpu.memory_space<hbm>> -> memref<4x100xi32, #tpu.memory_space<hbm>>
    %dma_wait3A_55 = arith.constant 0 : i32
    %dma_wait3A_56 = arith.constant 0 : i32
    %dma_wait3A_57 = tpu.memref_slice %arg7[%dma_wait3A, %dma_wait3A_55, %dma_wait3A_56] : memref<3x4x100xi32, #tpu.memory_space<vmem>> -> memref<1x4x100xi32, #tpu.memory_space<vmem>>
    %dma_wait3A_58 = tpu.memref_squeeze %dma_wait3A_57 : memref<1x4x100xi32, #tpu.memory_space<vmem>> -> memref<4x100xi32, #tpu.memory_space<vmem>>
    %dma_wait3A_59 = arith.constant 0 : i32
    %dma_wait3A_60 = arith.constant 0 : i32
    %dma_wait3A_61 = tpu.memref_slice %arg3[%arg0, %arg1, %dma_wait3A_59, %dma_wait3A_60] : memref<2x16x200x100xi32, #tpu.memory_space<hbm>> -> memref<1x1x4x100xi32, #tpu.memory_space<hbm>>
    %dma_wait3A_62 = tpu.memref_squeeze %dma_wait3A_61 : memref<1x1x4x100xi32, #tpu.memory_space<hbm>> -> memref<4x100xi32, #tpu.memory_space<hbm>>
    tpu.wait_dma2 semaphore(%arg13 : memref<!tpu.dma_semaphore, #tpu.memory_space<semaphore_mem>>) src(%dma_wait3A_62 : memref<4x100xi32, #tpu.memory_space<hbm>>) dst(%dma_wait3A_58 : memref<4x100xi32, #tpu.memory_space<vmem>>)
    %dma_wait3A_63 = arith.constant 0 : i32
    %dma_wait3A_64 = arith.constant 0 : i32
    %dma_wait3A_65 = arith.constant 0 : i32
    %dma_wait3A_66 = tpu.memref_slice %arg8[%dma_wait3A_63, %dma_wait3A_64, %dma_wait3A_65] : memref<3x4x100xi32, #tpu.memory_space<vmem>> -> memref<1x4x100xi32, #tpu.memory_space<vmem>>
    %dma_wait3A_67 = tpu.memref_squeeze %dma_wait3A_66 : memref<1x4x100xi32, #tpu.memory_space<vmem>> -> memref<4x100xi32, #tpu.memory_space<vmem>>
    %dma_wait3A_68 = arith.constant 0 : i32
    %dma_wait3A_69 = arith.constant 0 : i32
    %dma_wait3A_70 = tpu.memref_slice %arg4[%arg1, %dma_wait3A_68, %dma_wait3A_69] : memref<16x200x100xi32, #tpu.memory_space<hbm>> -> memref<1x4x100xi32, #tpu.memory_space<hbm>>
    %dma_wait3A_71 = tpu.memref_squeeze %dma_wait3A_70 : memref<1x4x100xi32, #tpu.memory_space<hbm>> -> memref<4x100xi32, #tpu.memory_space<hbm>>
    %dma_wait3A_72 = arith.constant 0 : i32
    %dma_wait3A_73 = arith.constant 0 : i32
    %dma_wait3A_74 = tpu.memref_slice %arg8[%dma_wait3A_63, %dma_wait3A_72, %dma_wait3A_73] : memref<3x4x100xi32, #tpu.memory_space<vmem>> -> memref<1x4x100xi32, #tpu.memory_space<vmem>>
    %dma_wait3A_75 = tpu.memref_squeeze %dma_wait3A_74 : memref<1x4x100xi32, #tpu.memory_space<vmem>> -> memref<4x100xi32, #tpu.memory_space<vmem>>
    %dma_wait3A_76 = arith.constant 0 : i32
    %dma_wait3A_77 = arith.constant 0 : i32
    %dma_wait3A_78 = tpu.memref_slice %arg4[%arg1, %dma_wait3A_76, %dma_wait3A_77] : memref<16x200x100xi32, #tpu.memory_space<hbm>> -> memref<1x4x100xi32, #tpu.memory_space<hbm>>
    %dma_wait3A_79 = tpu.memref_squeeze %dma_wait3A_78 : memref<1x4x100xi32, #tpu.memory_space<hbm>> -> memref<4x100xi32, #tpu.memory_space<hbm>>
    tpu.wait_dma2 semaphore(%arg13 : memref<!tpu.dma_semaphore, #tpu.memory_space<semaphore_mem>>) src(%dma_wait3A_79 : memref<4x100xi32, #tpu.memory_space<hbm>>) dst(%dma_wait3A_75 : memref<4x100xi32, #tpu.memory_space<vmem>>)
    %dma_start3A_80 = arith.constant 0 : i32
    %dma_start3A_81 = arith.constant 0 : i32
    %dma_start3A_82 = arith.constant 0 : i32
    %dma_start3A_83 = arith.constant 0 : i32
    %dma_start3A_84 = arith.constant 0 : i32
    %dma_start3A_85 = tpu.memref_slice %arg9[%dma_start3A_82, %dma_start3A_83, %dma_start3A_84] : memref<4x100x64xf32, #tpu.memory_space<vmem>> -> memref<1x100x64xf32, #tpu.memory_space<vmem>>
    %dma_start3A_86 = tpu.memref_squeeze %dma_start3A_85 : memref<1x100x64xf32, #tpu.memory_space<vmem>> -> memref<100x64xf32, #tpu.memory_space<vmem>>
    %dma_start3A_87 = arith.constant 0 : i32
    %dma_start3A_88 = tpu.memref_slice %arg7[%dma_start3A_80, %dma_start3A_81, %dma_start3A_87] : memref<3x4x100xi32, #tpu.memory_space<vmem>> -> memref<1x1x100xi32, #tpu.memory_space<vmem>>
    %dma_start3A_89 = tpu.memref_squeeze %dma_start3A_88 : memref<1x1x100xi32, #tpu.memory_space<vmem>> -> memref<100xi32, #tpu.memory_space<vmem>>
    %dma_start3A_90 = arith.constant 0 : i32
    %dma_start3A_91 = arith.constant 0 : i32
    %dma_start3A_92 = tpu.memref_slice %arg2[%dma_start3A_90, %dma_start3A_91] : memref<20000x64xf32, #tpu.memory_space<hbm>> -> memref<20000x64xf32, #tpu.memory_space<hbm>>
    tpu.enqueue_indirect_dma source(%dma_start3A_92 : memref<20000x64xf32, #tpu.memory_space<hbm>>) target(%dma_start3A_86 : memref<100x64xf32, #tpu.memory_space<vmem>>) offsets(%dma_start3A_89 : memref<100xi32, #tpu.memory_space<vmem>>) semaphore(%arg14 : memref<!tpu.dma_semaphore, #tpu.memory_space<semaphore_mem>>)
    %add3A = arith.constant 0 : i32
    %add3A_93 = arith.addi %mul3A_0, %add3A : i32
    %dma_start3A_94 = arith.constant 0 : i32
    %dma_start3A_95 = arith.constant 0 : i32
    %dma_start3A_96 = arith.constant 0 : i32
    %dma_start3A_97 = tpu.memref_slice %arg10[%dma_start3A_94, %dma_start3A_95, %dma_start3A_96] : memref<4x100x64xf32, #tpu.memory_space<vmem>> -> memref<1x100x64xf32, #tpu.memory_space<vmem>>
    %dma_start3A_98 = tpu.memref_squeeze %dma_start3A_97 : memref<1x100x64xf32, #tpu.memory_space<vmem>> -> memref<100x64xf32, #tpu.memory_space<vmem>>
    %dma_start3A_99 = tpu.memref_slice %arg5[%add3A_93, %mul3A_2] : memref<327680x128xf32, #tpu.memory_space<hbm>> -> memref<100x64xf32, #tpu.memory_space<hbm>>
    %dma_start3A_100 = arith.constant 0 : i32
    %dma_start3A_101 = arith.constant 0 : i32
    %dma_start3A_102 = tpu.memref_slice %arg10[%dma_start3A_94, %dma_start3A_100, %dma_start3A_101] : memref<4x100x64xf32, #tpu.memory_space<vmem>> -> memref<1x100x64xf32, #tpu.memory_space<vmem>>
    %dma_start3A_103 = tpu.memref_squeeze %dma_start3A_102 : memref<1x100x64xf32, #tpu.memory_space<vmem>> -> memref<100x64xf32, #tpu.memory_space<vmem>>
    %dma_start3A_104 = tpu.memref_slice %arg5[%add3A_93, %mul3A_2] : memref<327680x128xf32, #tpu.memory_space<hbm>> -> memref<100x64xf32, #tpu.memory_space<hbm>>
    tpu.enqueue_dma source(%dma_start3A_104 : memref<100x64xf32, #tpu.memory_space<hbm>>) target(%dma_start3A_103 : memref<100x64xf32, #tpu.memory_space<vmem>>) target_semaphore(%arg18 : memref<!tpu.dma_semaphore, #tpu.memory_space<semaphore_mem>>)
    %dma_start3A_105 = arith.constant 0 : i32
    %dma_start3A_106 = arith.constant 1 : i32
    %dma_start3A_107 = arith.constant 1 : i32
    %dma_start3A_108 = arith.constant 0 : i32
    %dma_start3A_109 = arith.constant 0 : i32
    %dma_start3A_110 = tpu.memref_slice %arg9[%dma_start3A_107, %dma_start3A_108, %dma_start3A_109] : memref<4x100x64xf32, #tpu.memory_space<vmem>> -> memref<1x100x64xf32, #tpu.memory_space<vmem>>
    %dma_start3A_111 = tpu.memref_squeeze %dma_start3A_110 : memref<1x100x64xf32, #tpu.memory_space<vmem>> -> memref<100x64xf32, #tpu.memory_space<vmem>>
    %dma_start3A_112 = arith.constant 0 : i32
    %dma_start3A_113 = tpu.memref_slice %arg7[%dma_start3A_105, %dma_start3A_106, %dma_start3A_112] : memref<3x4x100xi32, #tpu.memory_space<vmem>> -> memref<1x1x100xi32, #tpu.memory_space<vmem>>
    %dma_start3A_114 = tpu.memref_squeeze %dma_start3A_113 : memref<1x1x100xi32, #tpu.memory_space<vmem>> -> memref<100xi32, #tpu.memory_space<vmem>>
    %dma_start3A_115 = arith.constant 0 : i32
    %dma_start3A_116 = arith.constant 0 : i32
    %dma_start3A_117 = tpu.memref_slice %arg2[%dma_start3A_115, %dma_start3A_116] : memref<20000x64xf32, #tpu.memory_space<hbm>> -> memref<20000x64xf32, #tpu.memory_space<hbm>>
    tpu.enqueue_indirect_dma source(%dma_start3A_117 : memref<20000x64xf32, #tpu.memory_space<hbm>>) target(%dma_start3A_111 : memref<100x64xf32, #tpu.memory_space<vmem>>) offsets(%dma_start3A_114 : memref<100xi32, #tpu.memory_space<vmem>>) semaphore(%arg15 : memref<!tpu.dma_semaphore, #tpu.memory_space<semaphore_mem>>)
    %add3A_118 = arith.constant 100 : i32
    %add3A_119 = arith.addi %mul3A_0, %add3A_118 : i32
    %dma_start3A_120 = arith.constant 1 : i32
    %dma_start3A_121 = arith.constant 0 : i32
    %dma_start3A_122 = arith.constant 0 : i32
    %dma_start3A_123 = tpu.memref_slice %arg10[%dma_start3A_120, %dma_start3A_121, %dma_start3A_122] : memref<4x100x64xf32, #tpu.memory_space<vmem>> -> memref<1x100x64xf32, #tpu.memory_space<vmem>>
    %dma_start3A_124 = tpu.memref_squeeze %dma_start3A_123 : memref<1x100x64xf32, #tpu.memory_space<vmem>> -> memref<100x64xf32, #tpu.memory_space<vmem>>
    %dma_start3A_125 = tpu.memref_slice %arg5[%add3A_119, %mul3A_2] : memref<327680x128xf32, #tpu.memory_space<hbm>> -> memref<100x64xf32, #tpu.memory_space<hbm>>
    %dma_start3A_126 = arith.constant 0 : i32
    %dma_start3A_127 = arith.constant 0 : i32
    %dma_start3A_128 = tpu.memref_slice %arg10[%dma_start3A_120, %dma_start3A_126, %dma_start3A_127] : memref<4x100x64xf32, #tpu.memory_space<vmem>> -> memref<1x100x64xf32, #tpu.memory_space<vmem>>
    %dma_start3A_129 = tpu.memref_squeeze %dma_start3A_128 : memref<1x100x64xf32, #tpu.memory_space<vmem>> -> memref<100x64xf32, #tpu.memory_space<vmem>>
    %dma_start3A_130 = tpu.memref_slice %arg5[%add3A_119, %mul3A_2] : memref<327680x128xf32, #tpu.memory_space<hbm>> -> memref<100x64xf32, #tpu.memory_space<hbm>>
    tpu.enqueue_dma source(%dma_start3A_130 : memref<100x64xf32, #tpu.memory_space<hbm>>) target(%dma_start3A_129 : memref<100x64xf32, #tpu.memory_space<vmem>>) target_semaphore(%arg19 : memref<!tpu.dma_semaphore, #tpu.memory_space<semaphore_mem>>)
    %dma_start3A_131 = arith.constant 0 : i32
    %dma_start3A_132 = arith.constant 2 : i32
    %dma_start3A_133 = arith.constant 2 : i32
    %dma_start3A_134 = arith.constant 0 : i32
    %dma_start3A_135 = arith.constant 0 : i32
    %dma_start3A_136 = tpu.memref_slice %arg9[%dma_start3A_133, %dma_start3A_134, %dma_start3A_135] : memref<4x100x64xf32, #tpu.memory_space<vmem>> -> memref<1x100x64xf32, #tpu.memory_space<vmem>>
    %dma_start3A_137 = tpu.memref_squeeze %dma_start3A_136 : memref<1x100x64xf32, #tpu.memory_space<vmem>> -> memref<100x64xf32, #tpu.memory_space<vmem>>
    %dma_start3A_138 = arith.constant 0 : i32
    %dma_start3A_139 = tpu.memref_slice %arg7[%dma_start3A_131, %dma_start3A_132, %dma_start3A_138] : memref<3x4x100xi32, #tpu.memory_space<vmem>> -> memref<1x1x100xi32, #tpu.memory_space<vmem>>
    %dma_start3A_140 = tpu.memref_squeeze %dma_start3A_139 : memref<1x1x100xi32, #tpu.memory_space<vmem>> -> memref<100xi32, #tpu.memory_space<vmem>>
    %dma_start3A_141 = arith.constant 0 : i32
    %dma_start3A_142 = arith.constant 0 : i32
    %dma_start3A_143 = tpu.memref_slice %arg2[%dma_start3A_141, %dma_start3A_142] : memref<20000x64xf32, #tpu.memory_space<hbm>> -> memref<20000x64xf32, #tpu.memory_space<hbm>>
    tpu.enqueue_indirect_dma source(%dma_start3A_143 : memref<20000x64xf32, #tpu.memory_space<hbm>>) target(%dma_start3A_137 : memref<100x64xf32, #tpu.memory_space<vmem>>) offsets(%dma_start3A_140 : memref<100xi32, #tpu.memory_space<vmem>>) semaphore(%arg16 : memref<!tpu.dma_semaphore, #tpu.memory_space<semaphore_mem>>)
    %add3A_144 = arith.constant 200 : i32
    %add3A_145 = arith.addi %mul3A_0, %add3A_144 : i32
    %dma_start3A_146 = arith.constant 2 : i32
    %dma_start3A_147 = arith.constant 0 : i32
    %dma_start3A_148 = arith.constant 0 : i32
    %dma_start3A_149 = tpu.memref_slice %arg10[%dma_start3A_146, %dma_start3A_147, %dma_start3A_148] : memref<4x100x64xf32, #tpu.memory_space<vmem>> -> memref<1x100x64xf32, #tpu.memory_space<vmem>>
    %dma_start3A_150 = tpu.memref_squeeze %dma_start3A_149 : memref<1x100x64xf32, #tpu.memory_space<vmem>> -> memref<100x64xf32, #tpu.memory_space<vmem>>
    %dma_start3A_151 = tpu.memref_slice %arg5[%add3A_145, %mul3A_2] : memref<327680x128xf32, #tpu.memory_space<hbm>> -> memref<100x64xf32, #tpu.memory_space<hbm>>
    %dma_start3A_152 = arith.constant 0 : i32
    %dma_start3A_153 = arith.constant 0 : i32
    %dma_start3A_154 = tpu.memref_slice %arg10[%dma_start3A_146, %dma_start3A_152, %dma_start3A_153] : memref<4x100x64xf32, #tpu.memory_space<vmem>> -> memref<1x100x64xf32, #tpu.memory_space<vmem>>
    %dma_start3A_155 = tpu.memref_squeeze %dma_start3A_154 : memref<1x100x64xf32, #tpu.memory_space<vmem>> -> memref<100x64xf32, #tpu.memory_space<vmem>>
    %dma_start3A_156 = tpu.memref_slice %arg5[%add3A_145, %mul3A_2] : memref<327680x128xf32, #tpu.memory_space<hbm>> -> memref<100x64xf32, #tpu.memory_space<hbm>>
    tpu.enqueue_dma source(%dma_start3A_156 : memref<100x64xf32, #tpu.memory_space<hbm>>) target(%dma_start3A_155 : memref<100x64xf32, #tpu.memory_space<vmem>>) target_semaphore(%arg20 : memref<!tpu.dma_semaphore, #tpu.memory_space<semaphore_mem>>)
    %dma_start3A_157 = arith.constant 0 : i32
    %dma_start3A_158 = arith.constant 3 : i32
    %dma_start3A_159 = arith.constant 3 : i32
    %dma_start3A_160 = arith.constant 0 : i32
    %dma_start3A_161 = arith.constant 0 : i32
    %dma_start3A_162 = tpu.memref_slice %arg9[%dma_start3A_159, %dma_start3A_160, %dma_start3A_161] : memref<4x100x64xf32, #tpu.memory_space<vmem>> -> memref<1x100x64xf32, #tpu.memory_space<vmem>>
    %dma_start3A_163 = tpu.memref_squeeze %dma_start3A_162 : memref<1x100x64xf32, #tpu.memory_space<vmem>> -> memref<100x64xf32, #tpu.memory_space<vmem>>
    %dma_start3A_164 = arith.constant 0 : i32
    %dma_start3A_165 = tpu.memref_slice %arg7[%dma_start3A_157, %dma_start3A_158, %dma_start3A_164] : memref<3x4x100xi32, #tpu.memory_space<vmem>> -> memref<1x1x100xi32, #tpu.memory_space<vmem>>
    %dma_start3A_166 = tpu.memref_squeeze %dma_start3A_165 : memref<1x1x100xi32, #tpu.memory_space<vmem>> -> memref<100xi32, #tpu.memory_space<vmem>>
    %dma_start3A_167 = arith.constant 0 : i32
    %dma_start3A_168 = arith.constant 0 : i32
    %dma_start3A_169 = tpu.memref_slice %arg2[%dma_start3A_167, %dma_start3A_168] : memref<20000x64xf32, #tpu.memory_space<hbm>> -> memref<20000x64xf32, #tpu.memory_space<hbm>>
    tpu.enqueue_indirect_dma source(%dma_start3A_169 : memref<20000x64xf32, #tpu.memory_space<hbm>>) target(%dma_start3A_163 : memref<100x64xf32, #tpu.memory_space<vmem>>) offsets(%dma_start3A_166 : memref<100xi32, #tpu.memory_space<vmem>>) semaphore(%arg17 : memref<!tpu.dma_semaphore, #tpu.memory_space<semaphore_mem>>)
    %add3A_170 = arith.constant 300 : i32
    %add3A_171 = arith.addi %mul3A_0, %add3A_170 : i32
    %dma_start3A_172 = arith.constant 3 : i32
    %dma_start3A_173 = arith.constant 0 : i32
    %dma_start3A_174 = arith.constant 0 : i32
    %dma_start3A_175 = tpu.memref_slice %arg10[%dma_start3A_172, %dma_start3A_173, %dma_start3A_174] : memref<4x100x64xf32, #tpu.memory_space<vmem>> -> memref<1x100x64xf32, #tpu.memory_space<vmem>>
    %dma_start3A_176 = tpu.memref_squeeze %dma_start3A_175 : memref<1x100x64xf32, #tpu.memory_space<vmem>> -> memref<100x64xf32, #tpu.memory_space<vmem>>
    %dma_start3A_177 = tpu.memref_slice %arg5[%add3A_171, %mul3A_2] : memref<327680x128xf32, #tpu.memory_space<hbm>> -> memref<100x64xf32, #tpu.memory_space<hbm>>
    %dma_start3A_178 = arith.constant 0 : i32
    %dma_start3A_179 = arith.constant 0 : i32
    %dma_start3A_180 = tpu.memref_slice %arg10[%dma_start3A_172, %dma_start3A_178, %dma_start3A_179] : memref<4x100x64xf32, #tpu.memory_space<vmem>> -> memref<1x100x64xf32, #tpu.memory_space<vmem>>
    %dma_start3A_181 = tpu.memref_squeeze %dma_start3A_180 : memref<1x100x64xf32, #tpu.memory_space<vmem>> -> memref<100x64xf32, #tpu.memory_space<vmem>>
    %dma_start3A_182 = tpu.memref_slice %arg5[%add3A_171, %mul3A_2] : memref<327680x128xf32, #tpu.memory_space<hbm>> -> memref<100x64xf32, #tpu.memory_space<hbm>>
    tpu.enqueue_dma source(%dma_start3A_182 : memref<100x64xf32, #tpu.memory_space<hbm>>) target(%dma_start3A_181 : memref<100x64xf32, #tpu.memory_space<vmem>>) target_semaphore(%arg21 : memref<!tpu.dma_semaphore, #tpu.memory_space<semaphore_mem>>)
    %dma_start3A_183 = arith.constant 1 : i32
    %dma_start3A_184 = arith.constant 0 : i32
    %dma_start3A_185 = arith.constant 0 : i32
    %dma_start3A_186 = tpu.memref_slice %arg7[%dma_start3A_183, %dma_start3A_184, %dma_start3A_185] : memref<3x4x100xi32, #tpu.memory_space<vmem>> -> memref<1x4x100xi32, #tpu.memory_space<vmem>>
    %dma_start3A_187 = tpu.memref_squeeze %dma_start3A_186 : memref<1x4x100xi32, #tpu.memory_space<vmem>> -> memref<4x100xi32, #tpu.memory_space<vmem>>
    %dma_start3A_188 = arith.constant 4 : i32
    %dma_start3A_189 = arith.constant 0 : i32
    %dma_start3A_190 = tpu.memref_slice %arg3[%arg0, %arg1, %dma_start3A_188, %dma_start3A_189] : memref<2x16x200x100xi32, #tpu.memory_space<hbm>> -> memref<1x1x4x100xi32, #tpu.memory_space<hbm>>
    %dma_start3A_191 = tpu.memref_squeeze %dma_start3A_190 : memref<1x1x4x100xi32, #tpu.memory_space<hbm>> -> memref<4x100xi32, #tpu.memory_space<hbm>>
    %dma_start3A_192 = arith.constant 0 : i32
    %dma_start3A_193 = arith.constant 0 : i32
    %dma_start3A_194 = tpu.memref_slice %arg7[%dma_start3A_183, %dma_start3A_192, %dma_start3A_193] : memref<3x4x100xi32, #tpu.memory_space<vmem>> -> memref<1x4x100xi32, #tpu.memory_space<vmem>>
    %dma_start3A_195 = tpu.memref_squeeze %dma_start3A_194 : memref<1x4x100xi32, #tpu.memory_space<vmem>> -> memref<4x100xi32, #tpu.memory_space<vmem>>
    %dma_start3A_196 = arith.constant 4 : i32
    %dma_start3A_197 = arith.constant 0 : i32
    %dma_start3A_198 = tpu.memref_slice %arg3[%arg0, %arg1, %dma_start3A_196, %dma_start3A_197] : memref<2x16x200x100xi32, #tpu.memory_space<hbm>> -> memref<1x1x4x100xi32, #tpu.memory_space<hbm>>
    %dma_start3A_199 = tpu.memref_squeeze %dma_start3A_198 : memref<1x1x4x100xi32, #tpu.memory_space<hbm>> -> memref<4x100xi32, #tpu.memory_space<hbm>>
    tpu.enqueue_dma source(%dma_start3A_199 : memref<4x100xi32, #tpu.memory_space<hbm>>) target(%dma_start3A_195 : memref<4x100xi32, #tpu.memory_space<vmem>>) target_semaphore(%arg13 : memref<!tpu.dma_semaphore, #tpu.memory_space<semaphore_mem>>)
    %dma_start3A_200 = arith.constant 1 : i32
    %dma_start3A_201 = arith.constant 0 : i32
    %dma_start3A_202 = arith.constant 0 : i32
    %dma_start3A_203 = tpu.memref_slice %arg8[%dma_start3A_200, %dma_start3A_201, %dma_start3A_202] : memref<3x4x100xi32, #tpu.memory_space<vmem>> -> memref<1x4x100xi32, #tpu.memory_space<vmem>>
    %dma_start3A_204 = tpu.memref_squeeze %dma_start3A_203 : memref<1x4x100xi32, #tpu.memory_space<vmem>> -> memref<4x100xi32, #tpu.memory_space<vmem>>
    %dma_start3A_205 = arith.constant 4 : i32
    %dma_start3A_206 = arith.constant 0 : i32
    %dma_start3A_207 = tpu.memref_slice %arg4[%arg1, %dma_start3A_205, %dma_start3A_206] : memref<16x200x100xi32, #tpu.memory_space<hbm>> -> memref<1x4x100xi32, #tpu.memory_space<hbm>>
    %dma_start3A_208 = tpu.memref_squeeze %dma_start3A_207 : memref<1x4x100xi32, #tpu.memory_space<hbm>> -> memref<4x100xi32, #tpu.memory_space<hbm>>
    %dma_start3A_209 = arith.constant 0 : i32
    %dma_start3A_210 = arith.constant 0 : i32
    %dma_start3A_211 = tpu.memref_slice %arg8[%dma_start3A_200, %dma_start3A_209, %dma_start3A_210] : memref<3x4x100xi32, #tpu.memory_space<vmem>> -> memref<1x4x100xi32, #tpu.memory_space<vmem>>
    %dma_start3A_212 = tpu.memref_squeeze %dma_start3A_211 : memref<1x4x100xi32, #tpu.memory_space<vmem>> -> memref<4x100xi32, #tpu.memory_space<vmem>>
    %dma_start3A_213 = arith.constant 4 : i32
    %dma_start3A_214 = arith.constant 0 : i32
    %dma_start3A_215 = tpu.memref_slice %arg4[%arg1, %dma_start3A_213, %dma_start3A_214] : memref<16x200x100xi32, #tpu.memory_space<hbm>> -> memref<1x4x100xi32, #tpu.memory_space<hbm>>
    %dma_start3A_216 = tpu.memref_squeeze %dma_start3A_215 : memref<1x4x100xi32, #tpu.memory_space<hbm>> -> memref<4x100xi32, #tpu.memory_space<hbm>>
    tpu.enqueue_dma source(%dma_start3A_216 : memref<4x100xi32, #tpu.memory_space<hbm>>) target(%dma_start3A_212 : memref<4x100xi32, #tpu.memory_space<vmem>>) target_semaphore(%arg13 : memref<!tpu.dma_semaphore, #tpu.memory_space<semaphore_mem>>)
    %scan3A_217 = arith.constant 0 : i32
    %scan3A_218 = arith.constant 0 : i32
    %scan3A_219 = arith.constant 50 : i32
    %scan3A_220 = arith.addi %scan3A_218, %scan3A_219 : i32
    %scan3A_221 = arith.constant 1 : i32
    scf.for %scan3A_256 = %scan3A_218 to %scan3A_220 step %scan3A_221  : i32 {
      %rem3A = arith.constant 3 : i32
      %rem3A_257 = arith.remsi %scan3A_256, %rem3A : i32
      %add3A_258 = arith.constant 1 : i32
      %add3A_259 = arith.addi %scan3A_256, %add3A_258 : i32
      %rem3A_260 = arith.constant 3 : i32
      %rem3A_261 = arith.remsi %add3A_259, %rem3A_260 : i32
      %mul3A_262 = arith.constant 4 : i32
      %mul3A_263 = arith.muli %scan3A_256, %mul3A_262 : i32
      %add3A_264 = arith.constant 0 : i32
      %add3A_265 = arith.addi %mul3A_263, %add3A_264 : i32
      %dma_wait3A_266 = arith.constant 0 : i32
      %dma_wait3A_267 = arith.constant 0 : i32
      %dma_wait3A_268 = arith.constant 0 : i32
      %dma_wait3A_269 = arith.constant 0 : i32
      %dma_wait3A_270 = tpu.memref_slice %arg9[%dma_wait3A_267, %dma_wait3A_268, %dma_wait3A_269] : memref<4x100x64xf32, #tpu.memory_space<vmem>> -> memref<1x100x64xf32, #tpu.memory_space<vmem>>
      %dma_wait3A_271 = tpu.memref_squeeze %dma_wait3A_270 : memref<1x100x64xf32, #tpu.memory_space<vmem>> -> memref<100x64xf32, #tpu.memory_space<vmem>>
      %dma_wait3A_272 = arith.constant 0 : i32
      %dma_wait3A_273 = tpu.memref_slice %arg7[%rem3A_257, %dma_wait3A_266, %dma_wait3A_272] : memref<3x4x100xi32, #tpu.memory_space<vmem>> -> memref<1x1x100xi32, #tpu.memory_space<vmem>>
      %dma_wait3A_274 = tpu.memref_squeeze %dma_wait3A_273 : memref<1x1x100xi32, #tpu.memory_space<vmem>> -> memref<100xi32, #tpu.memory_space<vmem>>
      %dma_wait3A_275 = arith.constant 0 : i32
      %dma_wait3A_276 = arith.constant 0 : i32
      %dma_wait3A_277 = tpu.memref_slice %arg2[%dma_wait3A_275, %dma_wait3A_276] : memref<20000x64xf32, #tpu.memory_space<hbm>> -> memref<20000x64xf32, #tpu.memory_space<hbm>>
      tpu.wait_indirect_dma semaphore(%arg14 : memref<!tpu.dma_semaphore, #tpu.memory_space<semaphore_mem>>) src(%dma_wait3A_277 : memref<20000x64xf32, #tpu.memory_space<hbm>>) dst(%dma_wait3A_271 : memref<100x64xf32, #tpu.memory_space<vmem>>)
      %dma_wait3A_278 = arith.constant 0 : i32
      %dma_wait3A_279 = arith.constant 0 : i32
      %dma_wait3A_280 = arith.constant 0 : i32
      %dma_wait3A_281 = tpu.memref_slice %arg10[%dma_wait3A_278, %dma_wait3A_279, %dma_wait3A_280] : memref<4x100x64xf32, #tpu.memory_space<vmem>> -> memref<1x100x64xf32, #tpu.memory_space<vmem>>
      %dma_wait3A_282 = tpu.memref_squeeze %dma_wait3A_281 : memref<1x100x64xf32, #tpu.memory_space<vmem>> -> memref<100x64xf32, #tpu.memory_space<vmem>>
      %dma_wait3A_283 = tpu.memref_slice %arg5[%mul3A_0, %mul3A_2] : memref<327680x128xf32, #tpu.memory_space<hbm>> -> memref<100x64xf32, #tpu.memory_space<hbm>>
      %dma_wait3A_284 = arith.constant 0 : i32
      %dma_wait3A_285 = arith.constant 0 : i32
      %dma_wait3A_286 = tpu.memref_slice %arg10[%dma_wait3A_278, %dma_wait3A_284, %dma_wait3A_285] : memref<4x100x64xf32, #tpu.memory_space<vmem>> -> memref<1x100x64xf32, #tpu.memory_space<vmem>>
      %dma_wait3A_287 = tpu.memref_squeeze %dma_wait3A_286 : memref<1x100x64xf32, #tpu.memory_space<vmem>> -> memref<100x64xf32, #tpu.memory_space<vmem>>
      %dma_wait3A_288 = tpu.memref_slice %arg5[%mul3A_0, %mul3A_2] : memref<327680x128xf32, #tpu.memory_space<hbm>> -> memref<100x64xf32, #tpu.memory_space<hbm>>
      tpu.wait_dma2 semaphore(%arg18 : memref<!tpu.dma_semaphore, #tpu.memory_space<semaphore_mem>>) src(%dma_wait3A_288 : memref<100x64xf32, #tpu.memory_space<hbm>>) dst(%dma_wait3A_287 : memref<100x64xf32, #tpu.memory_space<vmem>>)
      %ge3A = arith.constant 2 : i32
      %ge3A_289 = arith.cmpi sge, %add3A_265, %ge3A : i32
      %convert_element_type3A = arith.extui %ge3A_289 : i1 to i32
      %cond3A = arith.constant 0 : i32
      %cond3A_290 = arith.cmpi ne, %convert_element_type3A, %cond3A : i32
      scf.if %cond3A_290 {
        %dma_wait3A_493 = arith.constant 0 : i32
        %dma_wait3A_494 = arith.constant 0 : i32
        %dma_wait3A_495 = arith.constant 0 : i32
        %dma_wait3A_496 = arith.constant 0 : i32
        %dma_wait3A_497 = tpu.memref_slice %arg11[%dma_wait3A_493, %dma_wait3A_495, %dma_wait3A_496] : memref<2x100x64xf32, #tpu.memory_space<vmem>> -> memref<1x100x64xf32, #tpu.memory_space<vmem>>
        %dma_wait3A_498 = tpu.memref_squeeze %dma_wait3A_497 : memref<1x100x64xf32, #tpu.memory_space<vmem>> -> memref<100x64xf32, #tpu.memory_space<vmem>>
        %dma_wait3A_499 = arith.constant 0 : i32
        %dma_wait3A_500 = tpu.memref_slice %arg8[%rem3A_257, %dma_wait3A_494, %dma_wait3A_499] : memref<3x4x100xi32, #tpu.memory_space<vmem>> -> memref<1x1x100xi32, #tpu.memory_space<vmem>>
        %dma_wait3A_501 = tpu.memref_squeeze %dma_wait3A_500 : memref<1x1x100xi32, #tpu.memory_space<vmem>> -> memref<100xi32, #tpu.memory_space<vmem>>
        %dma_wait3A_502 = arith.constant 0 : i32
        %dma_wait3A_503 = arith.constant 0 : i32
        %dma_wait3A_504 = tpu.memref_slice %arg12[%dma_wait3A_502, %dma_wait3A_503] : memref<10000x64xf32, #tpu.memory_space<vmem_shared>> -> memref<10000x64xf32, #tpu.memory_space<vmem_shared>>
        tpu.wait_indirect_dma semaphore(%arg22 : memref<!tpu.dma_semaphore, #tpu.memory_space<semaphore_mem>>) src(%dma_wait3A_498 : memref<100x64xf32, #tpu.memory_space<vmem>>) dst(%dma_wait3A_504 : memref<10000x64xf32, #tpu.memory_space<vmem_shared>>)
      } else {
      }
      %scan3A_291 = arith.constant 0 : i32
      %scan3A_292 = arith.constant 0 : i32
      %scan3A_293 = arith.constant 50 : i32
      %scan3A_294 = arith.addi %scan3A_292, %scan3A_293 : i32
      %scan3A_295 = arith.constant 1 : i32
      scf.for %scan3A_493 = %scan3A_292 to %scan3A_294 step %scan3A_295  : i32 {
        %mul3A_494 = arith.constant 2 : i32
        %mul3A_495 = arith.muli %scan3A_493, %mul3A_494 : i32
        %add3A_496 = arith.constant 0 : i32
        %add3A_497 = arith.addi %mul3A_495, %add3A_496 : i32
        %get3A = arith.constant 0 : i32
        %get3A_498 = arith.index_cast %get3A : i32 to index
        %get3A_499 = arith.index_cast %add3A_497 : i32 to index
        %get3A_500 = arith.constant 0 : index
        %get3A_501 = tpu.vector_load %arg9[%get3A_498, %get3A_499, %get3A_500] {strides = array<i32>} : memref<4x100x64xf32, #tpu.memory_space<vmem>>, vector<16xf32>,
        %get3A_502 = arith.constant 0 : i32
        %get3A_503 = arith.index_cast %get3A_502 : i32 to index
        %get3A_504 = arith.index_cast %add3A_497 : i32 to index
        %get3A_505 = arith.constant 0 : index
        %get3A_506 = tpu.vector_load %arg10[%get3A_503, %get3A_504, %get3A_505] {strides = array<i32>} : memref<4x100x64xf32, #tpu.memory_space<vmem>>, vector<16xf32>,
        %mul3A_507 = arith.mulf %get3A_501, %get3A_506 : vector<16xf32>
        %swap3A = arith.constant 0 : i32
        %swap3A_508 = arith.index_cast %swap3A : i32 to index
        %swap3A_509 = arith.index_cast %add3A_497 : i32 to index
        %swap3A_510 = arith.constant 0 : index
        %swap3A_511 = tpu.vector_load %arg11[%swap3A_508, %swap3A_509, %swap3A_510] {strides = array<i32>} : memref<2x100x64xf32, #tpu.memory_space<vmem>>, vector<16xf32>,
        tpu.vector_store %arg11[%swap3A_508, %swap3A_509, %swap3A_510], %mul3A_507 {strides = array<i32>} : memref<2x100x64xf32, #tpu.memory_space<vmem>>, vector<16xf32>,
        %get3A_512 = arith.constant 0 : i32
        %get3A_513 = arith.index_cast %get3A_512 : i32 to index
        %get3A_514 = arith.index_cast %add3A_497 : i32 to index
        %get3A_515 = arith.constant 16 : index
        %get3A_516 = tpu.vector_load %arg9[%get3A_513, %get3A_514, %get3A_515] {strides = array<i32>} : memref<4x100x64xf32, #tpu.memory_space<vmem>>, vector<16xf32>,
        %get3A_517 = arith.constant 0 : i32
        %get3A_518 = arith.index_cast %get3A_517 : i32 to index
        %get3A_519 = arith.index_cast %add3A_497 : i32 to index
        %get3A_520 = arith.constant 16 : index
        %get3A_521 = tpu.vector_load %arg10[%get3A_518, %get3A_519, %get3A_520] {strides = array<i32>} : memref<4x100x64xf32, #tpu.memory_space<vmem>>, vector<16xf32>,
        %mul3A_522 = arith.mulf %get3A_516, %get3A_521 : vector<16xf32>
        %swap3A_523 = arith.constant 0 : i32
        %swap3A_524 = arith.index_cast %swap3A_523 : i32 to index
        %swap3A_525 = arith.index_cast %add3A_497 : i32 to index
        %swap3A_526 = arith.constant 16 : index
        %swap3A_527 = tpu.vector_load %arg11[%swap3A_524, %swap3A_525, %swap3A_526] {strides = array<i32>} : memref<2x100x64xf32, #tpu.memory_space<vmem>>, vector<16xf32>,
        tpu.vector_store %arg11[%swap3A_524, %swap3A_525, %swap3A_526], %mul3A_522 {strides = array<i32>} : memref<2x100x64xf32, #tpu.memory_space<vmem>>, vector<16xf32>,
        %get3A_528 = arith.constant 0 : i32
        %get3A_529 = arith.index_cast %get3A_528 : i32 to index
        %get3A_530 = arith.index_cast %add3A_497 : i32 to index
        %get3A_531 = arith.constant 32 : index
        %get3A_532 = tpu.vector_load %arg9[%get3A_529, %get3A_530, %get3A_531] {strides = array<i32>} : memref<4x100x64xf32, #tpu.memory_space<vmem>>, vector<16xf32>,
        %get3A_533 = arith.constant 0 : i32
        %get3A_534 = arith.index_cast %get3A_533 : i32 to index
        %get3A_535 = arith.index_cast %add3A_497 : i32 to index
        %get3A_536 = arith.constant 32 : index
        %get3A_537 = tpu.vector_load %arg10[%get3A_534, %get3A_535, %get3A_536] {strides = array<i32>} : memref<4x100x64xf32, #tpu.memory_space<vmem>>, vector<16xf32>,
        %mul3A_538 = arith.mulf %get3A_532, %get3A_537 : vector<16xf32>
        %swap3A_539 = arith.constant 0 : i32
        %swap3A_540 = arith.index_cast %swap3A_539 : i32 to index
        %swap3A_541 = arith.index_cast %add3A_497 : i32 to index
        %swap3A_542 = arith.constant 32 : index
        %swap3A_543 = tpu.vector_load %arg11[%swap3A_540, %swap3A_541, %swap3A_542] {strides = array<i32>} : memref<2x100x64xf32, #tpu.memory_space<vmem>>, vector<16xf32>,
        tpu.vector_store %arg11[%swap3A_540, %swap3A_541, %swap3A_542], %mul3A_538 {strides = array<i32>} : memref<2x100x64xf32, #tpu.memory_space<vmem>>, vector<16xf32>,
        %get3A_544 = arith.constant 0 : i32
        %get3A_545 = arith.index_cast %get3A_544 : i32 to index
        %get3A_546 = arith.index_cast %add3A_497 : i32 to index
        %get3A_547 = arith.constant 48 : index
        %get3A_548 = tpu.vector_load %arg9[%get3A_545, %get3A_546, %get3A_547] {strides = array<i32>} : memref<4x100x64xf32, #tpu.memory_space<vmem>>, vector<16xf32>,
        %get3A_549 = arith.constant 0 : i32
        %get3A_550 = arith.index_cast %get3A_549 : i32 to index
        %get3A_551 = arith.index_cast %add3A_497 : i32 to index
        %get3A_552 = arith.constant 48 : index
        %get3A_553 = tpu.vector_load %arg10[%get3A_550, %get3A_551, %get3A_552] {strides = array<i32>} : memref<4x100x64xf32, #tpu.memory_space<vmem>>, vector<16xf32>,
        %mul3A_554 = arith.mulf %get3A_548, %get3A_553 : vector<16xf32>
        %swap3A_555 = arith.constant 0 : i32
        %swap3A_556 = arith.index_cast %swap3A_555 : i32 to index
        %swap3A_557 = arith.index_cast %add3A_497 : i32 to index
        %swap3A_558 = arith.constant 48 : index
        %swap3A_559 = tpu.vector_load %arg11[%swap3A_556, %swap3A_557, %swap3A_558] {strides = array<i32>} : memref<2x100x64xf32, #tpu.memory_space<vmem>>, vector<16xf32>,
        tpu.vector_store %arg11[%swap3A_556, %swap3A_557, %swap3A_558], %mul3A_554 {strides = array<i32>} : memref<2x100x64xf32, #tpu.memory_space<vmem>>, vector<16xf32>,
        %mul3A_560 = arith.constant 2 : i32
        %mul3A_561 = arith.muli %scan3A_493, %mul3A_560 : i32
        %add3A_562 = arith.constant 1 : i32
        %add3A_563 = arith.addi %mul3A_561, %add3A_562 : i32
        %get3A_564 = arith.constant 0 : i32
        %get3A_565 = arith.index_cast %get3A_564 : i32 to index
        %get3A_566 = arith.index_cast %add3A_563 : i32 to index
        %get3A_567 = arith.constant 0 : index
        %get3A_568 = tpu.vector_load %arg9[%get3A_565, %get3A_566, %get3A_567] {strides = array<i32>} : memref<4x100x64xf32, #tpu.memory_space<vmem>>, vector<16xf32>,
        %get3A_569 = arith.constant 0 : i32
        %get3A_570 = arith.index_cast %get3A_569 : i32 to index
        %get3A_571 = arith.index_cast %add3A_563 : i32 to index
        %get3A_572 = arith.constant 0 : index
        %get3A_573 = tpu.vector_load %arg10[%get3A_570, %get3A_571, %get3A_572] {strides = array<i32>} : memref<4x100x64xf32, #tpu.memory_space<vmem>>, vector<16xf32>,
        %mul3A_574 = arith.mulf %get3A_568, %get3A_573 : vector<16xf32>
        %swap3A_575 = arith.constant 0 : i32
        %swap3A_576 = arith.index_cast %swap3A_575 : i32 to index
        %swap3A_577 = arith.index_cast %add3A_563 : i32 to index
        %swap3A_578 = arith.constant 0 : index
        %swap3A_579 = tpu.vector_load %arg11[%swap3A_576, %swap3A_577, %swap3A_578] {strides = array<i32>} : memref<2x100x64xf32, #tpu.memory_space<vmem>>, vector<16xf32>,
        tpu.vector_store %arg11[%swap3A_576, %swap3A_577, %swap3A_578], %mul3A_574 {strides = array<i32>} : memref<2x100x64xf32, #tpu.memory_space<vmem>>, vector<16xf32>,
        %get3A_580 = arith.constant 0 : i32
        %get3A_581 = arith.index_cast %get3A_580 : i32 to index
        %get3A_582 = arith.index_cast %add3A_563 : i32 to index
        %get3A_583 = arith.constant 16 : index
        %get3A_584 = tpu.vector_load %arg9[%get3A_581, %get3A_582, %get3A_583] {strides = array<i32>} : memref<4x100x64xf32, #tpu.memory_space<vmem>>, vector<16xf32>,
        %get3A_585 = arith.constant 0 : i32
        %get3A_586 = arith.index_cast %get3A_585 : i32 to index
        %get3A_587 = arith.index_cast %add3A_563 : i32 to index
        %get3A_588 = arith.constant 16 : index
        %get3A_589 = tpu.vector_load %arg10[%get3A_586, %get3A_587, %get3A_588] {strides = array<i32>} : memref<4x100x64xf32, #tpu.memory_space<vmem>>, vector<16xf32>,
        %mul3A_590 = arith.mulf %get3A_584, %get3A_589 : vector<16xf32>
        %swap3A_591 = arith.constant 0 : i32
        %swap3A_592 = arith.index_cast %swap3A_591 : i32 to index
        %swap3A_593 = arith.index_cast %add3A_563 : i32 to index
        %swap3A_594 = arith.constant 16 : index
        %swap3A_595 = tpu.vector_load %arg11[%swap3A_592, %swap3A_593, %swap3A_594] {strides = array<i32>} : memref<2x100x64xf32, #tpu.memory_space<vmem>>, vector<16xf32>,
        tpu.vector_store %arg11[%swap3A_592, %swap3A_593, %swap3A_594], %mul3A_590 {strides = array<i32>} : memref<2x100x64xf32, #tpu.memory_space<vmem>>, vector<16xf32>,
        %get3A_596 = arith.constant 0 : i32
        %get3A_597 = arith.index_cast %get3A_596 : i32 to index
        %get3A_598 = arith.index_cast %add3A_563 : i32 to index
        %get3A_599 = arith.constant 32 : index
        %get3A_600 = tpu.vector_load %arg9[%get3A_597, %get3A_598, %get3A_599] {strides = array<i32>} : memref<4x100x64xf32, #tpu.memory_space<vmem>>, vector<16xf32>,
        %get3A_601 = arith.constant 0 : i32
        %get3A_602 = arith.index_cast %get3A_601 : i32 to index
        %get3A_603 = arith.index_cast %add3A_563 : i32 to index
        %get3A_604 = arith.constant 32 : index
        %get3A_605 = tpu.vector_load %arg10[%get3A_602, %get3A_603, %get3A_604] {strides = array<i32>} : memref<4x100x64xf32, #tpu.memory_space<vmem>>, vector<16xf32>,
        %mul3A_606 = arith.mulf %get3A_600, %get3A_605 : vector<16xf32>
        %swap3A_607 = arith.constant 0 : i32
        %swap3A_608 = arith.index_cast %swap3A_607 : i32 to index
        %swap3A_609 = arith.index_cast %add3A_563 : i32 to index
        %swap3A_610 = arith.constant 32 : index
        %swap3A_611 = tpu.vector_load %arg11[%swap3A_608, %swap3A_609, %swap3A_610] {strides = array<i32>} : memref<2x100x64xf32, #tpu.memory_space<vmem>>, vector<16xf32>,
        tpu.vector_store %arg11[%swap3A_608, %swap3A_609, %swap3A_610], %mul3A_606 {strides = array<i32>} : memref<2x100x64xf32, #tpu.memory_space<vmem>>, vector<16xf32>,
        %get3A_612 = arith.constant 0 : i32
        %get3A_613 = arith.index_cast %get3A_612 : i32 to index
        %get3A_614 = arith.index_cast %add3A_563 : i32 to index
        %get3A_615 = arith.constant 48 : index
        %get3A_616 = tpu.vector_load %arg9[%get3A_613, %get3A_614, %get3A_615] {strides = array<i32>} : memref<4x100x64xf32, #tpu.memory_space<vmem>>, vector<16xf32>,
        %get3A_617 = arith.constant 0 : i32
        %get3A_618 = arith.index_cast %get3A_617 : i32 to index
        %get3A_619 = arith.index_cast %add3A_563 : i32 to index
        %get3A_620 = arith.constant 48 : index
        %get3A_621 = tpu.vector_load %arg10[%get3A_618, %get3A_619, %get3A_620] {strides = array<i32>} : memref<4x100x64xf32, #tpu.memory_space<vmem>>, vector<16xf32>,
        %mul3A_622 = arith.mulf %get3A_616, %get3A_621 : vector<16xf32>
        %swap3A_623 = arith.constant 0 : i32
        %swap3A_624 = arith.index_cast %swap3A_623 : i32 to index
        %swap3A_625 = arith.index_cast %add3A_563 : i32 to index
        %swap3A_626 = arith.constant 48 : index
        %swap3A_627 = tpu.vector_load %arg11[%swap3A_624, %swap3A_625, %swap3A_626] {strides = array<i32>} : memref<2x100x64xf32, #tpu.memory_space<vmem>>, vector<16xf32>,
        tpu.vector_store %arg11[%swap3A_624, %swap3A_625, %swap3A_626], %mul3A_622 {strides = array<i32>} : memref<2x100x64xf32, #tpu.memory_space<vmem>>, vector<16xf32>,
      }
      %scan3A_296 = arith.constant 50 : i32
      %dma_start3A_297 = arith.constant 0 : i32
      %dma_start3A_298 = arith.constant 0 : i32
      %dma_start3A_299 = arith.constant 0 : i32
      %dma_start3A_300 = arith.constant 0 : i32
      %dma_start3A_301 = tpu.memref_slice %arg11[%dma_start3A_297, %dma_start3A_299, %dma_start3A_300] : memref<2x100x64xf32, #tpu.memory_space<vmem>> -> memref<1x100x64xf32, #tpu.memory_space<vmem>>
      %dma_start3A_302 = tpu.memref_squeeze %dma_start3A_301 : memref<1x100x64xf32, #tpu.memory_space<vmem>> -> memref<100x64xf32, #tpu.memory_space<vmem>>
      %dma_start3A_303 = arith.constant 0 : i32
      %dma_start3A_304 = tpu.memref_slice %arg8[%rem3A_257, %dma_start3A_298, %dma_start3A_303] : memref<3x4x100xi32, #tpu.memory_space<vmem>> -> memref<1x1x100xi32, #tpu.memory_space<vmem>>
      %dma_start3A_305 = tpu.memref_squeeze %dma_start3A_304 : memref<1x1x100xi32, #tpu.memory_space<vmem>> -> memref<100xi32, #tpu.memory_space<vmem>>
      %dma_start3A_306 = arith.constant 0 : i32
      %dma_start3A_307 = arith.constant 0 : i32
      %dma_start3A_308 = tpu.memref_slice %arg12[%dma_start3A_306, %dma_start3A_307] : memref<10000x64xf32, #tpu.memory_space<vmem_shared>> -> memref<10000x64xf32, #tpu.memory_space<vmem_shared>>
      tpu.enqueue_indirect_dma source(%dma_start3A_302 : memref<100x64xf32, #tpu.memory_space<vmem>>) target(%dma_start3A_308 : memref<10000x64xf32, #tpu.memory_space<vmem_shared>>) offsets(%dma_start3A_305 : memref<100xi32, #tpu.memory_space<vmem>>) semaphore(%arg22 : memref<!tpu.dma_semaphore, #tpu.memory_space<semaphore_mem>>) {add = true}
      %add3A_309 = arith.constant 1 : i32
      %add3A_310 = arith.addi %scan3A_256, %add3A_309 : i32
      %lt3A = arith.constant 50 : i32
      %lt3A_311 = arith.cmpi slt, %add3A_310, %lt3A : i32
      %convert_element_type3A_312 = arith.extui %lt3A_311 : i1 to i32
      %cond3A_313 = arith.constant 0 : i32
      %cond3A_314 = arith.cmpi ne, %convert_element_type3A_312, %cond3A_313 : i32
      scf.if %cond3A_314 {
        %dma_wait3A_493 = arith.constant 0 : i32
        %dma_wait3A_494 = arith.constant 0 : i32
        %dma_wait3A_495 = arith.constant 0 : i32
        %dma_wait3A_496 = tpu.memref_slice %arg7[%dma_wait3A_493, %dma_wait3A_494, %dma_wait3A_495] : memref<3x4x100xi32, #tpu.memory_space<vmem>> -> memref<1x4x100xi32, #tpu.memory_space<vmem>>
        %dma_wait3A_497 = tpu.memref_squeeze %dma_wait3A_496 : memref<1x4x100xi32, #tpu.memory_space<vmem>> -> memref<4x100xi32, #tpu.memory_space<vmem>>
        %dma_wait3A_498 = arith.constant 0 : i32
        %dma_wait3A_499 = arith.constant 0 : i32
        %dma_wait3A_500 = tpu.memref_slice %arg3[%arg0, %arg1, %dma_wait3A_498, %dma_wait3A_499] : memref<2x16x200x100xi32, #tpu.memory_space<hbm>> -> memref<1x1x4x100xi32, #tpu.memory_space<hbm>>
        %dma_wait3A_501 = tpu.memref_squeeze %dma_wait3A_500 : memref<1x1x4x100xi32, #tpu.memory_space<hbm>> -> memref<4x100xi32, #tpu.memory_space<hbm>>
        %dma_wait3A_502 = arith.constant 0 : i32
        %dma_wait3A_503 = arith.constant 0 : i32
        %dma_wait3A_504 = tpu.memref_slice %arg7[%dma_wait3A_493, %dma_wait3A_502, %dma_wait3A_503] : memref<3x4x100xi32, #tpu.memory_space<vmem>> -> memref<1x4x100xi32, #tpu.memory_space<vmem>>
        %dma_wait3A_505 = tpu.memref_squeeze %dma_wait3A_504 : memref<1x4x100xi32, #tpu.memory_space<vmem>> -> memref<4x100xi32, #tpu.memory_space<vmem>>
        %dma_wait3A_506 = arith.constant 0 : i32
        %dma_wait3A_507 = arith.constant 0 : i32
        %dma_wait3A_508 = tpu.memref_slice %arg3[%arg0, %arg1, %dma_wait3A_506, %dma_wait3A_507] : memref<2x16x200x100xi32, #tpu.memory_space<hbm>> -> memref<1x1x4x100xi32, #tpu.memory_space<hbm>>
        %dma_wait3A_509 = tpu.memref_squeeze %dma_wait3A_508 : memref<1x1x4x100xi32, #tpu.memory_space<hbm>> -> memref<4x100xi32, #tpu.memory_space<hbm>>
        tpu.wait_dma2 semaphore(%arg13 : memref<!tpu.dma_semaphore, #tpu.memory_space<semaphore_mem>>) src(%dma_wait3A_509 : memref<4x100xi32, #tpu.memory_space<hbm>>) dst(%dma_wait3A_505 : memref<4x100xi32, #tpu.memory_space<vmem>>)
        %dma_wait3A_510 = arith.constant 0 : i32
        %dma_wait3A_511 = arith.constant 0 : i32
        %dma_wait3A_512 = arith.constant 0 : i32
        %dma_wait3A_513 = tpu.memref_slice %arg8[%dma_wait3A_510, %dma_wait3A_511, %dma_wait3A_512] : memref<3x4x100xi32, #tpu.memory_space<vmem>> -> memref<1x4x100xi32, #tpu.memory_space<vmem>>
        %dma_wait3A_514 = tpu.memref_squeeze %dma_wait3A_513 : memref<1x4x100xi32, #tpu.memory_space<vmem>> -> memref<4x100xi32, #tpu.memory_space<vmem>>
        %dma_wait3A_515 = arith.constant 0 : i32
        %dma_wait3A_516 = arith.constant 0 : i32
        %dma_wait3A_517 = tpu.memref_slice %arg4[%arg1, %dma_wait3A_515, %dma_wait3A_516] : memref<16x200x100xi32, #tpu.memory_space<hbm>> -> memref<1x4x100xi32, #tpu.memory_space<hbm>>
        %dma_wait3A_518 = tpu.memref_squeeze %dma_wait3A_517 : memref<1x4x100xi32, #tpu.memory_space<hbm>> -> memref<4x100xi32, #tpu.memory_space<hbm>>
        %dma_wait3A_519 = arith.constant 0 : i32
        %dma_wait3A_520 = arith.constant 0 : i32
        %dma_wait3A_521 = tpu.memref_slice %arg8[%dma_wait3A_510, %dma_wait3A_519, %dma_wait3A_520] : memref<3x4x100xi32, #tpu.memory_space<vmem>> -> memref<1x4x100xi32, #tpu.memory_space<vmem>>
        %dma_wait3A_522 = tpu.memref_squeeze %dma_wait3A_521 : memref<1x4x100xi32, #tpu.memory_space<vmem>> -> memref<4x100xi32, #tpu.memory_space<vmem>>
        %dma_wait3A_523 = arith.constant 0 : i32
        %dma_wait3A_524 = arith.constant 0 : i32
        %dma_wait3A_525 = tpu.memref_slice %arg4[%arg1, %dma_wait3A_523, %dma_wait3A_524] : memref<16x200x100xi32, #tpu.memory_space<hbm>> -> memref<1x4x100xi32, #tpu.memory_space<hbm>>
        %dma_wait3A_526 = tpu.memref_squeeze %dma_wait3A_525 : memref<1x4x100xi32, #tpu.memory_space<hbm>> -> memref<4x100xi32, #tpu.memory_space<hbm>>
        tpu.wait_dma2 semaphore(%arg13 : memref<!tpu.dma_semaphore, #tpu.memory_space<semaphore_mem>>) src(%dma_wait3A_526 : memref<4x100xi32, #tpu.memory_space<hbm>>) dst(%dma_wait3A_522 : memref<4x100xi32, #tpu.memory_space<vmem>>)
        %add3A_527 = arith.constant 4 : i32
        %add3A_528 = arith.addi %add3A_265, %add3A_527 : i32
        %dma_start3A_529 = arith.constant 0 : i32
        %dma_start3A_530 = arith.constant 0 : i32
        %dma_start3A_531 = arith.constant 0 : i32
        %dma_start3A_532 = arith.constant 0 : i32
        %dma_start3A_533 = tpu.memref_slice %arg9[%dma_start3A_530, %dma_start3A_531, %dma_start3A_532] : memref<4x100x64xf32, #tpu.memory_space<vmem>> -> memref<1x100x64xf32, #tpu.memory_space<vmem>>
        %dma_start3A_534 = tpu.memref_squeeze %dma_start3A_533 : memref<1x100x64xf32, #tpu.memory_space<vmem>> -> memref<100x64xf32, #tpu.memory_space<vmem>>
        %dma_start3A_535 = arith.constant 0 : i32
        %dma_start3A_536 = tpu.memref_slice %arg7[%rem3A_261, %dma_start3A_529, %dma_start3A_535] : memref<3x4x100xi32, #tpu.memory_space<vmem>> -> memref<1x1x100xi32, #tpu.memory_space<vmem>>
        %dma_start3A_537 = tpu.memref_squeeze %dma_start3A_536 : memref<1x1x100xi32, #tpu.memory_space<vmem>> -> memref<100xi32, #tpu.memory_space<vmem>>
        %dma_start3A_538 = arith.constant 0 : i32
        %dma_start3A_539 = arith.constant 0 : i32
        %dma_start3A_540 = tpu.memref_slice %arg2[%dma_start3A_538, %dma_start3A_539] : memref<20000x64xf32, #tpu.memory_space<hbm>> -> memref<20000x64xf32, #tpu.memory_space<hbm>>
        tpu.enqueue_indirect_dma source(%dma_start3A_540 : memref<20000x64xf32, #tpu.memory_space<hbm>>) target(%dma_start3A_534 : memref<100x64xf32, #tpu.memory_space<vmem>>) offsets(%dma_start3A_537 : memref<100xi32, #tpu.memory_space<vmem>>) semaphore(%arg14 : memref<!tpu.dma_semaphore, #tpu.memory_space<semaphore_mem>>)
        %mul3A_541 = arith.constant 100 : i32
        %mul3A_542 = arith.muli %add3A_528, %mul3A_541 : i32
        %add3A_543 = arith.addi %mul3A_0, %mul3A_542 : i32
        %dma_start3A_544 = arith.constant 0 : i32
        %dma_start3A_545 = arith.constant 0 : i32
        %dma_start3A_546 = arith.constant 0 : i32
        %dma_start3A_547 = tpu.memref_slice %arg10[%dma_start3A_544, %dma_start3A_545, %dma_start3A_546] : memref<4x100x64xf32, #tpu.memory_space<vmem>> -> memref<1x100x64xf32, #tpu.memory_space<vmem>>
        %dma_start3A_548 = tpu.memref_squeeze %dma_start3A_547 : memref<1x100x64xf32, #tpu.memory_space<vmem>> -> memref<100x64xf32, #tpu.memory_space<vmem>>
        %dma_start3A_549 = tpu.memref_slice %arg5[%add3A_543, %mul3A_2] : memref<327680x128xf32, #tpu.memory_space<hbm>> -> memref<100x64xf32, #tpu.memory_space<hbm>>
        %dma_start3A_550 = arith.constant 0 : i32
        %dma_start3A_551 = arith.constant 0 : i32
        %dma_start3A_552 = tpu.memref_slice %arg10[%dma_start3A_544, %dma_start3A_550, %dma_start3A_551] : memref<4x100x64xf32, #tpu.memory_space<vmem>> -> memref<1x100x64xf32, #tpu.memory_space<vmem>>
        %dma_start3A_553 = tpu.memref_squeeze %dma_start3A_552 : memref<1x100x64xf32, #tpu.memory_space<vmem>> -> memref<100x64xf32, #tpu.memory_space<vmem>>
        %dma_start3A_554 = tpu.memref_slice %arg5[%add3A_543, %mul3A_2] : memref<327680x128xf32, #tpu.memory_space<hbm>> -> memref<100x64xf32, #tpu.memory_space<hbm>>
        tpu.enqueue_dma source(%dma_start3A_554 : memref<100x64xf32, #tpu.memory_space<hbm>>) target(%dma_start3A_553 : memref<100x64xf32, #tpu.memory_space<vmem>>) target_semaphore(%arg18 : memref<!tpu.dma_semaphore, #tpu.memory_space<semaphore_mem>>)
      } else {
      }
      %mul3A_315 = arith.constant 4 : i32
      %mul3A_316 = arith.muli %scan3A_256, %mul3A_315 : i32
      %add3A_317 = arith.constant 1 : i32
      %add3A_318 = arith.addi %mul3A_316, %add3A_317 : i32
      %dma_wait3A_319 = arith.constant 1 : i32
      %dma_wait3A_320 = arith.constant 1 : i32
      %dma_wait3A_321 = arith.constant 0 : i32
      %dma_wait3A_322 = arith.constant 0 : i32
      %dma_wait3A_323 = tpu.memref_slice %arg9[%dma_wait3A_320, %dma_wait3A_321, %dma_wait3A_322] : memref<4x100x64xf32, #tpu.memory_space<vmem>> -> memref<1x100x64xf32, #tpu.memory_space<vmem>>
      %dma_wait3A_324 = tpu.memref_squeeze %dma_wait3A_323 : memref<1x100x64xf32, #tpu.memory_space<vmem>> -> memref<100x64xf32, #tpu.memory_space<vmem>>
      %dma_wait3A_325 = arith.constant 0 : i32
      %dma_wait3A_326 = tpu.memref_slice %arg7[%rem3A_257, %dma_wait3A_319, %dma_wait3A_325] : memref<3x4x100xi32, #tpu.memory_space<vmem>> -> memref<1x1x100xi32, #tpu.memory_space<vmem>>
      %dma_wait3A_327 = tpu.memref_squeeze %dma_wait3A_326 : memref<1x1x100xi32, #tpu.memory_space<vmem>> -> memref<100xi32, #tpu.memory_space<vmem>>
      %dma_wait3A_328 = arith.constant 0 : i32
      %dma_wait3A_329 = arith.constant 0 : i32
      %dma_wait3A_330 = tpu.memref_slice %arg2[%dma_wait3A_328, %dma_wait3A_329] : memref<20000x64xf32, #tpu.memory_space<hbm>> -> memref<20000x64xf32, #tpu.memory_space<hbm>>
      tpu.wait_indirect_dma semaphore(%arg15 : memref<!tpu.dma_semaphore, #tpu.memory_space<semaphore_mem>>) src(%dma_wait3A_330 : memref<20000x64xf32, #tpu.memory_space<hbm>>) dst(%dma_wait3A_324 : memref<100x64xf32, #tpu.memory_space<vmem>>)
      %dma_wait3A_331 = arith.constant 1 : i32
      %dma_wait3A_332 = arith.constant 0 : i32
      %dma_wait3A_333 = arith.constant 0 : i32
      %dma_wait3A_334 = tpu.memref_slice %arg10[%dma_wait3A_331, %dma_wait3A_332, %dma_wait3A_333] : memref<4x100x64xf32, #tpu.memory_space<vmem>> -> memref<1x100x64xf32, #tpu.memory_space<vmem>>
      %dma_wait3A_335 = tpu.memref_squeeze %dma_wait3A_334 : memref<1x100x64xf32, #tpu.memory_space<vmem>> -> memref<100x64xf32, #tpu.memory_space<vmem>>
      %dma_wait3A_336 = tpu.memref_slice %arg5[%mul3A_0, %mul3A_2] : memref<327680x128xf32, #tpu.memory_space<hbm>> -> memref<100x64xf32, #tpu.memory_space<hbm>>
      %dma_wait3A_337 = arith.constant 0 : i32
      %dma_wait3A_338 = arith.constant 0 : i32
      %dma_wait3A_339 = tpu.memref_slice %arg10[%dma_wait3A_331, %dma_wait3A_337, %dma_wait3A_338] : memref<4x100x64xf32, #tpu.memory_space<vmem>> -> memref<1x100x64xf32, #tpu.memory_space<vmem>>
      %dma_wait3A_340 = tpu.memref_squeeze %dma_wait3A_339 : memref<1x100x64xf32, #tpu.memory_space<vmem>> -> memref<100x64xf32, #tpu.memory_space<vmem>>
      %dma_wait3A_341 = tpu.memref_slice %arg5[%mul3A_0, %mul3A_2] : memref<327680x128xf32, #tpu.memory_space<hbm>> -> memref<100x64xf32, #tpu.memory_space<hbm>>
      tpu.wait_dma2 semaphore(%arg19 : memref<!tpu.dma_semaphore, #tpu.memory_space<semaphore_mem>>) src(%dma_wait3A_341 : memref<100x64xf32, #tpu.memory_space<hbm>>) dst(%dma_wait3A_340 : memref<100x64xf32, #tpu.memory_space<vmem>>)
      %ge3A_342 = arith.constant 2 : i32
      %ge3A_343 = arith.cmpi sge, %add3A_318, %ge3A_342 : i32
      %convert_element_type3A_344 = arith.extui %ge3A_343 : i1 to i32
      %cond3A_345 = arith.constant 0 : i32
      %cond3A_346 = arith.cmpi ne, %convert_element_type3A_344, %cond3A_345 : i32
      scf.if %cond3A_346 {
        %dma_wait3A_493 = arith.constant 1 : i32
        %dma_wait3A_494 = arith.constant 1 : i32
        %dma_wait3A_495 = arith.constant 0 : i32
        %dma_wait3A_496 = arith.constant 0 : i32
        %dma_wait3A_497 = tpu.memref_slice %arg11[%dma_wait3A_493, %dma_wait3A_495, %dma_wait3A_496] : memref<2x100x64xf32, #tpu.memory_space<vmem>> -> memref<1x100x64xf32, #tpu.memory_space<vmem>>
        %dma_wait3A_498 = tpu.memref_squeeze %dma_wait3A_497 : memref<1x100x64xf32, #tpu.memory_space<vmem>> -> memref<100x64xf32, #tpu.memory_space<vmem>>
        %dma_wait3A_499 = arith.constant 0 : i32
        %dma_wait3A_500 = tpu.memref_slice %arg8[%rem3A_257, %dma_wait3A_494, %dma_wait3A_499] : memref<3x4x100xi32, #tpu.memory_space<vmem>> -> memref<1x1x100xi32, #tpu.memory_space<vmem>>
        %dma_wait3A_501 = tpu.memref_squeeze %dma_wait3A_500 : memref<1x1x100xi32, #tpu.memory_space<vmem>> -> memref<100xi32, #tpu.memory_space<vmem>>
        %dma_wait3A_502 = arith.constant 0 : i32
        %dma_wait3A_503 = arith.constant 0 : i32
        %dma_wait3A_504 = tpu.memref_slice %arg12[%dma_wait3A_502, %dma_wait3A_503] : memref<10000x64xf32, #tpu.memory_space<vmem_shared>> -> memref<10000x64xf32, #tpu.memory_space<vmem_shared>>
        tpu.wait_indirect_dma semaphore(%arg23 : memref<!tpu.dma_semaphore, #tpu.memory_space<semaphore_mem>>) src(%dma_wait3A_498 : memref<100x64xf32, #tpu.memory_space<vmem>>) dst(%dma_wait3A_504 : memref<10000x64xf32, #tpu.memory_space<vmem_shared>>)
      } else {
      }
      %scan3A_347 = arith.constant 0 : i32
      %scan3A_348 = arith.constant 0 : i32
      %scan3A_349 = arith.constant 50 : i32
      %scan3A_350 = arith.addi %scan3A_348, %scan3A_349 : i32
      %scan3A_351 = arith.constant 1 : i32
      scf.for %scan3A_493 = %scan3A_348 to %scan3A_350 step %scan3A_351  : i32 {
        %mul3A_494 = arith.constant 2 : i32
        %mul3A_495 = arith.muli %scan3A_493, %mul3A_494 : i32
        %add3A_496 = arith.constant 0 : i32
        %add3A_497 = arith.addi %mul3A_495, %add3A_496 : i32
        %get3A = arith.constant 1 : i32
        %get3A_498 = arith.index_cast %get3A : i32 to index
        %get3A_499 = arith.index_cast %add3A_497 : i32 to index
        %get3A_500 = arith.constant 0 : index
        %get3A_501 = tpu.vector_load %arg9[%get3A_498, %get3A_499, %get3A_500] {strides = array<i32>} : memref<4x100x64xf32, #tpu.memory_space<vmem>>, vector<16xf32>,
        %get3A_502 = arith.constant 1 : i32
        %get3A_503 = arith.index_cast %get3A_502 : i32 to index
        %get3A_504 = arith.index_cast %add3A_497 : i32 to index
        %get3A_505 = arith.constant 0 : index
        %get3A_506 = tpu.vector_load %arg10[%get3A_503, %get3A_504, %get3A_505] {strides = array<i32>} : memref<4x100x64xf32, #tpu.memory_space<vmem>>, vector<16xf32>,
        %mul3A_507 = arith.mulf %get3A_501, %get3A_506 : vector<16xf32>
        %swap3A = arith.constant 1 : i32
        %swap3A_508 = arith.index_cast %swap3A : i32 to index
        %swap3A_509 = arith.index_cast %add3A_497 : i32 to index
        %swap3A_510 = arith.constant 0 : index
        %swap3A_511 = tpu.vector_load %arg11[%swap3A_508, %swap3A_509, %swap3A_510] {strides = array<i32>} : memref<2x100x64xf32, #tpu.memory_space<vmem>>, vector<16xf32>,
        tpu.vector_store %arg11[%swap3A_508, %swap3A_509, %swap3A_510], %mul3A_507 {strides = array<i32>} : memref<2x100x64xf32, #tpu.memory_space<vmem>>, vector<16xf32>,
        %get3A_512 = arith.constant 1 : i32
        %get3A_513 = arith.index_cast %get3A_512 : i32 to index
        %get3A_514 = arith.index_cast %add3A_497 : i32 to index
        %get3A_515 = arith.constant 16 : index
        %get3A_516 = tpu.vector_load %arg9[%get3A_513, %get3A_514, %get3A_515] {strides = array<i32>} : memref<4x100x64xf32, #tpu.memory_space<vmem>>, vector<16xf32>,
        %get3A_517 = arith.constant 1 : i32
        %get3A_518 = arith.index_cast %get3A_517 : i32 to index
        %get3A_519 = arith.index_cast %add3A_497 : i32 to index
        %get3A_520 = arith.constant 16 : index
        %get3A_521 = tpu.vector_load %arg10[%get3A_518, %get3A_519, %get3A_520] {strides = array<i32>} : memref<4x100x64xf32, #tpu.memory_space<vmem>>, vector<16xf32>,
        %mul3A_522 = arith.mulf %get3A_516, %get3A_521 : vector<16xf32>
        %swap3A_523 = arith.constant 1 : i32
        %swap3A_524 = arith.index_cast %swap3A_523 : i32 to index
        %swap3A_525 = arith.index_cast %add3A_497 : i32 to index
        %swap3A_526 = arith.constant 16 : index
        %swap3A_527 = tpu.vector_load %arg11[%swap3A_524, %swap3A_525, %swap3A_526] {strides = array<i32>} : memref<2x100x64xf32, #tpu.memory_space<vmem>>, vector<16xf32>,
        tpu.vector_store %arg11[%swap3A_524, %swap3A_525, %swap3A_526], %mul3A_522 {strides = array<i32>} : memref<2x100x64xf32, #tpu.memory_space<vmem>>, vector<16xf32>,
        %get3A_528 = arith.constant 1 : i32
        %get3A_529 = arith.index_cast %get3A_528 : i32 to index
        %get3A_530 = arith.index_cast %add3A_497 : i32 to index
        %get3A_531 = arith.constant 32 : index
        %get3A_532 = tpu.vector_load %arg9[%get3A_529, %get3A_530, %get3A_531] {strides = array<i32>} : memref<4x100x64xf32, #tpu.memory_space<vmem>>, vector<16xf32>,
        %get3A_533 = arith.constant 1 : i32
        %get3A_534 = arith.index_cast %get3A_533 : i32 to index
        %get3A_535 = arith.index_cast %add3A_497 : i32 to index
        %get3A_536 = arith.constant 32 : index
        %get3A_537 = tpu.vector_load %arg10[%get3A_534, %get3A_535, %get3A_536] {strides = array<i32>} : memref<4x100x64xf32, #tpu.memory_space<vmem>>, vector<16xf32>,
        %mul3A_538 = arith.mulf %get3A_532, %get3A_537 : vector<16xf32>
        %swap3A_539 = arith.constant 1 : i32
        %swap3A_540 = arith.index_cast %swap3A_539 : i32 to index
        %swap3A_541 = arith.index_cast %add3A_497 : i32 to index
        %swap3A_542 = arith.constant 32 : index
        %swap3A_543 = tpu.vector_load %arg11[%swap3A_540, %swap3A_541, %swap3A_542] {strides = array<i32>} : memref<2x100x64xf32, #tpu.memory_space<vmem>>, vector<16xf32>,
        tpu.vector_store %arg11[%swap3A_540, %swap3A_541, %swap3A_542], %mul3A_538 {strides = array<i32>} : memref<2x100x64xf32, #tpu.memory_space<vmem>>, vector<16xf32>,
        %get3A_544 = arith.constant 1 : i32
        %get3A_545 = arith.index_cast %get3A_544 : i32 to index
        %get3A_546 = arith.index_cast %add3A_497 : i32 to index
        %get3A_547 = arith.constant 48 : index
        %get3A_548 = tpu.vector_load %arg9[%get3A_545, %get3A_546, %get3A_547] {strides = array<i32>} : memref<4x100x64xf32, #tpu.memory_space<vmem>>, vector<16xf32>,
        %get3A_549 = arith.constant 1 : i32
        %get3A_550 = arith.index_cast %get3A_549 : i32 to index
        %get3A_551 = arith.index_cast %add3A_497 : i32 to index
        %get3A_552 = arith.constant 48 : index
        %get3A_553 = tpu.vector_load %arg10[%get3A_550, %get3A_551, %get3A_552] {strides = array<i32>} : memref<4x100x64xf32, #tpu.memory_space<vmem>>, vector<16xf32>,
        %mul3A_554 = arith.mulf %get3A_548, %get3A_553 : vector<16xf32>
        %swap3A_555 = arith.constant 1 : i32
        %swap3A_556 = arith.index_cast %swap3A_555 : i32 to index
        %swap3A_557 = arith.index_cast %add3A_497 : i32 to index
        %swap3A_558 = arith.constant 48 : index
        %swap3A_559 = tpu.vector_load %arg11[%swap3A_556, %swap3A_557, %swap3A_558] {strides = array<i32>} : memref<2x100x64xf32, #tpu.memory_space<vmem>>, vector<16xf32>,
        tpu.vector_store %arg11[%swap3A_556, %swap3A_557, %swap3A_558], %mul3A_554 {strides = array<i32>} : memref<2x100x64xf32, #tpu.memory_space<vmem>>, vector<16xf32>,
        %mul3A_560 = arith.constant 2 : i32
        %mul3A_561 = arith.muli %scan3A_493, %mul3A_560 : i32
        %add3A_562 = arith.constant 1 : i32
        %add3A_563 = arith.addi %mul3A_561, %add3A_562 : i32
        %get3A_564 = arith.constant 1 : i32
        %get3A_565 = arith.index_cast %get3A_564 : i32 to index
        %get3A_566 = arith.index_cast %add3A_563 : i32 to index
        %get3A_567 = arith.constant 0 : index
        %get3A_568 = tpu.vector_load %arg9[%get3A_565, %get3A_566, %get3A_567] {strides = array<i32>} : memref<4x100x64xf32, #tpu.memory_space<vmem>>, vector<16xf32>,
        %get3A_569 = arith.constant 1 : i32
        %get3A_570 = arith.index_cast %get3A_569 : i32 to index
        %get3A_571 = arith.index_cast %add3A_563 : i32 to index
        %get3A_572 = arith.constant 0 : index
        %get3A_573 = tpu.vector_load %arg10[%get3A_570, %get3A_571, %get3A_572] {strides = array<i32>} : memref<4x100x64xf32, #tpu.memory_space<vmem>>, vector<16xf32>,
        %mul3A_574 = arith.mulf %get3A_568, %get3A_573 : vector<16xf32>
        %swap3A_575 = arith.constant 1 : i32
        %swap3A_576 = arith.index_cast %swap3A_575 : i32 to index
        %swap3A_577 = arith.index_cast %add3A_563 : i32 to index
        %swap3A_578 = arith.constant 0 : index
        %swap3A_579 = tpu.vector_load %arg11[%swap3A_576, %swap3A_577, %swap3A_578] {strides = array<i32>} : memref<2x100x64xf32, #tpu.memory_space<vmem>>, vector<16xf32>,
        tpu.vector_store %arg11[%swap3A_576, %swap3A_577, %swap3A_578], %mul3A_574 {strides = array<i32>} : memref<2x100x64xf32, #tpu.memory_space<vmem>>, vector<16xf32>,
        %get3A_580 = arith.constant 1 : i32
        %get3A_581 = arith.index_cast %get3A_580 : i32 to index
        %get3A_582 = arith.index_cast %add3A_563 : i32 to index
        %get3A_583 = arith.constant 16 : index
        %get3A_584 = tpu.vector_load %arg9[%get3A_581, %get3A_582, %get3A_583] {strides = array<i32>} : memref<4x100x64xf32, #tpu.memory_space<vmem>>, vector<16xf32>,
        %get3A_585 = arith.constant 1 : i32
        %get3A_586 = arith.index_cast %get3A_585 : i32 to index
        %get3A_587 = arith.index_cast %add3A_563 : i32 to index
        %get3A_588 = arith.constant 16 : index
        %get3A_589 = tpu.vector_load %arg10[%get3A_586, %get3A_587, %get3A_588] {strides = array<i32>} : memref<4x100x64xf32, #tpu.memory_space<vmem>>, vector<16xf32>,
        %mul3A_590 = arith.mulf %get3A_584, %get3A_589 : vector<16xf32>
        %swap3A_591 = arith.constant 1 : i32
        %swap3A_592 = arith.index_cast %swap3A_591 : i32 to index
        %swap3A_593 = arith.index_cast %add3A_563 : i32 to index
        %swap3A_594 = arith.constant 16 : index
        %swap3A_595 = tpu.vector_load %arg11[%swap3A_592, %swap3A_593, %swap3A_594] {strides = array<i32>} : memref<2x100x64xf32, #tpu.memory_space<vmem>>, vector<16xf32>,
        tpu.vector_store %arg11[%swap3A_592, %swap3A_593, %swap3A_594], %mul3A_590 {strides = array<i32>} : memref<2x100x64xf32, #tpu.memory_space<vmem>>, vector<16xf32>,
        %get3A_596 = arith.constant 1 : i32
        %get3A_597 = arith.index_cast %get3A_596 : i32 to index
        %get3A_598 = arith.index_cast %add3A_563 : i32 to index
        %get3A_599 = arith.constant 32 : index
        %get3A_600 = tpu.vector_load %arg9[%get3A_597, %get3A_598, %get3A_599] {strides = array<i32>} : memref<4x100x64xf32, #tpu.memory_space<vmem>>, vector<16xf32>,
        %get3A_601 = arith.constant 1 : i32
        %get3A_602 = arith.index_cast %get3A_601 : i32 to index
        %get3A_603 = arith.index_cast %add3A_563 : i32 to index
        %get3A_604 = arith.constant 32 : index
        %get3A_605 = tpu.vector_load %arg10[%get3A_602, %get3A_603, %get3A_604] {strides = array<i32>} : memref<4x100x64xf32, #tpu.memory_space<vmem>>, vector<16xf32>,
        %mul3A_606 = arith.mulf %get3A_600, %get3A_605 : vector<16xf32>
        %swap3A_607 = arith.constant 1 : i32
        %swap3A_608 = arith.index_cast %swap3A_607 : i32 to index
        %swap3A_609 = arith.index_cast %add3A_563 : i32 to index
        %swap3A_610 = arith.constant 32 : index
        %swap3A_611 = tpu.vector_load %arg11[%swap3A_608, %swap3A_609, %swap3A_610] {strides = array<i32>} : memref<2x100x64xf32, #tpu.memory_space<vmem>>, vector<16xf32>,
        tpu.vector_store %arg11[%swap3A_608, %swap3A_609, %swap3A_610], %mul3A_606 {strides = array<i32>} : memref<2x100x64xf32, #tpu.memory_space<vmem>>, vector<16xf32>,
        %get3A_612 = arith.constant 1 : i32
        %get3A_613 = arith.index_cast %get3A_612 : i32 to index
        %get3A_614 = arith.index_cast %add3A_563 : i32 to index
        %get3A_615 = arith.constant 48 : index
        %get3A_616 = tpu.vector_load %arg9[%get3A_613, %get3A_614, %get3A_615] {strides = array<i32>} : memref<4x100x64xf32, #tpu.memory_space<vmem>>, vector<16xf32>,
        %get3A_617 = arith.constant 1 : i32
        %get3A_618 = arith.index_cast %get3A_617 : i32 to index
        %get3A_619 = arith.index_cast %add3A_563 : i32 to index
        %get3A_620 = arith.constant 48 : index
        %get3A_621 = tpu.vector_load %arg10[%get3A_618, %get3A_619, %get3A_620] {strides = array<i32>} : memref<4x100x64xf32, #tpu.memory_space<vmem>>, vector<16xf32>,
        %mul3A_622 = arith.mulf %get3A_616, %get3A_621 : vector<16xf32>
        %swap3A_623 = arith.constant 1 : i32
        %swap3A_624 = arith.index_cast %swap3A_623 : i32 to index
        %swap3A_625 = arith.index_cast %add3A_563 : i32 to index
        %swap3A_626 = arith.constant 48 : index
        %swap3A_627 = tpu.vector_load %arg11[%swap3A_624, %swap3A_625, %swap3A_626] {strides = array<i32>} : memref<2x100x64xf32, #tpu.memory_space<vmem>>, vector<16xf32>,
        tpu.vector_store %arg11[%swap3A_624, %swap3A_625, %swap3A_626], %mul3A_622 {strides = array<i32>} : memref<2x100x64xf32, #tpu.memory_space<vmem>>, vector<16xf32>,
      }
      %scan3A_352 = arith.constant 50 : i32
      %dma_start3A_353 = arith.constant 1 : i32
      %dma_start3A_354 = arith.constant 1 : i32
      %dma_start3A_355 = arith.constant 0 : i32
      %dma_start3A_356 = arith.constant 0 : i32
      %dma_start3A_357 = tpu.memref_slice %arg11[%dma_start3A_353, %dma_start3A_355, %dma_start3A_356] : memref<2x100x64xf32, #tpu.memory_space<vmem>> -> memref<1x100x64xf32, #tpu.memory_space<vmem>>
      %dma_start3A_358 = tpu.memref_squeeze %dma_start3A_357 : memref<1x100x64xf32, #tpu.memory_space<vmem>> -> memref<100x64xf32, #tpu.memory_space<vmem>>
      %dma_start3A_359 = arith.constant 0 : i32
      %dma_start3A_360 = tpu.memref_slice %arg8[%rem3A_257, %dma_start3A_354, %dma_start3A_359] : memref<3x4x100xi32, #tpu.memory_space<vmem>> -> memref<1x1x100xi32, #tpu.memory_space<vmem>>
      %dma_start3A_361 = tpu.memref_squeeze %dma_start3A_360 : memref<1x1x100xi32, #tpu.memory_space<vmem>> -> memref<100xi32, #tpu.memory_space<vmem>>
      %dma_start3A_362 = arith.constant 0 : i32
      %dma_start3A_363 = arith.constant 0 : i32
      %dma_start3A_364 = tpu.memref_slice %arg12[%dma_start3A_362, %dma_start3A_363] : memref<10000x64xf32, #tpu.memory_space<vmem_shared>> -> memref<10000x64xf32, #tpu.memory_space<vmem_shared>>
      tpu.enqueue_indirect_dma source(%dma_start3A_358 : memref<100x64xf32, #tpu.memory_space<vmem>>) target(%dma_start3A_364 : memref<10000x64xf32, #tpu.memory_space<vmem_shared>>) offsets(%dma_start3A_361 : memref<100xi32, #tpu.memory_space<vmem>>) semaphore(%arg23 : memref<!tpu.dma_semaphore, #tpu.memory_space<semaphore_mem>>) {add = true}
      %add3A_365 = arith.constant 1 : i32
      %add3A_366 = arith.addi %scan3A_256, %add3A_365 : i32
      %lt3A_367 = arith.constant 50 : i32
      %lt3A_368 = arith.cmpi slt, %add3A_366, %lt3A_367 : i32
      %convert_element_type3A_369 = arith.extui %lt3A_368 : i1 to i32
      %cond3A_370 = arith.constant 0 : i32
      %cond3A_371 = arith.cmpi ne, %convert_element_type3A_369, %cond3A_370 : i32
      scf.if %cond3A_371 {
        %add3A_493 = arith.constant 4 : i32
        %add3A_494 = arith.addi %add3A_318, %add3A_493 : i32
        %dma_start3A_495 = arith.constant 1 : i32
        %dma_start3A_496 = arith.constant 1 : i32
        %dma_start3A_497 = arith.constant 0 : i32
        %dma_start3A_498 = arith.constant 0 : i32
        %dma_start3A_499 = tpu.memref_slice %arg9[%dma_start3A_496, %dma_start3A_497, %dma_start3A_498] : memref<4x100x64xf32, #tpu.memory_space<vmem>> -> memref<1x100x64xf32, #tpu.memory_space<vmem>>
        %dma_start3A_500 = tpu.memref_squeeze %dma_start3A_499 : memref<1x100x64xf32, #tpu.memory_space<vmem>> -> memref<100x64xf32, #tpu.memory_space<vmem>>
        %dma_start3A_501 = arith.constant 0 : i32
        %dma_start3A_502 = tpu.memref_slice %arg7[%rem3A_261, %dma_start3A_495, %dma_start3A_501] : memref<3x4x100xi32, #tpu.memory_space<vmem>> -> memref<1x1x100xi32, #tpu.memory_space<vmem>>
        %dma_start3A_503 = tpu.memref_squeeze %dma_start3A_502 : memref<1x1x100xi32, #tpu.memory_space<vmem>> -> memref<100xi32, #tpu.memory_space<vmem>>
        %dma_start3A_504 = arith.constant 0 : i32
        %dma_start3A_505 = arith.constant 0 : i32
        %dma_start3A_506 = tpu.memref_slice %arg2[%dma_start3A_504, %dma_start3A_505] : memref<20000x64xf32, #tpu.memory_space<hbm>> -> memref<20000x64xf32, #tpu.memory_space<hbm>>
        tpu.enqueue_indirect_dma source(%dma_start3A_506 : memref<20000x64xf32, #tpu.memory_space<hbm>>) target(%dma_start3A_500 : memref<100x64xf32, #tpu.memory_space<vmem>>) offsets(%dma_start3A_503 : memref<100xi32, #tpu.memory_space<vmem>>) semaphore(%arg15 : memref<!tpu.dma_semaphore, #tpu.memory_space<semaphore_mem>>)
        %mul3A_507 = arith.constant 100 : i32
        %mul3A_508 = arith.muli %add3A_494, %mul3A_507 : i32
        %add3A_509 = arith.addi %mul3A_0, %mul3A_508 : i32
        %dma_start3A_510 = arith.constant 1 : i32
        %dma_start3A_511 = arith.constant 0 : i32
        %dma_start3A_512 = arith.constant 0 : i32
        %dma_start3A_513 = tpu.memref_slice %arg10[%dma_start3A_510, %dma_start3A_511, %dma_start3A_512] : memref<4x100x64xf32, #tpu.memory_space<vmem>> -> memref<1x100x64xf32, #tpu.memory_space<vmem>>
        %dma_start3A_514 = tpu.memref_squeeze %dma_start3A_513 : memref<1x100x64xf32, #tpu.memory_space<vmem>> -> memref<100x64xf32, #tpu.memory_space<vmem>>
        %dma_start3A_515 = tpu.memref_slice %arg5[%add3A_509, %mul3A_2] : memref<327680x128xf32, #tpu.memory_space<hbm>> -> memref<100x64xf32, #tpu.memory_space<hbm>>
        %dma_start3A_516 = arith.constant 0 : i32
        %dma_start3A_517 = arith.constant 0 : i32
        %dma_start3A_518 = tpu.memref_slice %arg10[%dma_start3A_510, %dma_start3A_516, %dma_start3A_517] : memref<4x100x64xf32, #tpu.memory_space<vmem>> -> memref<1x100x64xf32, #tpu.memory_space<vmem>>
        %dma_start3A_519 = tpu.memref_squeeze %dma_start3A_518 : memref<1x100x64xf32, #tpu.memory_space<vmem>> -> memref<100x64xf32, #tpu.memory_space<vmem>>
        %dma_start3A_520 = tpu.memref_slice %arg5[%add3A_509, %mul3A_2] : memref<327680x128xf32, #tpu.memory_space<hbm>> -> memref<100x64xf32, #tpu.memory_space<hbm>>
        tpu.enqueue_dma source(%dma_start3A_520 : memref<100x64xf32, #tpu.memory_space<hbm>>) target(%dma_start3A_519 : memref<100x64xf32, #tpu.memory_space<vmem>>) target_semaphore(%arg19 : memref<!tpu.dma_semaphore, #tpu.memory_space<semaphore_mem>>)
      } else {
      }
      %mul3A_372 = arith.constant 4 : i32
      %mul3A_373 = arith.muli %scan3A_256, %mul3A_372 : i32
      %add3A_374 = arith.constant 2 : i32
      %add3A_375 = arith.addi %mul3A_373, %add3A_374 : i32
      %dma_wait3A_376 = arith.constant 2 : i32
      %dma_wait3A_377 = arith.constant 2 : i32
      %dma_wait3A_378 = arith.constant 0 : i32
      %dma_wait3A_379 = arith.constant 0 : i32
      %dma_wait3A_380 = tpu.memref_slice %arg9[%dma_wait3A_377, %dma_wait3A_378, %dma_wait3A_379] : memref<4x100x64xf32, #tpu.memory_space<vmem>> -> memref<1x100x64xf32, #tpu.memory_space<vmem>>
      %dma_wait3A_381 = tpu.memref_squeeze %dma_wait3A_380 : memref<1x100x64xf32, #tpu.memory_space<vmem>> -> memref<100x64xf32, #tpu.memory_space<vmem>>
      %dma_wait3A_382 = arith.constant 0 : i32
      %dma_wait3A_383 = tpu.memref_slice %arg7[%rem3A_257, %dma_wait3A_376, %dma_wait3A_382] : memref<3x4x100xi32, #tpu.memory_space<vmem>> -> memref<1x1x100xi32, #tpu.memory_space<vmem>>
      %dma_wait3A_384 = tpu.memref_squeeze %dma_wait3A_383 : memref<1x1x100xi32, #tpu.memory_space<vmem>> -> memref<100xi32, #tpu.memory_space<vmem>>
      %dma_wait3A_385 = arith.constant 0 : i32
      %dma_wait3A_386 = arith.constant 0 : i32
      %dma_wait3A_387 = tpu.memref_slice %arg2[%dma_wait3A_385, %dma_wait3A_386] : memref<20000x64xf32, #tpu.memory_space<hbm>> -> memref<20000x64xf32, #tpu.memory_space<hbm>>
      tpu.wait_indirect_dma semaphore(%arg16 : memref<!tpu.dma_semaphore, #tpu.memory_space<semaphore_mem>>) src(%dma_wait3A_387 : memref<20000x64xf32, #tpu.memory_space<hbm>>) dst(%dma_wait3A_381 : memref<100x64xf32, #tpu.memory_space<vmem>>)
      %dma_wait3A_388 = arith.constant 2 : i32
      %dma_wait3A_389 = arith.constant 0 : i32
      %dma_wait3A_390 = arith.constant 0 : i32
      %dma_wait3A_391 = tpu.memref_slice %arg10[%dma_wait3A_388, %dma_wait3A_389, %dma_wait3A_390] : memref<4x100x64xf32, #tpu.memory_space<vmem>> -> memref<1x100x64xf32, #tpu.memory_space<vmem>>
      %dma_wait3A_392 = tpu.memref_squeeze %dma_wait3A_391 : memref<1x100x64xf32, #tpu.memory_space<vmem>> -> memref<100x64xf32, #tpu.memory_space<vmem>>
      %dma_wait3A_393 = tpu.memref_slice %arg5[%mul3A_0, %mul3A_2] : memref<327680x128xf32, #tpu.memory_space<hbm>> -> memref<100x64xf32, #tpu.memory_space<hbm>>
      %dma_wait3A_394 = arith.constant 0 : i32
      %dma_wait3A_395 = arith.constant 0 : i32
      %dma_wait3A_396 = tpu.memref_slice %arg10[%dma_wait3A_388, %dma_wait3A_394, %dma_wait3A_395] : memref<4x100x64xf32, #tpu.memory_space<vmem>> -> memref<1x100x64xf32, #tpu.memory_space<vmem>>
      %dma_wait3A_397 = tpu.memref_squeeze %dma_wait3A_396 : memref<1x100x64xf32, #tpu.memory_space<vmem>> -> memref<100x64xf32, #tpu.memory_space<vmem>>
      %dma_wait3A_398 = tpu.memref_slice %arg5[%mul3A_0, %mul3A_2] : memref<327680x128xf32, #tpu.memory_space<hbm>> -> memref<100x64xf32, #tpu.memory_space<hbm>>
      tpu.wait_dma2 semaphore(%arg20 : memref<!tpu.dma_semaphore, #tpu.memory_space<semaphore_mem>>) src(%dma_wait3A_398 : memref<100x64xf32, #tpu.memory_space<hbm>>) dst(%dma_wait3A_397 : memref<100x64xf32, #tpu.memory_space<vmem>>)
      %ge3A_399 = arith.constant 2 : i32
      %ge3A_400 = arith.cmpi sge, %add3A_375, %ge3A_399 : i32
      %convert_element_type3A_401 = arith.extui %ge3A_400 : i1 to i32
      %cond3A_402 = arith.constant 0 : i32
      %cond3A_403 = arith.cmpi ne, %convert_element_type3A_401, %cond3A_402 : i32
      scf.if %cond3A_403 {
        %dma_wait3A_493 = arith.constant 0 : i32
        %dma_wait3A_494 = arith.constant 0 : i32
        %dma_wait3A_495 = arith.constant 0 : i32
        %dma_wait3A_496 = arith.constant 0 : i32
        %dma_wait3A_497 = tpu.memref_slice %arg11[%dma_wait3A_493, %dma_wait3A_495, %dma_wait3A_496] : memref<2x100x64xf32, #tpu.memory_space<vmem>> -> memref<1x100x64xf32, #tpu.memory_space<vmem>>
        %dma_wait3A_498 = tpu.memref_squeeze %dma_wait3A_497 : memref<1x100x64xf32, #tpu.memory_space<vmem>> -> memref<100x64xf32, #tpu.memory_space<vmem>>
        %dma_wait3A_499 = arith.constant 0 : i32
        %dma_wait3A_500 = tpu.memref_slice %arg8[%rem3A_257, %dma_wait3A_494, %dma_wait3A_499] : memref<3x4x100xi32, #tpu.memory_space<vmem>> -> memref<1x1x100xi32, #tpu.memory_space<vmem>>
        %dma_wait3A_501 = tpu.memref_squeeze %dma_wait3A_500 : memref<1x1x100xi32, #tpu.memory_space<vmem>> -> memref<100xi32, #tpu.memory_space<vmem>>
        %dma_wait3A_502 = arith.constant 0 : i32
        %dma_wait3A_503 = arith.constant 0 : i32
        %dma_wait3A_504 = tpu.memref_slice %arg12[%dma_wait3A_502, %dma_wait3A_503] : memref<10000x64xf32, #tpu.memory_space<vmem_shared>> -> memref<10000x64xf32, #tpu.memory_space<vmem_shared>>
        tpu.wait_indirect_dma semaphore(%arg22 : memref<!tpu.dma_semaphore, #tpu.memory_space<semaphore_mem>>) src(%dma_wait3A_498 : memref<100x64xf32, #tpu.memory_space<vmem>>) dst(%dma_wait3A_504 : memref<10000x64xf32, #tpu.memory_space<vmem_shared>>)
      } else {
      }
      %scan3A_404 = arith.constant 0 : i32
      %scan3A_405 = arith.constant 0 : i32
      %scan3A_406 = arith.constant 50 : i32
      %scan3A_407 = arith.addi %scan3A_405, %scan3A_406 : i32
      %scan3A_408 = arith.constant 1 : i32
      scf.for %scan3A_493 = %scan3A_405 to %scan3A_407 step %scan3A_408  : i32 {
        %mul3A_494 = arith.constant 2 : i32
        %mul3A_495 = arith.muli %scan3A_493, %mul3A_494 : i32
        %add3A_496 = arith.constant 0 : i32
        %add3A_497 = arith.addi %mul3A_495, %add3A_496 : i32
        %get3A = arith.constant 2 : i32
        %get3A_498 = arith.index_cast %get3A : i32 to index
        %get3A_499 = arith.index_cast %add3A_497 : i32 to index
        %get3A_500 = arith.constant 0 : index
        %get3A_501 = tpu.vector_load %arg9[%get3A_498, %get3A_499, %get3A_500] {strides = array<i32>} : memref<4x100x64xf32, #tpu.memory_space<vmem>>, vector<16xf32>,
        %get3A_502 = arith.constant 2 : i32
        %get3A_503 = arith.index_cast %get3A_502 : i32 to index
        %get3A_504 = arith.index_cast %add3A_497 : i32 to index
        %get3A_505 = arith.constant 0 : index
        %get3A_506 = tpu.vector_load %arg10[%get3A_503, %get3A_504, %get3A_505] {strides = array<i32>} : memref<4x100x64xf32, #tpu.memory_space<vmem>>, vector<16xf32>,
        %mul3A_507 = arith.mulf %get3A_501, %get3A_506 : vector<16xf32>
        %swap3A = arith.constant 0 : i32
        %swap3A_508 = arith.index_cast %swap3A : i32 to index
        %swap3A_509 = arith.index_cast %add3A_497 : i32 to index
        %swap3A_510 = arith.constant 0 : index
        %swap3A_511 = tpu.vector_load %arg11[%swap3A_508, %swap3A_509, %swap3A_510] {strides = array<i32>} : memref<2x100x64xf32, #tpu.memory_space<vmem>>, vector<16xf32>,
        tpu.vector_store %arg11[%swap3A_508, %swap3A_509, %swap3A_510], %mul3A_507 {strides = array<i32>} : memref<2x100x64xf32, #tpu.memory_space<vmem>>, vector<16xf32>,
        %get3A_512 = arith.constant 2 : i32
        %get3A_513 = arith.index_cast %get3A_512 : i32 to index
        %get3A_514 = arith.index_cast %add3A_497 : i32 to index
        %get3A_515 = arith.constant 16 : index
        %get3A_516 = tpu.vector_load %arg9[%get3A_513, %get3A_514, %get3A_515] {strides = array<i32>} : memref<4x100x64xf32, #tpu.memory_space<vmem>>, vector<16xf32>,
        %get3A_517 = arith.constant 2 : i32
        %get3A_518 = arith.index_cast %get3A_517 : i32 to index
        %get3A_519 = arith.index_cast %add3A_497 : i32 to index
        %get3A_520 = arith.constant 16 : index
        %get3A_521 = tpu.vector_load %arg10[%get3A_518, %get3A_519, %get3A_520] {strides = array<i32>} : memref<4x100x64xf32, #tpu.memory_space<vmem>>, vector<16xf32>,
        %mul3A_522 = arith.mulf %get3A_516, %get3A_521 : vector<16xf32>
        %swap3A_523 = arith.constant 0 : i32
        %swap3A_524 = arith.index_cast %swap3A_523 : i32 to index
        %swap3A_525 = arith.index_cast %add3A_497 : i32 to index
        %swap3A_526 = arith.constant 16 : index
        %swap3A_527 = tpu.vector_load %arg11[%swap3A_524, %swap3A_525, %swap3A_526] {strides = array<i32>} : memref<2x100x64xf32, #tpu.memory_space<vmem>>, vector<16xf32>,
        tpu.vector_store %arg11[%swap3A_524, %swap3A_525, %swap3A_526], %mul3A_522 {strides = array<i32>} : memref<2x100x64xf32, #tpu.memory_space<vmem>>, vector<16xf32>,
        %get3A_528 = arith.constant 2 : i32
        %get3A_529 = arith.index_cast %get3A_528 : i32 to index
        %get3A_530 = arith.index_cast %add3A_497 : i32 to index
        %get3A_531 = arith.constant 32 : index
        %get3A_532 = tpu.vector_load %arg9[%get3A_529, %get3A_530, %get3A_531] {strides = array<i32>} : memref<4x100x64xf32, #tpu.memory_space<vmem>>, vector<16xf32>,
        %get3A_533 = arith.constant 2 : i32
        %get3A_534 = arith.index_cast %get3A_533 : i32 to index
        %get3A_535 = arith.index_cast %add3A_497 : i32 to index
        %get3A_536 = arith.constant 32 : index
        %get3A_537 = tpu.vector_load %arg10[%get3A_534, %get3A_535, %get3A_536] {strides = array<i32>} : memref<4x100x64xf32, #tpu.memory_space<vmem>>, vector<16xf32>,
        %mul3A_538 = arith.mulf %get3A_532, %get3A_537 : vector<16xf32>
        %swap3A_539 = arith.constant 0 : i32
        %swap3A_540 = arith.index_cast %swap3A_539 : i32 to index
        %swap3A_541 = arith.index_cast %add3A_497 : i32 to index
        %swap3A_542 = arith.constant 32 : index
        %swap3A_543 = tpu.vector_load %arg11[%swap3A_540, %swap3A_541, %swap3A_542] {strides = array<i32>} : memref<2x100x64xf32, #tpu.memory_space<vmem>>, vector<16xf32>,
        tpu.vector_store %arg11[%swap3A_540, %swap3A_541, %swap3A_542], %mul3A_538 {strides = array<i32>} : memref<2x100x64xf32, #tpu.memory_space<vmem>>, vector<16xf32>,
        %get3A_544 = arith.constant 2 : i32
        %get3A_545 = arith.index_cast %get3A_544 : i32 to index
        %get3A_546 = arith.index_cast %add3A_497 : i32 to index
        %get3A_547 = arith.constant 48 : index
        %get3A_548 = tpu.vector_load %arg9[%get3A_545, %get3A_546, %get3A_547] {strides = array<i32>} : memref<4x100x64xf32, #tpu.memory_space<vmem>>, vector<16xf32>,
        %get3A_549 = arith.constant 2 : i32
        %get3A_550 = arith.index_cast %get3A_549 : i32 to index
        %get3A_551 = arith.index_cast %add3A_497 : i32 to index
        %get3A_552 = arith.constant 48 : index
        %get3A_553 = tpu.vector_load %arg10[%get3A_550, %get3A_551, %get3A_552] {strides = array<i32>} : memref<4x100x64xf32, #tpu.memory_space<vmem>>, vector<16xf32>,
        %mul3A_554 = arith.mulf %get3A_548, %get3A_553 : vector<16xf32>
        %swap3A_555 = arith.constant 0 : i32
        %swap3A_556 = arith.index_cast %swap3A_555 : i32 to index
        %swap3A_557 = arith.index_cast %add3A_497 : i32 to index
        %swap3A_558 = arith.constant 48 : index
        %swap3A_559 = tpu.vector_load %arg11[%swap3A_556, %swap3A_557, %swap3A_558] {strides = array<i32>} : memref<2x100x64xf32, #tpu.memory_space<vmem>>, vector<16xf32>,
        tpu.vector_store %arg11[%swap3A_556, %swap3A_557, %swap3A_558], %mul3A_554 {strides = array<i32>} : memref<2x100x64xf32, #tpu.memory_space<vmem>>, vector<16xf32>,
        %mul3A_560 = arith.constant 2 : i32
        %mul3A_561 = arith.muli %scan3A_493, %mul3A_560 : i32
        %add3A_562 = arith.constant 1 : i32
        %add3A_563 = arith.addi %mul3A_561, %add3A_562 : i32
        %get3A_564 = arith.constant 2 : i32
        %get3A_565 = arith.index_cast %get3A_564 : i32 to index
        %get3A_566 = arith.index_cast %add3A_563 : i32 to index
        %get3A_567 = arith.constant 0 : index
        %get3A_568 = tpu.vector_load %arg9[%get3A_565, %get3A_566, %get3A_567] {strides = array<i32>} : memref<4x100x64xf32, #tpu.memory_space<vmem>>, vector<16xf32>,
        %get3A_569 = arith.constant 2 : i32
        %get3A_570 = arith.index_cast %get3A_569 : i32 to index
        %get3A_571 = arith.index_cast %add3A_563 : i32 to index
        %get3A_572 = arith.constant 0 : index
        %get3A_573 = tpu.vector_load %arg10[%get3A_570, %get3A_571, %get3A_572] {strides = array<i32>} : memref<4x100x64xf32, #tpu.memory_space<vmem>>, vector<16xf32>,
        %mul3A_574 = arith.mulf %get3A_568, %get3A_573 : vector<16xf32>
        %swap3A_575 = arith.constant 0 : i32
        %swap3A_576 = arith.index_cast %swap3A_575 : i32 to index
        %swap3A_577 = arith.index_cast %add3A_563 : i32 to index
        %swap3A_578 = arith.constant 0 : index
        %swap3A_579 = tpu.vector_load %arg11[%swap3A_576, %swap3A_577, %swap3A_578] {strides = array<i32>} : memref<2x100x64xf32, #tpu.memory_space<vmem>>, vector<16xf32>,
        tpu.vector_store %arg11[%swap3A_576, %swap3A_577, %swap3A_578], %mul3A_574 {strides = array<i32>} : memref<2x100x64xf32, #tpu.memory_space<vmem>>, vector<16xf32>,
        %get3A_580 = arith.constant 2 : i32
        %get3A_581 = arith.index_cast %get3A_580 : i32 to index
        %get3A_582 = arith.index_cast %add3A_563 : i32 to index
        %get3A_583 = arith.constant 16 : index
        %get3A_584 = tpu.vector_load %arg9[%get3A_581, %get3A_582, %get3A_583] {strides = array<i32>} : memref<4x100x64xf32, #tpu.memory_space<vmem>>, vector<16xf32>,
        %get3A_585 = arith.constant 2 : i32
        %get3A_586 = arith.index_cast %get3A_585 : i32 to index
        %get3A_587 = arith.index_cast %add3A_563 : i32 to index
        %get3A_588 = arith.constant 16 : index
        %get3A_589 = tpu.vector_load %arg10[%get3A_586, %get3A_587, %get3A_588] {strides = array<i32>} : memref<4x100x64xf32, #tpu.memory_space<vmem>>, vector<16xf32>,
        %mul3A_590 = arith.mulf %get3A_584, %get3A_589 : vector<16xf32>
        %swap3A_591 = arith.constant 0 : i32
        %swap3A_592 = arith.index_cast %swap3A_591 : i32 to index
        %swap3A_593 = arith.index_cast %add3A_563 : i32 to index
        %swap3A_594 = arith.constant 16 : index
        %swap3A_595 = tpu.vector_load %arg11[%swap3A_592, %swap3A_593, %swap3A_594] {strides = array<i32>} : memref<2x100x64xf32, #tpu.memory_space<vmem>>, vector<16xf32>,
        tpu.vector_store %arg11[%swap3A_592, %swap3A_593, %swap3A_594], %mul3A_590 {strides = array<i32>} : memref<2x100x64xf32, #tpu.memory_space<vmem>>, vector<16xf32>,
        %get3A_596 = arith.constant 2 : i32
        %get3A_597 = arith.index_cast %get3A_596 : i32 to index
        %get3A_598 = arith.index_cast %add3A_563 : i32 to index
        %get3A_599 = arith.constant 32 : index
        %get3A_600 = tpu.vector_load %arg9[%get3A_597, %get3A_598, %get3A_599] {strides = array<i32>} : memref<4x100x64xf32, #tpu.memory_space<vmem>>, vector<16xf32>,
        %get3A_601 = arith.constant 2 : i32
        %get3A_602 = arith.index_cast %get3A_601 : i32 to index
        %get3A_603 = arith.index_cast %add3A_563 : i32 to index
        %get3A_604 = arith.constant 32 : index
        %get3A_605 = tpu.vector_load %arg10[%get3A_602, %get3A_603, %get3A_604] {strides = array<i32>} : memref<4x100x64xf32, #tpu.memory_space<vmem>>, vector<16xf32>,
        %mul3A_606 = arith.mulf %get3A_600, %get3A_605 : vector<16xf32>
        %swap3A_607 = arith.constant 0 : i32
        %swap3A_608 = arith.index_cast %swap3A_607 : i32 to index
        %swap3A_609 = arith.index_cast %add3A_563 : i32 to index
        %swap3A_610 = arith.constant 32 : index
        %swap3A_611 = tpu.vector_load %arg11[%swap3A_608, %swap3A_609, %swap3A_610] {strides = array<i32>} : memref<2x100x64xf32, #tpu.memory_space<vmem>>, vector<16xf32>,
        tpu.vector_store %arg11[%swap3A_608, %swap3A_609, %swap3A_610], %mul3A_606 {strides = array<i32>} : memref<2x100x64xf32, #tpu.memory_space<vmem>>, vector<16xf32>,
        %get3A_612 = arith.constant 2 : i32
        %get3A_613 = arith.index_cast %get3A_612 : i32 to index
        %get3A_614 = arith.index_cast %add3A_563 : i32 to index
        %get3A_615 = arith.constant 48 : index
        %get3A_616 = tpu.vector_load %arg9[%get3A_613, %get3A_614, %get3A_615] {strides = array<i32>} : memref<4x100x64xf32, #tpu.memory_space<vmem>>, vector<16xf32>,
        %get3A_617 = arith.constant 2 : i32
        %get3A_618 = arith.index_cast %get3A_617 : i32 to index
        %get3A_619 = arith.index_cast %add3A_563 : i32 to index
        %get3A_620 = arith.constant 48 : index
        %get3A_621 = tpu.vector_load %arg10[%get3A_618, %get3A_619, %get3A_620] {strides = array<i32>} : memref<4x100x64xf32, #tpu.memory_space<vmem>>, vector<16xf32>,
        %mul3A_622 = arith.mulf %get3A_616, %get3A_621 : vector<16xf32>
        %swap3A_623 = arith.constant 0 : i32
        %swap3A_624 = arith.index_cast %swap3A_623 : i32 to index
        %swap3A_625 = arith.index_cast %add3A_563 : i32 to index
        %swap3A_626 = arith.constant 48 : index
        %swap3A_627 = tpu.vector_load %arg11[%swap3A_624, %swap3A_625, %swap3A_626] {strides = array<i32>} : memref<2x100x64xf32, #tpu.memory_space<vmem>>, vector<16xf32>,
        tpu.vector_store %arg11[%swap3A_624, %swap3A_625, %swap3A_626], %mul3A_622 {strides = array<i32>} : memref<2x100x64xf32, #tpu.memory_space<vmem>>, vector<16xf32>,
      }
      %scan3A_409 = arith.constant 50 : i32
      %dma_start3A_410 = arith.constant 0 : i32
      %dma_start3A_411 = arith.constant 2 : i32
      %dma_start3A_412 = arith.constant 0 : i32
      %dma_start3A_413 = arith.constant 0 : i32
      %dma_start3A_414 = tpu.memref_slice %arg11[%dma_start3A_410, %dma_start3A_412, %dma_start3A_413] : memref<2x100x64xf32, #tpu.memory_space<vmem>> -> memref<1x100x64xf32, #tpu.memory_space<vmem>>
      %dma_start3A_415 = tpu.memref_squeeze %dma_start3A_414 : memref<1x100x64xf32, #tpu.memory_space<vmem>> -> memref<100x64xf32, #tpu.memory_space<vmem>>
      %dma_start3A_416 = arith.constant 0 : i32
      %dma_start3A_417 = tpu.memref_slice %arg8[%rem3A_257, %dma_start3A_411, %dma_start3A_416] : memref<3x4x100xi32, #tpu.memory_space<vmem>> -> memref<1x1x100xi32, #tpu.memory_space<vmem>>
      %dma_start3A_418 = tpu.memref_squeeze %dma_start3A_417 : memref<1x1x100xi32, #tpu.memory_space<vmem>> -> memref<100xi32, #tpu.memory_space<vmem>>
      %dma_start3A_419 = arith.constant 0 : i32
      %dma_start3A_420 = arith.constant 0 : i32
      %dma_start3A_421 = tpu.memref_slice %arg12[%dma_start3A_419, %dma_start3A_420] : memref<10000x64xf32, #tpu.memory_space<vmem_shared>> -> memref<10000x64xf32, #tpu.memory_space<vmem_shared>>
      tpu.enqueue_indirect_dma source(%dma_start3A_415 : memref<100x64xf32, #tpu.memory_space<vmem>>) target(%dma_start3A_421 : memref<10000x64xf32, #tpu.memory_space<vmem_shared>>) offsets(%dma_start3A_418 : memref<100xi32, #tpu.memory_space<vmem>>) semaphore(%arg22 : memref<!tpu.dma_semaphore, #tpu.memory_space<semaphore_mem>>) {add = true}
      %add3A_422 = arith.constant 1 : i32
      %add3A_423 = arith.addi %scan3A_256, %add3A_422 : i32
      %lt3A_424 = arith.constant 50 : i32
      %lt3A_425 = arith.cmpi slt, %add3A_423, %lt3A_424 : i32
      %convert_element_type3A_426 = arith.extui %lt3A_425 : i1 to i32
      %cond3A_427 = arith.constant 0 : i32
      %cond3A_428 = arith.cmpi ne, %convert_element_type3A_426, %cond3A_427 : i32
      scf.if %cond3A_428 {
        %add3A_493 = arith.constant 4 : i32
        %add3A_494 = arith.addi %add3A_375, %add3A_493 : i32
        %dma_start3A_495 = arith.constant 2 : i32
        %dma_start3A_496 = arith.constant 2 : i32
        %dma_start3A_497 = arith.constant 0 : i32
        %dma_start3A_498 = arith.constant 0 : i32
        %dma_start3A_499 = tpu.memref_slice %arg9[%dma_start3A_496, %dma_start3A_497, %dma_start3A_498] : memref<4x100x64xf32, #tpu.memory_space<vmem>> -> memref<1x100x64xf32, #tpu.memory_space<vmem>>
        %dma_start3A_500 = tpu.memref_squeeze %dma_start3A_499 : memref<1x100x64xf32, #tpu.memory_space<vmem>> -> memref<100x64xf32, #tpu.memory_space<vmem>>
        %dma_start3A_501 = arith.constant 0 : i32
        %dma_start3A_502 = tpu.memref_slice %arg7[%rem3A_261, %dma_start3A_495, %dma_start3A_501] : memref<3x4x100xi32, #tpu.memory_space<vmem>> -> memref<1x1x100xi32, #tpu.memory_space<vmem>>
        %dma_start3A_503 = tpu.memref_squeeze %dma_start3A_502 : memref<1x1x100xi32, #tpu.memory_space<vmem>> -> memref<100xi32, #tpu.memory_space<vmem>>
        %dma_start3A_504 = arith.constant 0 : i32
        %dma_start3A_505 = arith.constant 0 : i32
        %dma_start3A_506 = tpu.memref_slice %arg2[%dma_start3A_504, %dma_start3A_505] : memref<20000x64xf32, #tpu.memory_space<hbm>> -> memref<20000x64xf32, #tpu.memory_space<hbm>>
        tpu.enqueue_indirect_dma source(%dma_start3A_506 : memref<20000x64xf32, #tpu.memory_space<hbm>>) target(%dma_start3A_500 : memref<100x64xf32, #tpu.memory_space<vmem>>) offsets(%dma_start3A_503 : memref<100xi32, #tpu.memory_space<vmem>>) semaphore(%arg16 : memref<!tpu.dma_semaphore, #tpu.memory_space<semaphore_mem>>)
        %mul3A_507 = arith.constant 100 : i32
        %mul3A_508 = arith.muli %add3A_494, %mul3A_507 : i32
        %add3A_509 = arith.addi %mul3A_0, %mul3A_508 : i32
        %dma_start3A_510 = arith.constant 2 : i32
        %dma_start3A_511 = arith.constant 0 : i32
        %dma_start3A_512 = arith.constant 0 : i32
        %dma_start3A_513 = tpu.memref_slice %arg10[%dma_start3A_510, %dma_start3A_511, %dma_start3A_512] : memref<4x100x64xf32, #tpu.memory_space<vmem>> -> memref<1x100x64xf32, #tpu.memory_space<vmem>>
        %dma_start3A_514 = tpu.memref_squeeze %dma_start3A_513 : memref<1x100x64xf32, #tpu.memory_space<vmem>> -> memref<100x64xf32, #tpu.memory_space<vmem>>
        %dma_start3A_515 = tpu.memref_slice %arg5[%add3A_509, %mul3A_2] : memref<327680x128xf32, #tpu.memory_space<hbm>> -> memref<100x64xf32, #tpu.memory_space<hbm>>
        %dma_start3A_516 = arith.constant 0 : i32
        %dma_start3A_517 = arith.constant 0 : i32
        %dma_start3A_518 = tpu.memref_slice %arg10[%dma_start3A_510, %dma_start3A_516, %dma_start3A_517] : memref<4x100x64xf32, #tpu.memory_space<vmem>> -> memref<1x100x64xf32, #tpu.memory_space<vmem>>
        %dma_start3A_519 = tpu.memref_squeeze %dma_start3A_518 : memref<1x100x64xf32, #tpu.memory_space<vmem>> -> memref<100x64xf32, #tpu.memory_space<vmem>>
        %dma_start3A_520 = tpu.memref_slice %arg5[%add3A_509, %mul3A_2] : memref<327680x128xf32, #tpu.memory_space<hbm>> -> memref<100x64xf32, #tpu.memory_space<hbm>>
        tpu.enqueue_dma source(%dma_start3A_520 : memref<100x64xf32, #tpu.memory_space<hbm>>) target(%dma_start3A_519 : memref<100x64xf32, #tpu.memory_space<vmem>>) target_semaphore(%arg20 : memref<!tpu.dma_semaphore, #tpu.memory_space<semaphore_mem>>)
      } else {
      }
      %mul3A_429 = arith.constant 4 : i32
      %mul3A_430 = arith.muli %scan3A_256, %mul3A_429 : i32
      %add3A_431 = arith.constant 3 : i32
      %add3A_432 = arith.addi %mul3A_430, %add3A_431 : i32
      %dma_wait3A_433 = arith.constant 3 : i32
      %dma_wait3A_434 = arith.constant 3 : i32
      %dma_wait3A_435 = arith.constant 0 : i32
      %dma_wait3A_436 = arith.constant 0 : i32
      %dma_wait3A_437 = tpu.memref_slice %arg9[%dma_wait3A_434, %dma_wait3A_435, %dma_wait3A_436] : memref<4x100x64xf32, #tpu.memory_space<vmem>> -> memref<1x100x64xf32, #tpu.memory_space<vmem>>
      %dma_wait3A_438 = tpu.memref_squeeze %dma_wait3A_437 : memref<1x100x64xf32, #tpu.memory_space<vmem>> -> memref<100x64xf32, #tpu.memory_space<vmem>>
      %dma_wait3A_439 = arith.constant 0 : i32
      %dma_wait3A_440 = tpu.memref_slice %arg7[%rem3A_257, %dma_wait3A_433, %dma_wait3A_439] : memref<3x4x100xi32, #tpu.memory_space<vmem>> -> memref<1x1x100xi32, #tpu.memory_space<vmem>>
      %dma_wait3A_441 = tpu.memref_squeeze %dma_wait3A_440 : memref<1x1x100xi32, #tpu.memory_space<vmem>> -> memref<100xi32, #tpu.memory_space<vmem>>
      %dma_wait3A_442 = arith.constant 0 : i32
      %dma_wait3A_443 = arith.constant 0 : i32
      %dma_wait3A_444 = tpu.memref_slice %arg2[%dma_wait3A_442, %dma_wait3A_443] : memref<20000x64xf32, #tpu.memory_space<hbm>> -> memref<20000x64xf32, #tpu.memory_space<hbm>>
      tpu.wait_indirect_dma semaphore(%arg17 : memref<!tpu.dma_semaphore, #tpu.memory_space<semaphore_mem>>) src(%dma_wait3A_444 : memref<20000x64xf32, #tpu.memory_space<hbm>>) dst(%dma_wait3A_438 : memref<100x64xf32, #tpu.memory_space<vmem>>)
      %dma_wait3A_445 = arith.constant 3 : i32
      %dma_wait3A_446 = arith.constant 0 : i32
      %dma_wait3A_447 = arith.constant 0 : i32
      %dma_wait3A_448 = tpu.memref_slice %arg10[%dma_wait3A_445, %dma_wait3A_446, %dma_wait3A_447] : memref<4x100x64xf32, #tpu.memory_space<vmem>> -> memref<1x100x64xf32, #tpu.memory_space<vmem>>
      %dma_wait3A_449 = tpu.memref_squeeze %dma_wait3A_448 : memref<1x100x64xf32, #tpu.memory_space<vmem>> -> memref<100x64xf32, #tpu.memory_space<vmem>>
      %dma_wait3A_450 = tpu.memref_slice %arg5[%mul3A_0, %mul3A_2] : memref<327680x128xf32, #tpu.memory_space<hbm>> -> memref<100x64xf32, #tpu.memory_space<hbm>>
      %dma_wait3A_451 = arith.constant 0 : i32
      %dma_wait3A_452 = arith.constant 0 : i32
      %dma_wait3A_453 = tpu.memref_slice %arg10[%dma_wait3A_445, %dma_wait3A_451, %dma_wait3A_452] : memref<4x100x64xf32, #tpu.memory_space<vmem>> -> memref<1x100x64xf32, #tpu.memory_space<vmem>>
      %dma_wait3A_454 = tpu.memref_squeeze %dma_wait3A_453 : memref<1x100x64xf32, #tpu.memory_space<vmem>> -> memref<100x64xf32, #tpu.memory_space<vmem>>
      %dma_wait3A_455 = tpu.memref_slice %arg5[%mul3A_0, %mul3A_2] : memref<327680x128xf32, #tpu.memory_space<hbm>> -> memref<100x64xf32, #tpu.memory_space<hbm>>
      tpu.wait_dma2 semaphore(%arg21 : memref<!tpu.dma_semaphore, #tpu.memory_space<semaphore_mem>>) src(%dma_wait3A_455 : memref<100x64xf32, #tpu.memory_space<hbm>>) dst(%dma_wait3A_454 : memref<100x64xf32, #tpu.memory_space<vmem>>)
      %ge3A_456 = arith.constant 2 : i32
      %ge3A_457 = arith.cmpi sge, %add3A_432, %ge3A_456 : i32
      %convert_element_type3A_458 = arith.extui %ge3A_457 : i1 to i32
      %cond3A_459 = arith.constant 0 : i32
      %cond3A_460 = arith.cmpi ne, %convert_element_type3A_458, %cond3A_459 : i32
      scf.if %cond3A_460 {
        %dma_wait3A_493 = arith.constant 1 : i32
        %dma_wait3A_494 = arith.constant 1 : i32
        %dma_wait3A_495 = arith.constant 0 : i32
        %dma_wait3A_496 = arith.constant 0 : i32
        %dma_wait3A_497 = tpu.memref_slice %arg11[%dma_wait3A_493, %dma_wait3A_495, %dma_wait3A_496] : memref<2x100x64xf32, #tpu.memory_space<vmem>> -> memref<1x100x64xf32, #tpu.memory_space<vmem>>
        %dma_wait3A_498 = tpu.memref_squeeze %dma_wait3A_497 : memref<1x100x64xf32, #tpu.memory_space<vmem>> -> memref<100x64xf32, #tpu.memory_space<vmem>>
        %dma_wait3A_499 = arith.constant 0 : i32
        %dma_wait3A_500 = tpu.memref_slice %arg8[%rem3A_257, %dma_wait3A_494, %dma_wait3A_499] : memref<3x4x100xi32, #tpu.memory_space<vmem>> -> memref<1x1x100xi32, #tpu.memory_space<vmem>>
        %dma_wait3A_501 = tpu.memref_squeeze %dma_wait3A_500 : memref<1x1x100xi32, #tpu.memory_space<vmem>> -> memref<100xi32, #tpu.memory_space<vmem>>
        %dma_wait3A_502 = arith.constant 0 : i32
        %dma_wait3A_503 = arith.constant 0 : i32
        %dma_wait3A_504 = tpu.memref_slice %arg12[%dma_wait3A_502, %dma_wait3A_503] : memref<10000x64xf32, #tpu.memory_space<vmem_shared>> -> memref<10000x64xf32, #tpu.memory_space<vmem_shared>>
        tpu.wait_indirect_dma semaphore(%arg23 : memref<!tpu.dma_semaphore, #tpu.memory_space<semaphore_mem>>) src(%dma_wait3A_498 : memref<100x64xf32, #tpu.memory_space<vmem>>) dst(%dma_wait3A_504 : memref<10000x64xf32, #tpu.memory_space<vmem_shared>>)
      } else {
      }
      %scan3A_461 = arith.constant 0 : i32
      %scan3A_462 = arith.constant 0 : i32
      %scan3A_463 = arith.constant 50 : i32
      %scan3A_464 = arith.addi %scan3A_462, %scan3A_463 : i32
      %scan3A_465 = arith.constant 1 : i32
      scf.for %scan3A_493 = %scan3A_462 to %scan3A_464 step %scan3A_465  : i32 {
        %mul3A_494 = arith.constant 2 : i32
        %mul3A_495 = arith.muli %scan3A_493, %mul3A_494 : i32
        %add3A_496 = arith.constant 0 : i32
        %add3A_497 = arith.addi %mul3A_495, %add3A_496 : i32
        %get3A = arith.constant 3 : i32
        %get3A_498 = arith.index_cast %get3A : i32 to index
        %get3A_499 = arith.index_cast %add3A_497 : i32 to index
        %get3A_500 = arith.constant 0 : index
        %get3A_501 = tpu.vector_load %arg9[%get3A_498, %get3A_499, %get3A_500] {strides = array<i32>} : memref<4x100x64xf32, #tpu.memory_space<vmem>>, vector<16xf32>,
        %get3A_502 = arith.constant 3 : i32
        %get3A_503 = arith.index_cast %get3A_502 : i32 to index
        %get3A_504 = arith.index_cast %add3A_497 : i32 to index
        %get3A_505 = arith.constant 0 : index
        %get3A_506 = tpu.vector_load %arg10[%get3A_503, %get3A_504, %get3A_505] {strides = array<i32>} : memref<4x100x64xf32, #tpu.memory_space<vmem>>, vector<16xf32>,
        %mul3A_507 = arith.mulf %get3A_501, %get3A_506 : vector<16xf32>
        %swap3A = arith.constant 1 : i32
        %swap3A_508 = arith.index_cast %swap3A : i32 to index
        %swap3A_509 = arith.index_cast %add3A_497 : i32 to index
        %swap3A_510 = arith.constant 0 : index
        %swap3A_511 = tpu.vector_load %arg11[%swap3A_508, %swap3A_509, %swap3A_510] {strides = array<i32>} : memref<2x100x64xf32, #tpu.memory_space<vmem>>, vector<16xf32>,
        tpu.vector_store %arg11[%swap3A_508, %swap3A_509, %swap3A_510], %mul3A_507 {strides = array<i32>} : memref<2x100x64xf32, #tpu.memory_space<vmem>>, vector<16xf32>,
        %get3A_512 = arith.constant 3 : i32
        %get3A_513 = arith.index_cast %get3A_512 : i32 to index
        %get3A_514 = arith.index_cast %add3A_497 : i32 to index
        %get3A_515 = arith.constant 16 : index
        %get3A_516 = tpu.vector_load %arg9[%get3A_513, %get3A_514, %get3A_515] {strides = array<i32>} : memref<4x100x64xf32, #tpu.memory_space<vmem>>, vector<16xf32>,
        %get3A_517 = arith.constant 3 : i32
        %get3A_518 = arith.index_cast %get3A_517 : i32 to index
        %get3A_519 = arith.index_cast %add3A_497 : i32 to index
        %get3A_520 = arith.constant 16 : index
        %get3A_521 = tpu.vector_load %arg10[%get3A_518, %get3A_519, %get3A_520] {strides = array<i32>} : memref<4x100x64xf32, #tpu.memory_space<vmem>>, vector<16xf32>,
        %mul3A_522 = arith.mulf %get3A_516, %get3A_521 : vector<16xf32>
        %swap3A_523 = arith.constant 1 : i32
        %swap3A_524 = arith.index_cast %swap3A_523 : i32 to index
        %swap3A_525 = arith.index_cast %add3A_497 : i32 to index
        %swap3A_526 = arith.constant 16 : index
        %swap3A_527 = tpu.vector_load %arg11[%swap3A_524, %swap3A_525, %swap3A_526] {strides = array<i32>} : memref<2x100x64xf32, #tpu.memory_space<vmem>>, vector<16xf32>,
        tpu.vector_store %arg11[%swap3A_524, %swap3A_525, %swap3A_526], %mul3A_522 {strides = array<i32>} : memref<2x100x64xf32, #tpu.memory_space<vmem>>, vector<16xf32>,
        %get3A_528 = arith.constant 3 : i32
        %get3A_529 = arith.index_cast %get3A_528 : i32 to index
        %get3A_530 = arith.index_cast %add3A_497 : i32 to index
        %get3A_531 = arith.constant 32 : index
        %get3A_532 = tpu.vector_load %arg9[%get3A_529, %get3A_530, %get3A_531] {strides = array<i32>} : memref<4x100x64xf32, #tpu.memory_space<vmem>>, vector<16xf32>,
        %get3A_533 = arith.constant 3 : i32
        %get3A_534 = arith.index_cast %get3A_533 : i32 to index
        %get3A_535 = arith.index_cast %add3A_497 : i32 to index
        %get3A_536 = arith.constant 32 : index
        %get3A_537 = tpu.vector_load %arg10[%get3A_534, %get3A_535, %get3A_536] {strides = array<i32>} : memref<4x100x64xf32, #tpu.memory_space<vmem>>, vector<16xf32>,
        %mul3A_538 = arith.mulf %get3A_532, %get3A_537 : vector<16xf32>
        %swap3A_539 = arith.constant 1 : i32
        %swap3A_540 = arith.index_cast %swap3A_539 : i32 to index
        %swap3A_541 = arith.index_cast %add3A_497 : i32 to index
        %swap3A_542 = arith.constant 32 : index
        %swap3A_543 = tpu.vector_load %arg11[%swap3A_540, %swap3A_541, %swap3A_542] {strides = array<i32>} : memref<2x100x64xf32, #tpu.memory_space<vmem>>, vector<16xf32>,
        tpu.vector_store %arg11[%swap3A_540, %swap3A_541, %swap3A_542], %mul3A_538 {strides = array<i32>} : memref<2x100x64xf32, #tpu.memory_space<vmem>>, vector<16xf32>,
        %get3A_544 = arith.constant 3 : i32
        %get3A_545 = arith.index_cast %get3A_544 : i32 to index
        %get3A_546 = arith.index_cast %add3A_497 : i32 to index
        %get3A_547 = arith.constant 48 : index
        %get3A_548 = tpu.vector_load %arg9[%get3A_545, %get3A_546, %get3A_547] {strides = array<i32>} : memref<4x100x64xf32, #tpu.memory_space<vmem>>, vector<16xf32>,
        %get3A_549 = arith.constant 3 : i32
        %get3A_550 = arith.index_cast %get3A_549 : i32 to index
        %get3A_551 = arith.index_cast %add3A_497 : i32 to index
        %get3A_552 = arith.constant 48 : index
        %get3A_553 = tpu.vector_load %arg10[%get3A_550, %get3A_551, %get3A_552] {strides = array<i32>} : memref<4x100x64xf32, #tpu.memory_space<vmem>>, vector<16xf32>,
        %mul3A_554 = arith.mulf %get3A_548, %get3A_553 : vector<16xf32>
        %swap3A_555 = arith.constant 1 : i32
        %swap3A_556 = arith.index_cast %swap3A_555 : i32 to index
        %swap3A_557 = arith.index_cast %add3A_497 : i32 to index
        %swap3A_558 = arith.constant 48 : index
        %swap3A_559 = tpu.vector_load %arg11[%swap3A_556, %swap3A_557, %swap3A_558] {strides = array<i32>} : memref<2x100x64xf32, #tpu.memory_space<vmem>>, vector<16xf32>,
        tpu.vector_store %arg11[%swap3A_556, %swap3A_557, %swap3A_558], %mul3A_554 {strides = array<i32>} : memref<2x100x64xf32, #tpu.memory_space<vmem>>, vector<16xf32>,
        %mul3A_560 = arith.constant 2 : i32
        %mul3A_561 = arith.muli %scan3A_493, %mul3A_560 : i32
        %add3A_562 = arith.constant 1 : i32
        %add3A_563 = arith.addi %mul3A_561, %add3A_562 : i32
        %get3A_564 = arith.constant 3 : i32
        %get3A_565 = arith.index_cast %get3A_564 : i32 to index
        %get3A_566 = arith.index_cast %add3A_563 : i32 to index
        %get3A_567 = arith.constant 0 : index
        %get3A_568 = tpu.vector_load %arg9[%get3A_565, %get3A_566, %get3A_567] {strides = array<i32>} : memref<4x100x64xf32, #tpu.memory_space<vmem>>, vector<16xf32>,
        %get3A_569 = arith.constant 3 : i32
        %get3A_570 = arith.index_cast %get3A_569 : i32 to index
        %get3A_571 = arith.index_cast %add3A_563 : i32 to index
        %get3A_572 = arith.constant 0 : index
        %get3A_573 = tpu.vector_load %arg10[%get3A_570, %get3A_571, %get3A_572] {strides = array<i32>} : memref<4x100x64xf32, #tpu.memory_space<vmem>>, vector<16xf32>,
        %mul3A_574 = arith.mulf %get3A_568, %get3A_573 : vector<16xf32>
        %swap3A_575 = arith.constant 1 : i32
        %swap3A_576 = arith.index_cast %swap3A_575 : i32 to index
        %swap3A_577 = arith.index_cast %add3A_563 : i32 to index
        %swap3A_578 = arith.constant 0 : index
        %swap3A_579 = tpu.vector_load %arg11[%swap3A_576, %swap3A_577, %swap3A_578] {strides = array<i32>} : memref<2x100x64xf32, #tpu.memory_space<vmem>>, vector<16xf32>,
        tpu.vector_store %arg11[%swap3A_576, %swap3A_577, %swap3A_578], %mul3A_574 {strides = array<i32>} : memref<2x100x64xf32, #tpu.memory_space<vmem>>, vector<16xf32>,
        %get3A_580 = arith.constant 3 : i32
        %get3A_581 = arith.index_cast %get3A_580 : i32 to index
        %get3A_582 = arith.index_cast %add3A_563 : i32 to index
        %get3A_583 = arith.constant 16 : index
        %get3A_584 = tpu.vector_load %arg9[%get3A_581, %get3A_582, %get3A_583] {strides = array<i32>} : memref<4x100x64xf32, #tpu.memory_space<vmem>>, vector<16xf32>,
        %get3A_585 = arith.constant 3 : i32
        %get3A_586 = arith.index_cast %get3A_585 : i32 to index
        %get3A_587 = arith.index_cast %add3A_563 : i32 to index
        %get3A_588 = arith.constant 16 : index
        %get3A_589 = tpu.vector_load %arg10[%get3A_586, %get3A_587, %get3A_588] {strides = array<i32>} : memref<4x100x64xf32, #tpu.memory_space<vmem>>, vector<16xf32>,
        %mul3A_590 = arith.mulf %get3A_584, %get3A_589 : vector<16xf32>
        %swap3A_591 = arith.constant 1 : i32
        %swap3A_592 = arith.index_cast %swap3A_591 : i32 to index
        %swap3A_593 = arith.index_cast %add3A_563 : i32 to index
        %swap3A_594 = arith.constant 16 : index
        %swap3A_595 = tpu.vector_load %arg11[%swap3A_592, %swap3A_593, %swap3A_594] {strides = array<i32>} : memref<2x100x64xf32, #tpu.memory_space<vmem>>, vector<16xf32>,
        tpu.vector_store %arg11[%swap3A_592, %swap3A_593, %swap3A_594], %mul3A_590 {strides = array<i32>} : memref<2x100x64xf32, #tpu.memory_space<vmem>>, vector<16xf32>,
        %get3A_596 = arith.constant 3 : i32
        %get3A_597 = arith.index_cast %get3A_596 : i32 to index
        %get3A_598 = arith.index_cast %add3A_563 : i32 to index
        %get3A_599 = arith.constant 32 : index
        %get3A_600 = tpu.vector_load %arg9[%get3A_597, %get3A_598, %get3A_599] {strides = array<i32>} : memref<4x100x64xf32, #tpu.memory_space<vmem>>, vector<16xf32>,
        %get3A_601 = arith.constant 3 : i32
        %get3A_602 = arith.index_cast %get3A_601 : i32 to index
        %get3A_603 = arith.index_cast %add3A_563 : i32 to index
        %get3A_604 = arith.constant 32 : index
        %get3A_605 = tpu.vector_load %arg10[%get3A_602, %get3A_603, %get3A_604] {strides = array<i32>} : memref<4x100x64xf32, #tpu.memory_space<vmem>>, vector<16xf32>,
        %mul3A_606 = arith.mulf %get3A_600, %get3A_605 : vector<16xf32>
        %swap3A_607 = arith.constant 1 : i32
        %swap3A_608 = arith.index_cast %swap3A_607 : i32 to index
        %swap3A_609 = arith.index_cast %add3A_563 : i32 to index
        %swap3A_610 = arith.constant 32 : index
        %swap3A_611 = tpu.vector_load %arg11[%swap3A_608, %swap3A_609, %swap3A_610] {strides = array<i32>} : memref<2x100x64xf32, #tpu.memory_space<vmem>>, vector<16xf32>,
        tpu.vector_store %arg11[%swap3A_608, %swap3A_609, %swap3A_610], %mul3A_606 {strides = array<i32>} : memref<2x100x64xf32, #tpu.memory_space<vmem>>, vector<16xf32>,
        %get3A_612 = arith.constant 3 : i32
        %get3A_613 = arith.index_cast %get3A_612 : i32 to index
        %get3A_614 = arith.index_cast %add3A_563 : i32 to index
        %get3A_615 = arith.constant 48 : index
        %get3A_616 = tpu.vector_load %arg9[%get3A_613, %get3A_614, %get3A_615] {strides = array<i32>} : memref<4x100x64xf32, #tpu.memory_space<vmem>>, vector<16xf32>,
        %get3A_617 = arith.constant 3 : i32
        %get3A_618 = arith.index_cast %get3A_617 : i32 to index
        %get3A_619 = arith.index_cast %add3A_563 : i32 to index
        %get3A_620 = arith.constant 48 : index
        %get3A_621 = tpu.vector_load %arg10[%get3A_618, %get3A_619, %get3A_620] {strides = array<i32>} : memref<4x100x64xf32, #tpu.memory_space<vmem>>, vector<16xf32>,
        %mul3A_622 = arith.mulf %get3A_616, %get3A_621 : vector<16xf32>
        %swap3A_623 = arith.constant 1 : i32
        %swap3A_624 = arith.index_cast %swap3A_623 : i32 to index
        %swap3A_625 = arith.index_cast %add3A_563 : i32 to index
        %swap3A_626 = arith.constant 48 : index
        %swap3A_627 = tpu.vector_load %arg11[%swap3A_624, %swap3A_625, %swap3A_626] {strides = array<i32>} : memref<2x100x64xf32, #tpu.memory_space<vmem>>, vector<16xf32>,
        tpu.vector_store %arg11[%swap3A_624, %swap3A_625, %swap3A_626], %mul3A_622 {strides = array<i32>} : memref<2x100x64xf32, #tpu.memory_space<vmem>>, vector<16xf32>,
      }
      %scan3A_466 = arith.constant 50 : i32
      %dma_start3A_467 = arith.constant 1 : i32
      %dma_start3A_468 = arith.constant 3 : i32
      %dma_start3A_469 = arith.constant 0 : i32
      %dma_start3A_470 = arith.constant 0 : i32
      %dma_start3A_471 = tpu.memref_slice %arg11[%dma_start3A_467, %dma_start3A_469, %dma_start3A_470] : memref<2x100x64xf32, #tpu.memory_space<vmem>> -> memref<1x100x64xf32, #tpu.memory_space<vmem>>
      %dma_start3A_472 = tpu.memref_squeeze %dma_start3A_471 : memref<1x100x64xf32, #tpu.memory_space<vmem>> -> memref<100x64xf32, #tpu.memory_space<vmem>>
      %dma_start3A_473 = arith.constant 0 : i32
      %dma_start3A_474 = tpu.memref_slice %arg8[%rem3A_257, %dma_start3A_468, %dma_start3A_473] : memref<3x4x100xi32, #tpu.memory_space<vmem>> -> memref<1x1x100xi32, #tpu.memory_space<vmem>>
      %dma_start3A_475 = tpu.memref_squeeze %dma_start3A_474 : memref<1x1x100xi32, #tpu.memory_space<vmem>> -> memref<100xi32, #tpu.memory_space<vmem>>
      %dma_start3A_476 = arith.constant 0 : i32
      %dma_start3A_477 = arith.constant 0 : i32
      %dma_start3A_478 = tpu.memref_slice %arg12[%dma_start3A_476, %dma_start3A_477] : memref<10000x64xf32, #tpu.memory_space<vmem_shared>> -> memref<10000x64xf32, #tpu.memory_space<vmem_shared>>
      tpu.enqueue_indirect_dma source(%dma_start3A_472 : memref<100x64xf32, #tpu.memory_space<vmem>>) target(%dma_start3A_478 : memref<10000x64xf32, #tpu.memory_space<vmem_shared>>) offsets(%dma_start3A_475 : memref<100xi32, #tpu.memory_space<vmem>>) semaphore(%arg23 : memref<!tpu.dma_semaphore, #tpu.memory_space<semaphore_mem>>) {add = true}
      %add3A_479 = arith.constant 1 : i32
      %add3A_480 = arith.addi %scan3A_256, %add3A_479 : i32
      %lt3A_481 = arith.constant 50 : i32
      %lt3A_482 = arith.cmpi slt, %add3A_480, %lt3A_481 : i32
      %convert_element_type3A_483 = arith.extui %lt3A_482 : i1 to i32
      %cond3A_484 = arith.constant 0 : i32
      %cond3A_485 = arith.cmpi ne, %convert_element_type3A_483, %cond3A_484 : i32
      scf.if %cond3A_485 {
        %add3A_493 = arith.constant 4 : i32
        %add3A_494 = arith.addi %add3A_432, %add3A_493 : i32
        %dma_start3A_495 = arith.constant 3 : i32
        %dma_start3A_496 = arith.constant 3 : i32
        %dma_start3A_497 = arith.constant 0 : i32
        %dma_start3A_498 = arith.constant 0 : i32
        %dma_start3A_499 = tpu.memref_slice %arg9[%dma_start3A_496, %dma_start3A_497, %dma_start3A_498] : memref<4x100x64xf32, #tpu.memory_space<vmem>> -> memref<1x100x64xf32, #tpu.memory_space<vmem>>
        %dma_start3A_500 = tpu.memref_squeeze %dma_start3A_499 : memref<1x100x64xf32, #tpu.memory_space<vmem>> -> memref<100x64xf32, #tpu.memory_space<vmem>>
        %dma_start3A_501 = arith.constant 0 : i32
        %dma_start3A_502 = tpu.memref_slice %arg7[%rem3A_261, %dma_start3A_495, %dma_start3A_501] : memref<3x4x100xi32, #tpu.memory_space<vmem>> -> memref<1x1x100xi32, #tpu.memory_space<vmem>>
        %dma_start3A_503 = tpu.memref_squeeze %dma_start3A_502 : memref<1x1x100xi32, #tpu.memory_space<vmem>> -> memref<100xi32, #tpu.memory_space<vmem>>
        %dma_start3A_504 = arith.constant 0 : i32
        %dma_start3A_505 = arith.constant 0 : i32
        %dma_start3A_506 = tpu.memref_slice %arg2[%dma_start3A_504, %dma_start3A_505] : memref<20000x64xf32, #tpu.memory_space<hbm>> -> memref<20000x64xf32, #tpu.memory_space<hbm>>
        tpu.enqueue_indirect_dma source(%dma_start3A_506 : memref<20000x64xf32, #tpu.memory_space<hbm>>) target(%dma_start3A_500 : memref<100x64xf32, #tpu.memory_space<vmem>>) offsets(%dma_start3A_503 : memref<100xi32, #tpu.memory_space<vmem>>) semaphore(%arg17 : memref<!tpu.dma_semaphore, #tpu.memory_space<semaphore_mem>>)
        %mul3A_507 = arith.constant 100 : i32
        %mul3A_508 = arith.muli %add3A_494, %mul3A_507 : i32
        %add3A_509 = arith.addi %mul3A_0, %mul3A_508 : i32
        %dma_start3A_510 = arith.constant 3 : i32
        %dma_start3A_511 = arith.constant 0 : i32
        %dma_start3A_512 = arith.constant 0 : i32
        %dma_start3A_513 = tpu.memref_slice %arg10[%dma_start3A_510, %dma_start3A_511, %dma_start3A_512] : memref<4x100x64xf32, #tpu.memory_space<vmem>> -> memref<1x100x64xf32, #tpu.memory_space<vmem>>
        %dma_start3A_514 = tpu.memref_squeeze %dma_start3A_513 : memref<1x100x64xf32, #tpu.memory_space<vmem>> -> memref<100x64xf32, #tpu.memory_space<vmem>>
        %dma_start3A_515 = tpu.memref_slice %arg5[%add3A_509, %mul3A_2] : memref<327680x128xf32, #tpu.memory_space<hbm>> -> memref<100x64xf32, #tpu.memory_space<hbm>>
        %dma_start3A_516 = arith.constant 0 : i32
        %dma_start3A_517 = arith.constant 0 : i32
        %dma_start3A_518 = tpu.memref_slice %arg10[%dma_start3A_510, %dma_start3A_516, %dma_start3A_517] : memref<4x100x64xf32, #tpu.memory_space<vmem>> -> memref<1x100x64xf32, #tpu.memory_space<vmem>>
        %dma_start3A_519 = tpu.memref_squeeze %dma_start3A_518 : memref<1x100x64xf32, #tpu.memory_space<vmem>> -> memref<100x64xf32, #tpu.memory_space<vmem>>
        %dma_start3A_520 = tpu.memref_slice %arg5[%add3A_509, %mul3A_2] : memref<327680x128xf32, #tpu.memory_space<hbm>> -> memref<100x64xf32, #tpu.memory_space<hbm>>
        tpu.enqueue_dma source(%dma_start3A_520 : memref<100x64xf32, #tpu.memory_space<hbm>>) target(%dma_start3A_519 : memref<100x64xf32, #tpu.memory_space<vmem>>) target_semaphore(%arg21 : memref<!tpu.dma_semaphore, #tpu.memory_space<semaphore_mem>>)
      } else {
      }
      %add3A_486 = arith.constant 2 : i32
      %add3A_487 = arith.addi %scan3A_256, %add3A_486 : i32
      %lt3A_488 = arith.constant 50 : i32
      %lt3A_489 = arith.cmpi slt, %add3A_487, %lt3A_488 : i32
      %convert_element_type3A_490 = arith.extui %lt3A_489 : i1 to i32
      %cond3A_491 = arith.constant 0 : i32
      %cond3A_492 = arith.cmpi ne, %convert_element_type3A_490, %cond3A_491 : i32
      scf.if %cond3A_492 {
        %add3A_493 = arith.constant 2 : i32
        %add3A_494 = arith.addi %scan3A_256, %add3A_493 : i32
        %add3A_495 = arith.constant 2 : i32
        %add3A_496 = arith.addi %scan3A_256, %add3A_495 : i32
        %rem3A_497 = arith.constant 3 : i32
        %rem3A_498 = arith.remsi %add3A_496, %rem3A_497 : i32
        %mul3A_499 = arith.constant 4 : i32
        %mul3A_500 = arith.muli %add3A_494, %mul3A_499 : i32
        %dma_start3A_501 = arith.constant 0 : i32
        %dma_start3A_502 = arith.constant 0 : i32
        %dma_start3A_503 = tpu.memref_slice %arg7[%rem3A_498, %dma_start3A_501, %dma_start3A_502] : memref<3x4x100xi32, #tpu.memory_space<vmem>> -> memref<1x4x100xi32, #tpu.memory_space<vmem>>
        %dma_start3A_504 = tpu.memref_squeeze %dma_start3A_503 : memref<1x4x100xi32, #tpu.memory_space<vmem>> -> memref<4x100xi32, #tpu.memory_space<vmem>>
        %dma_start3A_505 = arith.constant 0 : i32
        %dma_start3A_506 = tpu.memref_slice %arg3[%arg0, %arg1, %mul3A_500, %dma_start3A_505] : memref<2x16x200x100xi32, #tpu.memory_space<hbm>> -> memref<1x1x4x100xi32, #tpu.memory_space<hbm>>
        %dma_start3A_507 = tpu.memref_squeeze %dma_start3A_506 : memref<1x1x4x100xi32, #tpu.memory_space<hbm>> -> memref<4x100xi32, #tpu.memory_space<hbm>>
        %dma_start3A_508 = arith.constant 0 : i32
        %dma_start3A_509 = arith.constant 0 : i32
        %dma_start3A_510 = tpu.memref_slice %arg7[%rem3A_498, %dma_start3A_508, %dma_start3A_509] : memref<3x4x100xi32, #tpu.memory_space<vmem>> -> memref<1x4x100xi32, #tpu.memory_space<vmem>>
        %dma_start3A_511 = tpu.memref_squeeze %dma_start3A_510 : memref<1x4x100xi32, #tpu.memory_space<vmem>> -> memref<4x100xi32, #tpu.memory_space<vmem>>
        %dma_start3A_512 = arith.constant 0 : i32
        %dma_start3A_513 = tpu.memref_slice %arg3[%arg0, %arg1, %mul3A_500, %dma_start3A_512] : memref<2x16x200x100xi32, #tpu.memory_space<hbm>> -> memref<1x1x4x100xi32, #tpu.memory_space<hbm>>
        %dma_start3A_514 = tpu.memref_squeeze %dma_start3A_513 : memref<1x1x4x100xi32, #tpu.memory_space<hbm>> -> memref<4x100xi32, #tpu.memory_space<hbm>>
        tpu.enqueue_dma source(%dma_start3A_514 : memref<4x100xi32, #tpu.memory_space<hbm>>) target(%dma_start3A_511 : memref<4x100xi32, #tpu.memory_space<vmem>>) target_semaphore(%arg13 : memref<!tpu.dma_semaphore, #tpu.memory_space<semaphore_mem>>)
        %mul3A_515 = arith.constant 4 : i32
        %mul3A_516 = arith.muli %add3A_494, %mul3A_515 : i32
        %dma_start3A_517 = arith.constant 0 : i32
        %dma_start3A_518 = arith.constant 0 : i32
        %dma_start3A_519 = tpu.memref_slice %arg8[%rem3A_498, %dma_start3A_517, %dma_start3A_518] : memref<3x4x100xi32, #tpu.memory_space<vmem>> -> memref<1x4x100xi32, #tpu.memory_space<vmem>>
        %dma_start3A_520 = tpu.memref_squeeze %dma_start3A_519 : memref<1x4x100xi32, #tpu.memory_space<vmem>> -> memref<4x100xi32, #tpu.memory_space<vmem>>
        %dma_start3A_521 = arith.constant 0 : i32
        %dma_start3A_522 = tpu.memref_slice %arg4[%arg1, %mul3A_516, %dma_start3A_521] : memref<16x200x100xi32, #tpu.memory_space<hbm>> -> memref<1x4x100xi32, #tpu.memory_space<hbm>>
        %dma_start3A_523 = tpu.memref_squeeze %dma_start3A_522 : memref<1x4x100xi32, #tpu.memory_space<hbm>> -> memref<4x100xi32, #tpu.memory_space<hbm>>
        %dma_start3A_524 = arith.constant 0 : i32
        %dma_start3A_525 = arith.constant 0 : i32
        %dma_start3A_526 = tpu.memref_slice %arg8[%rem3A_498, %dma_start3A_524, %dma_start3A_525] : memref<3x4x100xi32, #tpu.memory_space<vmem>> -> memref<1x4x100xi32, #tpu.memory_space<vmem>>
        %dma_start3A_527 = tpu.memref_squeeze %dma_start3A_526 : memref<1x4x100xi32, #tpu.memory_space<vmem>> -> memref<4x100xi32, #tpu.memory_space<vmem>>
        %dma_start3A_528 = arith.constant 0 : i32
        %dma_start3A_529 = tpu.memref_slice %arg4[%arg1, %mul3A_516, %dma_start3A_528] : memref<16x200x100xi32, #tpu.memory_space<hbm>> -> memref<1x4x100xi32, #tpu.memory_space<hbm>>
        %dma_start3A_530 = tpu.memref_squeeze %dma_start3A_529 : memref<1x4x100xi32, #tpu.memory_space<hbm>> -> memref<4x100xi32, #tpu.memory_space<hbm>>
        tpu.enqueue_dma source(%dma_start3A_530 : memref<4x100xi32, #tpu.memory_space<hbm>>) target(%dma_start3A_527 : memref<4x100xi32, #tpu.memory_space<vmem>>) target_semaphore(%arg13 : memref<!tpu.dma_semaphore, #tpu.memory_space<semaphore_mem>>)
      } else {
      }
    }
    %scan3A_222 = arith.constant 50 : i32
    %dma_wait3A_223 = arith.constant 0 : i32
    %dma_wait3A_224 = arith.constant 1 : i32
    %dma_wait3A_225 = arith.constant 0 : i32
    %dma_wait3A_226 = arith.constant 0 : i32
    %dma_wait3A_227 = arith.constant 0 : i32
    %dma_wait3A_228 = tpu.memref_slice %arg11[%dma_wait3A_223, %dma_wait3A_226, %dma_wait3A_227] : memref<2x100x64xf32, #tpu.memory_space<vmem>> -> memref<1x100x64xf32, #tpu.memory_space<vmem>>
    %dma_wait3A_229 = tpu.memref_squeeze %dma_wait3A_228 : memref<1x100x64xf32, #tpu.memory_space<vmem>> -> memref<100x64xf32, #tpu.memory_space<vmem>>
    %dma_wait3A_230 = arith.constant 0 : i32
    %dma_wait3A_231 = tpu.memref_slice %arg8[%dma_wait3A_224, %dma_wait3A_225, %dma_wait3A_230] : memref<3x4x100xi32, #tpu.memory_space<vmem>> -> memref<1x1x100xi32, #tpu.memory_space<vmem>>
    %dma_wait3A_232 = tpu.memref_squeeze %dma_wait3A_231 : memref<1x1x100xi32, #tpu.memory_space<vmem>> -> memref<100xi32, #tpu.memory_space<vmem>>
    %dma_wait3A_233 = arith.constant 0 : i32
    %dma_wait3A_234 = arith.constant 0 : i32
    %dma_wait3A_235 = tpu.memref_slice %arg12[%dma_wait3A_233, %dma_wait3A_234] : memref<10000x64xf32, #tpu.memory_space<vmem_shared>> -> memref<10000x64xf32, #tpu.memory_space<vmem_shared>>
    tpu.wait_indirect_dma semaphore(%arg22 : memref<!tpu.dma_semaphore, #tpu.memory_space<semaphore_mem>>) src(%dma_wait3A_229 : memref<100x64xf32, #tpu.memory_space<vmem>>) dst(%dma_wait3A_235 : memref<10000x64xf32, #tpu.memory_space<vmem_shared>>)
    %dma_wait3A_236 = arith.constant 1 : i32
    %dma_wait3A_237 = arith.constant 1 : i32
    %dma_wait3A_238 = arith.constant 1 : i32
    %dma_wait3A_239 = arith.constant 0 : i32
    %dma_wait3A_240 = arith.constant 0 : i32
    %dma_wait3A_241 = tpu.memref_slice %arg11[%dma_wait3A_236, %dma_wait3A_239, %dma_wait3A_240] : memref<2x100x64xf32, #tpu.memory_space<vmem>> -> memref<1x100x64xf32, #tpu.memory_space<vmem>>
    %dma_wait3A_242 = tpu.memref_squeeze %dma_wait3A_241 : memref<1x100x64xf32, #tpu.memory_space<vmem>> -> memref<100x64xf32, #tpu.memory_space<vmem>>
    %dma_wait3A_243 = arith.constant 0 : i32
    %dma_wait3A_244 = tpu.memref_slice %arg8[%dma_wait3A_237, %dma_wait3A_238, %dma_wait3A_243] : memref<3x4x100xi32, #tpu.memory_space<vmem>> -> memref<1x1x100xi32, #tpu.memory_space<vmem>>
    %dma_wait3A_245 = tpu.memref_squeeze %dma_wait3A_244 : memref<1x1x100xi32, #tpu.memory_space<vmem>> -> memref<100xi32, #tpu.memory_space<vmem>>
    %dma_wait3A_246 = arith.constant 0 : i32
    %dma_wait3A_247 = arith.constant 0 : i32
    %dma_wait3A_248 = tpu.memref_slice %arg12[%dma_wait3A_246, %dma_wait3A_247] : memref<10000x64xf32, #tpu.memory_space<vmem_shared>> -> memref<10000x64xf32, #tpu.memory_space<vmem_shared>>
    tpu.wait_indirect_dma semaphore(%arg23 : memref<!tpu.dma_semaphore, #tpu.memory_space<semaphore_mem>>) src(%dma_wait3A_242 : memref<100x64xf32, #tpu.memory_space<vmem>>) dst(%dma_wait3A_248 : memref<10000x64xf32, #tpu.memory_space<vmem_shared>>)
    %barrier3A_249 = arith.constant 0 : index
    tpu.barrier barrier_id(%barrier3A_249)
    %scan3A_250 = arith.constant 0 : i32
    %scan3A_251 = arith.constant 0 : i32
    %scan3A_252 = arith.constant 7 : i32
    %scan3A_253 = arith.addi %scan3A_251, %scan3A_252 : i32
    %scan3A_254 = arith.constant 1 : i32
    scf.for %scan3A_256 = %scan3A_251 to %scan3A_253 step %scan3A_254  : i32 {
      %mul3A_257 = arith.constant 16 : i32
      %mul3A_258 = arith.muli %scan3A_256, %mul3A_257 : i32
      %add3A_259 = arith.addi %mul3A_258, %arg1 : i32
      %lt3A = arith.constant 100 : i32
      %lt3A_260 = arith.cmpi slt, %add3A_259, %lt3A : i32
      %convert_element_type3A = arith.extui %lt3A_260 : i1 to i32
      %cond3A = arith.constant 0 : i32
      %cond3A_261 = arith.cmpi ne, %convert_element_type3A, %cond3A : i32
      scf.if %cond3A_261 {
        %mul3A_262 = arith.constant 100 : i32
        %mul3A_263 = arith.muli %add3A_259, %mul3A_262 : i32
        %run_scoped3A = arith.constant 0 : i32
        "tpu.region"() ({
          %run_scoped3A_265 = tpu.sem_alloc : memref<!tpu.dma_semaphore, #tpu.memory_space<semaphore_mem>>
          %dma_start3A_266 = arith.constant 0 : i32
          %dma_start3A_267 = arith.constant 0 : i32
          %dma_start3A_268 = tpu.memref_slice %arg11[%run_scoped3A, %dma_start3A_266, %dma_start3A_267] : memref<2x100x64xf32, #tpu.memory_space<vmem>> -> memref<1x100x64xf32, #tpu.memory_space<vmem>>
          %dma_start3A_269 = tpu.memref_squeeze %dma_start3A_268 : memref<1x100x64xf32, #tpu.memory_space<vmem>> -> memref<100x64xf32, #tpu.memory_space<vmem>>
          %dma_start3A_270 = arith.constant 0 : i32
          %dma_start3A_271 = tpu.memref_slice %arg12[%mul3A_263, %dma_start3A_270] : memref<10000x64xf32, #tpu.memory_space<vmem_shared>> -> memref<100x64xf32, #tpu.memory_space<vmem_shared>>
          %dma_start3A_272 = arith.constant 0 : i32
          %dma_start3A_273 = arith.constant 0 : i32
          %dma_start3A_274 = tpu.memref_slice %arg11[%run_scoped3A, %dma_start3A_272, %dma_start3A_273] : memref<2x100x64xf32, #tpu.memory_space<vmem>> -> memref<1x100x64xf32, #tpu.memory_space<vmem>>
          %dma_start3A_275 = tpu.memref_squeeze %dma_start3A_274 : memref<1x100x64xf32, #tpu.memory_space<vmem>> -> memref<100x64xf32, #tpu.memory_space<vmem>>
          %dma_start3A_276 = arith.constant 0 : i32
          %dma_start3A_277 = tpu.memref_slice %arg12[%mul3A_263, %dma_start3A_276] : memref<10000x64xf32, #tpu.memory_space<vmem_shared>> -> memref<100x64xf32, #tpu.memory_space<vmem_shared>>
          tpu.enqueue_dma source(%dma_start3A_277 : memref<100x64xf32, #tpu.memory_space<vmem_shared>>) target(%dma_start3A_275 : memref<100x64xf32, #tpu.memory_space<vmem>>) target_semaphore(%run_scoped3A_265 : memref<!tpu.dma_semaphore, #tpu.memory_space<semaphore_mem>>)
          %dma_wait3A_278 = arith.constant 0 : i32
          %dma_wait3A_279 = arith.constant 0 : i32
          %dma_wait3A_280 = tpu.memref_slice %arg11[%run_scoped3A, %dma_wait3A_278, %dma_wait3A_279] : memref<2x100x64xf32, #tpu.memory_space<vmem>> -> memref<1x100x64xf32, #tpu.memory_space<vmem>>
          %dma_wait3A_281 = tpu.memref_squeeze %dma_wait3A_280 : memref<1x100x64xf32, #tpu.memory_space<vmem>> -> memref<100x64xf32, #tpu.memory_space<vmem>>
          %dma_wait3A_282 = arith.constant 0 : i32
          %dma_wait3A_283 = tpu.memref_slice %arg12[%mul3A_263, %dma_wait3A_282] : memref<10000x64xf32, #tpu.memory_space<vmem_shared>> -> memref<100x64xf32, #tpu.memory_space<vmem_shared>>
          %dma_wait3A_284 = arith.constant 0 : i32
          %dma_wait3A_285 = arith.constant 0 : i32
          %dma_wait3A_286 = tpu.memref_slice %arg11[%run_scoped3A, %dma_wait3A_284, %dma_wait3A_285] : memref<2x100x64xf32, #tpu.memory_space<vmem>> -> memref<1x100x64xf32, #tpu.memory_space<vmem>>
          %dma_wait3A_287 = tpu.memref_squeeze %dma_wait3A_286 : memref<1x100x64xf32, #tpu.memory_space<vmem>> -> memref<100x64xf32, #tpu.memory_space<vmem>>
          %dma_wait3A_288 = arith.constant 0 : i32
          %dma_wait3A_289 = tpu.memref_slice %arg12[%mul3A_263, %dma_wait3A_288] : memref<10000x64xf32, #tpu.memory_space<vmem_shared>> -> memref<100x64xf32, #tpu.memory_space<vmem_shared>>
          tpu.wait_dma2 semaphore(%run_scoped3A_265 : memref<!tpu.dma_semaphore, #tpu.memory_space<semaphore_mem>>) src(%dma_wait3A_289 : memref<100x64xf32, #tpu.memory_space<vmem_shared>>) dst(%dma_wait3A_287 : memref<100x64xf32, #tpu.memory_space<vmem>>)
          tpu.yield
        }) : () -> ()
        %run_scoped3A_264 = arith.constant 0 : i32
        "tpu.region"() ({
          %run_scoped3A_265 = tpu.sem_alloc : memref<!tpu.dma_semaphore, #tpu.memory_space<semaphore_mem>>
          %dma_start3A_266 = arith.constant 0 : i32
          %dma_start3A_267 = arith.constant 0 : i32
          %dma_start3A_268 = tpu.memref_slice %arg11[%run_scoped3A_264, %dma_start3A_266, %dma_start3A_267] : memref<2x100x64xf32, #tpu.memory_space<vmem>> -> memref<1x100x64xf32, #tpu.memory_space<vmem>>
          %dma_start3A_269 = tpu.memref_squeeze %dma_start3A_268 : memref<1x100x64xf32, #tpu.memory_space<vmem>> -> memref<100x64xf32, #tpu.memory_space<vmem>>
          %dma_start3A_270 = arith.constant 0 : i32
          %dma_start3A_271 = tpu.memref_slice %arg6[%add3A_259, %dma_start3A_270, %mul3A_2] : memref<100x100x128xf32, #tpu.memory_space<hbm>> -> memref<1x100x64xf32, #tpu.memory_space<hbm>>
          %dma_start3A_272 = tpu.memref_squeeze %dma_start3A_271 : memref<1x100x64xf32, #tpu.memory_space<hbm>> -> memref<100x64xf32, #tpu.memory_space<hbm>>
          %dma_start3A_273 = arith.constant 0 : i32
          %dma_start3A_274 = tpu.memref_slice %arg6[%add3A_259, %dma_start3A_273, %mul3A_2] : memref<100x100x128xf32, #tpu.memory_space<hbm>> -> memref<1x100x64xf32, #tpu.memory_space<hbm>>
          %dma_start3A_275 = tpu.memref_squeeze %dma_start3A_274 : memref<1x100x64xf32, #tpu.memory_space<hbm>> -> memref<100x64xf32, #tpu.memory_space<hbm>>
          %dma_start3A_276 = arith.constant 0 : i32
          %dma_start3A_277 = arith.constant 0 : i32
          %dma_start3A_278 = tpu.memref_slice %arg11[%run_scoped3A_264, %dma_start3A_276, %dma_start3A_277] : memref<2x100x64xf32, #tpu.memory_space<vmem>> -> memref<1x100x64xf32, #tpu.memory_space<vmem>>
          %dma_start3A_279 = tpu.memref_squeeze %dma_start3A_278 : memref<1x100x64xf32, #tpu.memory_space<vmem>> -> memref<100x64xf32, #tpu.memory_space<vmem>>
          tpu.enqueue_dma source(%dma_start3A_279 : memref<100x64xf32, #tpu.memory_space<vmem>>) target(%dma_start3A_275 : memref<100x64xf32, #tpu.memory_space<hbm>>) target_semaphore(%run_scoped3A_265 : memref<!tpu.dma_semaphore, #tpu.memory_space<semaphore_mem>>)
          %dma_wait3A_280 = arith.constant 0 : i32
          %dma_wait3A_281 = arith.constant 0 : i32
          %dma_wait3A_282 = tpu.memref_slice %arg11[%run_scoped3A_264, %dma_wait3A_280, %dma_wait3A_281] : memref<2x100x64xf32, #tpu.memory_space<vmem>> -> memref<1x100x64xf32, #tpu.memory_space<vmem>>
          %dma_wait3A_283 = tpu.memref_squeeze %dma_wait3A_282 : memref<1x100x64xf32, #tpu.memory_space<vmem>> -> memref<100x64xf32, #tpu.memory_space<vmem>>
          %dma_wait3A_284 = arith.constant 0 : i32
          %dma_wait3A_285 = tpu.memref_slice %arg6[%add3A_259, %dma_wait3A_284, %mul3A_2] : memref<100x100x128xf32, #tpu.memory_space<hbm>> -> memref<1x100x64xf32, #tpu.memory_space<hbm>>
          %dma_wait3A_286 = tpu.memref_squeeze %dma_wait3A_285 : memref<1x100x64xf32, #tpu.memory_space<hbm>> -> memref<100x64xf32, #tpu.memory_space<hbm>>
          %dma_wait3A_287 = arith.constant 0 : i32
          %dma_wait3A_288 = tpu.memref_slice %arg6[%add3A_259, %dma_wait3A_287, %mul3A_2] : memref<100x100x128xf32, #tpu.memory_space<hbm>> -> memref<1x100x64xf32, #tpu.memory_space<hbm>>
          %dma_wait3A_289 = tpu.memref_squeeze %dma_wait3A_288 : memref<1x100x64xf32, #tpu.memory_space<hbm>> -> memref<100x64xf32, #tpu.memory_space<hbm>>
          %dma_wait3A_290 = arith.constant 0 : i32
          %dma_wait3A_291 = arith.constant 0 : i32
          %dma_wait3A_292 = tpu.memref_slice %arg11[%run_scoped3A_264, %dma_wait3A_290, %dma_wait3A_291] : memref<2x100x64xf32, #tpu.memory_space<vmem>> -> memref<1x100x64xf32, #tpu.memory_space<vmem>>
          %dma_wait3A_293 = tpu.memref_squeeze %dma_wait3A_292 : memref<1x100x64xf32, #tpu.memory_space<vmem>> -> memref<100x64xf32, #tpu.memory_space<vmem>>
          tpu.wait_dma2 semaphore(%run_scoped3A_265 : memref<!tpu.dma_semaphore, #tpu.memory_space<semaphore_mem>>) src(%dma_wait3A_293 : memref<100x64xf32, #tpu.memory_space<vmem>>) dst(%dma_wait3A_289 : memref<100x64xf32, #tpu.memory_space<hbm>>)
          tpu.yield
        }) : () -> ()
      } else {
      }
    }
    %scan3A_255 = arith.constant 7 : i32
    return
  }
}

module attributes {stable_mosaic.version = 14 : i64} {
  func.func @_ef_body(%arg0: i32, %arg1: memref<8192xf32, #tpu.memory_space<vmem>>, %arg2: memref<1x64xf32, #tpu.memory_space<vmem>>, %arg3: memref<64x128xf32, #tpu.memory_space<vmem>>, %arg4: memref<1x128xf32, #tpu.memory_space<vmem>>, %arg5: memref<8192x128xf32, #tpu.memory_space<vmem>>) attributes {dimension_semantics = [#tpu.dimension_semantics<arbitrary>], iteration_bounds = array<i64: 40>, scalar_prefetch = 0 : i64, scratch_operands = 0 : i64, tpu.core_type = #tpu.core_type<tc>, window_params = [{transform_indices = @transform_0, window_bounds = array<i64: 8192>}, {pipeline_mode = #tpu.pipeline_mode<synchronous>, transform_indices = @transform_1, window_bounds = array<i64: 1, 64>}, {pipeline_mode = #tpu.pipeline_mode<synchronous>, transform_indices = @transform_2, window_bounds = array<i64: 64, 128>}, {pipeline_mode = #tpu.pipeline_mode<synchronous>, transform_indices = @transform_3, window_bounds = array<i64: 1, 128>}, {transform_indices = @transform_4, window_bounds = array<i64: 8192, 128>}]} {
    %get3A = arith.constant 0 : index
    %get3A_0 = vector.load %arg1[%get3A] : memref<8192xf32, #tpu.memory_space<vmem>>, vector<8192xf32>
    %sqrt3A = math.sqrt %get3A_0 : vector<8192xf32>
    %reshape3A = vector.shape_cast %sqrt3A : vector<8192xf32> to vector<8192x1xf32>
    %get3A_1 = arith.constant 0 : index
    %get3A_2 = arith.constant 0 : index
    %get3A_3 = vector.load %arg2[%get3A_1, %get3A_2] : memref<1x64xf32, #tpu.memory_space<vmem>>, vector<1x64xf32>
    %sub3A = vector.broadcast %reshape3A : vector<8192x1xf32> to vector<8192x64xf32>
    %sub3A_4 = vector.broadcast %get3A_3 : vector<1x64xf32> to vector<8192x64xf32>
    %sub3A_5 = arith.subf %sub3A, %sub3A_4 : vector<8192x64xf32>
    %mul3A = arith.mulf %sub3A_5, %sub3A_5 : vector<8192x64xf32>
    %mul3A_6 = arith.constant -48.0199966 : f32
    %mul3A_7 = vector.broadcast %mul3A_6 : f32 to vector<8192x64xf32>
    %mul3A_8 = arith.mulf %mul3A_7, %mul3A : vector<8192x64xf32>
    %exp3A = math.exp %mul3A_8 : vector<8192x64xf32>
    %get3A_9 = arith.constant 0 : index
    %get3A_10 = arith.constant 0 : index
    %get3A_11 = vector.load %arg3[%get3A_9, %get3A_10] : memref<64x128xf32, #tpu.memory_space<vmem>>, vector<64x128xf32>
    %dot_general3A = arith.constant dense<0.000000e+00> : vector<8192x128xf32>
    %dot_general3A_12 = tpu.matmul %exp3A, %get3A_11, %dot_general3A {dimension_numbers = #tpu.dot_dimension_numbers<[1], [0], [0], [1], [0, 0, 1, 1], [], []>, transpose_lhs_hint = false} : vector<8192x64xf32>, vector<64x128xf32>, vector<8192x128xf32> -> vector<8192x128xf32>
    %get3A_13 = arith.constant 0 : index
    %get3A_14 = arith.constant 0 : index
    %get3A_15 = vector.load %arg4[%get3A_13, %get3A_14] : memref<1x128xf32, #tpu.memory_space<vmem>>, vector<1x128xf32>
    %add3A = vector.broadcast %get3A_15 : vector<1x128xf32> to vector<8192x128xf32>
    %add3A_16 = arith.addf %dot_general3A_12, %add3A : vector<8192x128xf32>
    %max3A = arith.constant 0.000000e+00 : f32
    %max3A_17 = vector.broadcast %max3A : f32 to vector<8192x128xf32>
    %max3A_18 = arith.maximumf %add3A_16, %max3A_17 : vector<8192x128xf32>
    %swap3A = arith.constant 0 : index
    %swap3A_19 = arith.constant 0 : index
    %swap3A_20 = vector.load %arg5[%swap3A, %swap3A_19] : memref<8192x128xf32, #tpu.memory_space<vmem>>, vector<8192x128xf32>
    tpu.vector_store %arg5[%swap3A, %swap3A_19], %max3A_18 {strides = array<i32>} : memref<8192x128xf32, #tpu.memory_space<vmem>>, vector<8192x128xf32>,
    return
  }
  func.func @transform_0(%arg0: i32) -> i32 {
    %c0_i32 = arith.constant 0 : i32
    return %arg0 : i32
  }
  func.func @transform_1(%arg0: i32) -> (i32, i32) {
    %c0_i32 = arith.constant 0 : i32
    %c0_i32_0 = arith.constant 0 : i32
    %c0_i32_1 = arith.constant 0 : i32
    return %c0_i32, %c0_i32_0 : i32, i32
  }
  func.func @transform_2(%arg0: i32) -> (i32, i32) {
    %c0_i32 = arith.constant 0 : i32
    %c0_i32_0 = arith.constant 0 : i32
    %c0_i32_1 = arith.constant 0 : i32
    return %c0_i32, %c0_i32_0 : i32, i32
  }
  func.func @transform_3(%arg0: i32) -> (i32, i32) {
    %c0_i32 = arith.constant 0 : i32
    %c0_i32_0 = arith.constant 0 : i32
    %c0_i32_1 = arith.constant 0 : i32
    return %c0_i32, %c0_i32_0 : i32, i32
  }
  func.func @transform_4(%arg0: i32) -> (i32, i32) {
    %c0_i32 = arith.constant 0 : i32
    %c0_i32_0 = arith.constant 0 : i32
    return %arg0, %c0_i32 : i32, i32
  }
}

module attributes {stable_mosaic.version = 14 : i64} {
  func.func @_out_body(%arg0: i32, %arg1: memref<1000x128xf32, #tpu.memory_space<vmem>>, %arg2: memref<1000x128xf32, #tpu.memory_space<vmem>>, %arg3: memref<128x128xf32, #tpu.memory_space<vmem>>, %arg4: memref<128x128xf32, #tpu.memory_space<vmem>>, %arg5: memref<1x128xf32, #tpu.memory_space<vmem>>, %arg6: memref<1000x128xf32, #tpu.memory_space<vmem>>) attributes {dimension_semantics = [#tpu.dimension_semantics<arbitrary>], iteration_bounds = array<i64: 10>, scalar_prefetch = 0 : i64, scratch_operands = 0 : i64, tpu.core_type = #tpu.core_type<tc>, window_params = [{transform_indices = @transform_0, window_bounds = array<i64: 1000, 128>}, {transform_indices = @transform_1, window_bounds = array<i64: 1000, 128>}, {pipeline_mode = #tpu.pipeline_mode<synchronous>, transform_indices = @transform_2, window_bounds = array<i64: 128, 128>}, {pipeline_mode = #tpu.pipeline_mode<synchronous>, transform_indices = @transform_3, window_bounds = array<i64: 128, 128>}, {pipeline_mode = #tpu.pipeline_mode<synchronous>, transform_indices = @transform_4, window_bounds = array<i64: 1, 128>}, {transform_indices = @transform_5, window_bounds = array<i64: 1000, 128>}]} {
    %get3A = arith.constant 0 : index
    %get3A_0 = arith.constant 0 : index
    %get3A_1 = vector.load %arg1[%get3A, %get3A_0] : memref<1000x128xf32, #tpu.memory_space<vmem>>, vector<1000x128xf32>
    %get3A_2 = arith.constant 0 : index
    %get3A_3 = arith.constant 0 : index
    %get3A_4 = vector.load %arg3[%get3A_2, %get3A_3] : memref<128x128xf32, #tpu.memory_space<vmem>>, vector<128x128xf32>
    %dot_general3A = arith.constant dense<0.000000e+00> : vector<1000x128xf32>
    %dot_general3A_5 = tpu.matmul %get3A_1, %get3A_4, %dot_general3A {dimension_numbers = #tpu.dot_dimension_numbers<[1], [0], [0], [1], [0, 0, 1, 1], [], []>, transpose_lhs_hint = false} : vector<1000x128xf32>, vector<128x128xf32>, vector<1000x128xf32> -> vector<1000x128xf32>
    %get3A_6 = arith.constant 0 : index
    %get3A_7 = arith.constant 0 : index
    %get3A_8 = vector.load %arg2[%get3A_6, %get3A_7] : memref<1000x128xf32, #tpu.memory_space<vmem>>, vector<1000x128xf32>
    %get3A_9 = arith.constant 0 : index
    %get3A_10 = arith.constant 0 : index
    %get3A_11 = vector.load %arg4[%get3A_9, %get3A_10] : memref<128x128xf32, #tpu.memory_space<vmem>>, vector<128x128xf32>
    %dot_general3A_12 = arith.constant dense<0.000000e+00> : vector<1000x128xf32>
    %dot_general3A_13 = tpu.matmul %get3A_8, %get3A_11, %dot_general3A_12 {dimension_numbers = #tpu.dot_dimension_numbers<[1], [0], [0], [1], [0, 0, 1, 1], [], []>, transpose_lhs_hint = false} : vector<1000x128xf32>, vector<128x128xf32>, vector<1000x128xf32> -> vector<1000x128xf32>
    %add3A = arith.addf %dot_general3A_5, %dot_general3A_13 : vector<1000x128xf32>
    %get3A_14 = arith.constant 0 : index
    %get3A_15 = arith.constant 0 : index
    %get3A_16 = vector.load %arg5[%get3A_14, %get3A_15] : memref<1x128xf32, #tpu.memory_space<vmem>>, vector<1x128xf32>
    %add3A_17 = vector.broadcast %get3A_16 : vector<1x128xf32> to vector<1000x128xf32>
    %add3A_18 = arith.addf %add3A, %add3A_17 : vector<1000x128xf32>
    %swap3A = arith.constant 0 : index
    %swap3A_19 = arith.constant 0 : index
    %swap3A_20 = vector.load %arg6[%swap3A, %swap3A_19] : memref<1000x128xf32, #tpu.memory_space<vmem>>, vector<1000x128xf32>
    tpu.vector_store %arg6[%swap3A, %swap3A_19], %add3A_18 {strides = array<i32>} : memref<1000x128xf32, #tpu.memory_space<vmem>>, vector<1000x128xf32>,
    return
  }
  func.func @transform_0(%arg0: i32) -> (i32, i32) {
    %c0_i32 = arith.constant 0 : i32
    %c0_i32_0 = arith.constant 0 : i32
    return %arg0, %c0_i32 : i32, i32
  }
  func.func @transform_1(%arg0: i32) -> (i32, i32) {
    %c0_i32 = arith.constant 0 : i32
    %c0_i32_0 = arith.constant 0 : i32
    return %arg0, %c0_i32 : i32, i32
  }
  func.func @transform_2(%arg0: i32) -> (i32, i32) {
    %c0_i32 = arith.constant 0 : i32
    %c0_i32_0 = arith.constant 0 : i32
    %c0_i32_1 = arith.constant 0 : i32
    return %c0_i32, %c0_i32_0 : i32, i32
  }
  func.func @transform_3(%arg0: i32) -> (i32, i32) {
    %c0_i32 = arith.constant 0 : i32
    %c0_i32_0 = arith.constant 0 : i32
    %c0_i32_1 = arith.constant 0 : i32
    return %c0_i32, %c0_i32_0 : i32, i32
  }
  func.func @transform_4(%arg0: i32) -> (i32, i32) {
    %c0_i32 = arith.constant 0 : i32
    %c0_i32_0 = arith.constant 0 : i32
    %c0_i32_1 = arith.constant 0 : i32
    return %c0_i32, %c0_i32_0 : i32, i32
  }
  func.func @transform_5(%arg0: i32) -> (i32, i32) {
    %c0_i32 = arith.constant 0 : i32
    %c0_i32_0 = arith.constant 0 : i32
    return %arg0, %c0_i32 : i32, i32
  }
}

</mosaic_0001>

<sc_bundles>
// kernel: kernel.6.cloned.1.call-start
scs
__scs_entry_jumppad:
0x0: {  	(pc) =	sbr.rel $0x88, $3  }
0x1: {  	(tag) =	ssettag $0x0;
	lr =	simm.s32 $0x1  }
0x2: {  	[smem:$0x3F99] =	sst lr;
	_ =	strace $0xD0000000  }
0x3: {  	_ = 	snop  }
0x4: {  	_ = 	snop  }
0x5: {  	_ = 	snop  }
0x6: {  	_ = 	snop  }
0x7: {  	_ = 	snop  }
__scs_overlays_trampoline_lowered:
0x8: {  	[smem:$0x3FA8] =	sst s0  }
0x9: {  	[smem:$0x3FA9] =	sst s1  }
0xa: {  	[smem:$0x3FAA] =	sst s2  }
0xb: {  	[smem:$0x3FAB] =	sst s3  }
0xc: {  	[smem:$0x3FAC] =	sst s4  }
0xd: {  	[smem:$0x3FAD] =	sst s5  }
0xe: {  	[smem:$0x3FAE] =	sst s6  }
0xf: {  	[smem:$0x3FAF] =	sst s7  }
0x10: {  	[smem:$0x3FB0] =	sst s8  }
0x11: {  	[smem:$0x3FB1] =	sst s9;
	s0 =	simm.s32 @!p0 $0x0  }
0x12: {  	s1 =	sld [smem:$0x3F97];
	s0 =	simm.s32 @p0 $0x1  }
0x13: {  	[smem:$0x3FB2] =	sst s0;
	s0 =	simm.s32 @!p1 $0x0  }
0x14: {  	s2 =	sld [smem:$0x3F96];
	s0 =	simm.s32 @p1 $0x1  }
0x15: {  	[smem:$0x3FB3] =	sst s0;
	s0 =	simm.s32 @!p2 $0x0  }
0x16: {  	s3 =	sld [smem:$0x3FDB];
	s0 =	simm.s32 @p2 $0x1  }
0x17: {  	s4 =	simm.s32 $0x1BF5;
	[smem:$0x3FB5] =	sst s0  }
0x18: {  	s0 =	sld [smem:$0x3F98];
	_ =	swait.ge [sflag:s4], $0x0  }
0x19: {  	s7 =	sld [smem:$0x3F99]  }
0x1a: {  	s8 =	sadd.s32 $0xFFFFE003, lr  }
0x1b: {  	s9 =	sadd.s32 $0xFFFFFEF7, lr;
	s5 =	simm.s32 $0xFFFFFFFF;
	p2 =	slt.u32 s8, $0xFFFFF086  }
0x1c: {  	p1 =	slt.u32 s9, $0xF7A;
	s5 =	simm.s32 @!p2 $0x0  }
0x1d: {  	s5 =	simm.s32 @p1 $0x1;
	p0 =	seq.s32 s7, s2  }
0x1e: {  	s7 =	smul.u32 @!p0 $0xF7A, s2;
	p2 =	seq.s32 @!p0 s5, $0x0  }
0x1f: {  	s9 =	smul.u32 $0xF7A, s1;
	s8 =	simm.s32 @!p0 $0x1BF5;
	p2 =	por !p2, p0  }
0x20: {  	[sflag:s8] =	ssyncset.s32 @!p0 $0xFFFFF086;
	s6 =	sadd.s32 @!p0 s3, s7;
	s7 =	simm.s32 @!p0 $0x108  }
0x21: {  	s3 =	sadd.s32 s3, s9;
	s6 =	sadd.s32 @!p0 $0x88, s6;
	s7 =	simm.s32 @p2 $0x1082  }
0x22: {  	[simem:s7], [sflag:s8] =	dma.local @!p0 [hbm:s6], $0xF7A  }
0x23: {  	s9 =	sor.u32 $0xD0000000, s2;
	s6 =	simm.s32 $0x108;
	_ =	swait.ge @!p0 [sflag:s8], $0x0  }
0x24: {  	s3 =	sadd.s32 $0x88, s3;
	s6 =	simm.s32 @!p1 $0x1082;
	[sflag:s4] =	ssyncset.s32 $0xFFFFF086  }
0x25: {  	[simem:s6], [sflag:s4] =	dma.local [hbm:s3], $0xF7A  }
0x26: {  	[smem:$0x3F99] =	sst s1;
	(tag) =	ssettag s2;
	_ =	strace s9  }
0x27: {  	s1 =	sld [smem:$0x3FA9]  }
0x28: {  	s2 =	sld [smem:$0x3FAA]  }
0x29: {  	s4 =	sld [smem:$0x3FAC]  }
0x2a: {  	p0 =	seq.s32 s5, $0x0;
	s5 =	sld [smem:$0x3FAD]  }
0x2b: {  	s6 =	sld [smem:$0x3FAE]  }
0x2c: {  	s7 =	sld [smem:$0x3FAF]  }
0x2d: {  	s3 =	simm.s32 $0x108;
	s8 =	sld [smem:$0x3FB0]  }
0x2e: {  	s3 =	simm.s32 @!p0 $0x1082;
	s9 =	sld [smem:$0x3FB1]  }
0x2f: {  	lr =	sadd.s32 s0, s3;
	s0 =	sld [smem:$0x3FA8]  }
0x30: {  	s3 =	sld [smem:$0x3FAB]  }
0x31: {  	[smem:$0x3FB4] =	sst s10  }
0x32: {  	s10 =	sld [smem:$0x3FB2];
	_ =	sdelay $0x3  }
0x33: {  	p0 =	seq.s32 s10, $0x1;
	s10 =	sld [smem:$0x3FB4];
	_ =	sdelay $0x3  }
0x34: {  	[smem:$0x3FB4] =	sst s10  }
0x35: {  	s10 =	sld [smem:$0x3FB3];
	_ =	sdelay $0x3  }
0x36: {  	p1 =	seq.s32 s10, $0x1;
	s10 =	sld [smem:$0x3FB4];
	_ =	sdelay $0x3  }
0x37: {  	[smem:$0x3FB4] =	sst s10  }
0x38: {  	s10 =	sld [smem:$0x3FB5]  }
0x39: {  	_ = 	snop;
	(pc) =	sbr.ind lr, $3  }
0x3a: {  	_ = 	snop  }
0x3b: {  	_ = 	snop  }
0x3c: {  	p2 =	seq.s32 s10, $0x1;
	s10 =	sld [smem:$0x3FB4]  }
0x3d: {  	_ =	shalt  }
0x3e: {  	_ =	shalt  }
0x3f: {  	_ =	shalt  }
0x40: {  	_ =	shalt  }
0x41: {  	_ =	shalt  }
0x42: {  	_ =	shalt  }
0x43: {  	_ =	shalt  }
0x44: {  	_ =	shalt  }
0x45: {  	_ =	shalt  }
0x46: {  	_ =	shalt  }
0x47: {  	_ =	shalt  }
0x48: {  	_ =	shalt  }
0x49: {  	_ =	shalt  }
0x4a: {  	_ =	shalt  }
0x4b: {  	_ =	shalt  }
0x4c: {  	_ =	shalt  }
0x4d: {  	_ =	shalt  }
0x4e: {  	_ =	shalt  }
0x4f: {  	_ =	shalt  }
0x50: {  	_ =	shalt  }
0x51: {  	_ =	shalt  }
0x52: {  	_ =	shalt  }
0x53: {  	_ =	shalt  }
0x54: {  	_ =	shalt  }
0x55: {  	_ =	shalt  }
0x56: {  	_ =	shalt  }
0x57: {  	_ =	shalt  }
0x58: {  	_ =	shalt  }
0x59: {  	_ =	shalt  }
0x5a: {  	_ =	shalt  }
0x5b: {  	_ =	shalt  }
0x5c: {  	_ =	shalt  }
0x5d: {  	_ =	shalt  }
0x5e: {  	_ =	shalt  }
0x5f: {  	_ =	shalt  }
0x60: {  	_ =	shalt  }
0x61: {  	_ =	shalt  }
0x62: {  	_ =	shalt  }
0x63: {  	_ =	shalt  }
0x64: {  	_ =	shalt  }
0x65: {  	_ =	shalt  }
0x66: {  	_ =	shalt  }
0x67: {  	_ =	shalt  }
0x68: {  	_ =	shalt  }
0x69: {  	_ =	shalt  }
0x6a: {  	_ =	shalt  }
0x6b: {  	_ =	shalt  }
0x6c: {  	_ =	shalt  }
0x6d: {  	_ =	shalt  }
0x6e: {  	_ =	shalt  }
0x6f: {  	_ =	shalt  }
0x70: {  	_ =	shalt  }
0x71: {  	_ =	shalt  }
0x72: {  	_ =	shalt  }
0x73: {  	_ =	shalt  }
0x74: {  	_ =	shalt  }
0x75: {  	_ =	shalt  }
0x76: {  	_ =	shalt  }
0x77: {  	_ =	shalt  }
0x78: {  	_ =	shalt  }
0x79: {  	_ =	shalt  }
0x7a: {  	_ =	shalt  }
0x7b: {  	_ =	shalt  }
0x7c: {  	_ =	shalt  }
0x7d: {  	_ =	shalt  }
0x7e: {  	_ =	shalt  }
0x7f: {  	_ =	shalt  }
0x80: {  	_ =	shalt  }
0x81: {  	_ =	shalt  }
0x82: {  	_ =	shalt  }
0x83: {  	_ =	shalt  }
0x84: {  	_ =	shalt  }
0x85: {  	_ =	shalt  }
0x86: {  	_ =	shalt  }
0x87: {  	_ =	shalt  }
.Lfunc_end0:
.L_simem_size_0:
called_computation_lowered:
.L_overlay_start_0:
0x88: {  	s2 =	sld [smem:$0x3FD9]  }
0x89: {  	s3 =	sld [smem:$0x3FFE];
	_ =	sdelay $0x1  }
0x8a: {  	s1 =	srdreg.scid  }
0x8b: {  	s0 =	sand.u32 $0x1, s1  }
0x8c: {  	s16 =	sshll.u32 s0, $0xA;
	s2 =	sadd.s32 s3, s2  }
0x8d: {  	s2 =	sadd.s32 s2, s16  }
0x8e: {  	[smem:$0x3FC0] =	sst s2  }
0x8f: {  	_ = 	snop  }
0x90: {  	(tm) =	ssettm $0x1  }
0x91: {  	s17 =	sld [smem:$0x3FFB];
	_ =	sdelay $0x3  }
0x92: {  	_ =	strace s17  }
0x93: {  	s2 =	sld [smem:$0x3FFC];
	_ =	sdelay $0x3  }
0x94: {  	_ =	strace s2  }
0x95: {  	s2 =	sld [smem:$0x3FFD];
	_ =	sdelay $0x3  }
0x96: {  	_ =	strace s2  }
0x97: {  	_ =	strace $0x8FFFFFFF  }
0x98: {  	s18 =	sld [smem:$0x3FDB];
	_ =	sdelay $0x1  }
0x99: {  	s19 =	simm.s32 $_scs_section_size  }
0x9a: {  	s4 =	simm.s32 $_size__tile_overlayer_lowered;
	s5 =	simm.s32 $_tile_overlayer_lowered  }
0x9b: {  	s22 =	simm.s32 $0x1BFF;
	s21 =	sshll.u32 s5, $0x1;
	s2 =	sadd.s32 s19, s18  }
0x9c: {  	s6 =	simm.s32 $0x0;
	s20 =	sshll.u32 s4, $0x1;
	s4 =	sadd.s32 s21, s2  }
0x9d: {  	[timem:s6], [sflag:s22] =	dma.local [hbm:s4], s20  }
0x9e: {  	_ =	swait.ge [sflag:s22], s20  }
0x9f: {  	s3 =	ssub.s32 $0x0, s20;
	[sflag:s22] =	ssyncset.done $0x0  }
0xa0: {  	[sflag:s22] =	ssyncadd.s32 s3;
	_ =	sdelay $0x1  }
0xa1: {  	s23 =	simm.s32 $0x1B8B  }
0xa2: {  	_ =	swait.ge [sflag:s23], $0x1  }
0xa3: {  	[sflag:s23] =	ssyncset.done $0x0  }
0xa4: {  	s25 =	simm.s32 $0x1B8E;
	s24 =	sld [smem:$0x3FFE];
	[sflag:s23] =	ssyncadd.s32 $0xFFFFFFFF  }
0xa5: {  	s26 =	simm.s32 $execute0_lowered;
	[smem:$0x3FD2] =	sst s25  }
0xa6: {  	s4 =	sshll.u32 s26, $0x1;
	_ =	strace $0x80000046;
	[dreg:$0x1] =	wrdreg $0xFFFFFFFF  }
0xa7: {  	s28 =	simm.s32 $_size_execute0_lowered;
	s2 =	sadd.s32 s2, s4;
	[dreg:$0x0] =	wrdreg $0x0  }
0xa8: {  	s4 =	sshll.u32 s28, $0x1;
	[dreg:$0x2] =	wrdreg s2  }
0xa9: {  	[dreg:$0x3] =	wrdreg s4  }
0xaa: {  	[dreg:$0x4] =	wrdreg $0xC0  }
0xab: {  	_ =	task [dreg:s6], $0x5FFFF  }
0xac: {  	[dreg:$0x1] =	wrdreg $0xFFFFFFFF  }
0xad: {  	[dreg:$0x0] =	wrdreg $0x60  }
0xae: {  	[dreg:$0x2] =	wrdreg s24  }
0xaf: {  	[dreg:$0x3] =	wrdreg $0x9  }
0xb0: {  	_ =	task.clear_ibuf [dreg:s6], $0x4FFFF;
	_ =	strace $0x90000046  }
0xb1: {  	s29 =	simm.s32 $0x9;
	_ =	strace $0x80000048  }
0xb2: {  	_ =	swait.ge [sflag:s29], $0x1  }
0xb3: {  	[sflag:s29] =	ssyncadd.s32 $0xFFFFFFFF  }
0xb4: {  	_ =	strace $0x90000048  }
0xb5: {  	_ =	sfence  }
0xb6: {  	s30 =	sld [smem:$0x0];
	_ =	sdelay $0x2  }
0xb7: {  	s31 =	sshll.u32 s1, $0xD;
	s1 =	sshrl.u32 s1, $0x2  }
0xb8: {  	s3 =	sand.u32 $0x4000, s31;
	s1 =	sadd.s32 s1, s30  }
0xb9: {  	s0 =	sor.u32 s3, s0;
	s1 =	sshll.u32 s1, $0x11  }
0xba: {  	s0 =	sor.u32 s1, s0  }
0xbb: {  	s0 =	sadd.s32 $0x8F2B, s0  }
0xbc: {  	[sflag:s0] =	ssyncadd.remote.s32 $0x1  }
0xbd: {  	_ =	sfence.sel $0xFFFF  }
0xbe: {  	[dreg:$0x0] =	wrdreg $0xFFFFFFFF;
	(pc) =	sbr.abs _section_cstart, $3  }
0xbf: {  	[dreg:$0x1] =	wrdreg $0xFFFFFFFF  }
0xc0: {  	_ =	task.clear_ibuf [dreg:s6], $0x2FFFF;
	_ =	strace $0x9FFFFFFF  }
0xc1: {  	(tm) =	ssettm $0x7FFFFFFF  }
tec
execute0_lowered:
.L_overlay_start_1:
0x0: {  	(tag) =	ssettag $0x1  }
0x1: {  	s6 =	rddreg [dreg:$0x0]  }
0x2: {  	s0 =	rddreg [dreg:$0x1]  }
0x3: {  	s3 =	srdreg.scid;
	s1 =	stileid.u32;
	s2 =	simm.s32 $0x0  }
0x4: {  	s11 =	simm.s32 $0x2780;
	s12 =	simm.s32 $0x4F00;
	s13 =	simm.s32 $0x7680  }
0x5: {  	s14 =	simm.s32 $0x9E00;
	s5 =	sand.u32 $0x1, s3;
	s30 =	sshll.u32 s1, $0x1  }
0x6: {  	s15 =	simm.s32 $0xC580;
	s16 =	simm.s32 $0x0;
	s3 =	sor.u32 s5, s30  }
0x7: {  	[smem:$0x7FF] =	sst s2;
	s4 =	sadd.s32 $0x1400, s6;
	s7 =	smul.u32 $0x4E2, s3  }
0x8: {  	_ =	strace $0x80000047;
	s8 =	ssub.s32 $0x2, s5;
	s5 =	sadd.s32 $0xE00, s6  }
0x9: {  	s3 =	sadd.s32 $0x1A00, s6;
	s31 =	sshrl.u32 s8, $0x1;
	s9 =	sadd.s32 s7, s6  }
0xa: {  	s10 =	ssub.s32 s8, s31;
	s6 =	sadd.s32 $0xBE00, s9;
	s7 =	sadd.s32 $0x2000, s9  }
0xb: {  	s8 =	sadd.s32 $0x15C00, s9;
	s9 =	smax.u32 s10, $0x1;
	s10 =	simm.s32 $0x1  }
.LBB2_1:
0xc: {  	[tilespmem:s2], [sflag:$0x1] =	stream.linear.gather [hbm4b:s3+s2], $0x2780, $0x38;
	[tilespmem:$0xED00] =	vst v63  }
0xd: {  	_ =	swait.ge [sflag:s10], $0x2780  }
0xe: {  	[sflag:s10] =	ssyncset.done $0x0  }
0xf: {  	[sflag:s10] =	ssyncadd.s32 $0xFFFFD880  }
0x10: {  	[tilespmem:s11], [sflag:$0x1] =	stream.linear.gather [hbm4b:s4+s2], $0x2780, $0x38;
	[tilespmem:$0xED00] =	vst v63  }
0x11: {  	_ =	swait.ge [sflag:s10], $0x2780  }
0x12: {  	[sflag:s10] =	ssyncset.done $0x0  }
0x13: {  	[sflag:s10] =	ssyncadd.s32 $0xFFFFD880  }
0x14: {  	[tilespmem:s12], [sflag:$0x1] =	stream.linear.gather [hbm4b:s5+s2], $0x2780, $0x38;
	[tilespmem:$0xED00] =	vst v63  }
0x15: {  	_ =	swait.ge [sflag:s10], $0x2780  }
0x16: {  	[sflag:s10] =	ssyncset.done $0x0  }
0x17: {  	[sflag:s10] =	ssyncadd.s32 $0xFFFFD880  }
0x18: {  	[tilespmem:s13], [sflag:$0x1] =	stream.linear.gather [hbm4b:s6+s2], $0x2710, $0x38;
	[tilespmem:$0xED00] =	vst v63  }
0x19: {  	_ =	swait.ge [sflag:s10], $0x2710  }
0x1a: {  	[sflag:s10] =	ssyncset.done $0x0  }
0x1b: {  	[sflag:s10] =	ssyncadd.s32 $0xFFFFD8F0  }
0x1c: {  	[tilespmem:s14], [sflag:$0x1] =	stream.linear.gather [hbm4b:s7+s2], $0x2710, $0x38;
	[tilespmem:$0xED00] =	vst v63  }
0x1d: {  	_ =	swait.ge [sflag:s10], $0x2710  }
0x1e: {  	[sflag:s10] =	ssyncset.done $0x0  }
0x1f: {  	s17 =	simm.s32 $0x0;
	[sflag:s10] =	ssyncadd.s32 $0xFFFFD8F0  }
0x20: {  	v0 =	vld [tilespmem:s17+$0x9E00]  }
0x21: {  	v1 =	vld [tilespmem:s17+$0x7680];
	_ =	sdelay $0x6  }
0x22: {  	v2 =	vld.idx.msk [tilespmem:v0+s2+$0x0], $0xffff  }
0x23: {  	v3 =	vld.idx.msk [tilespmem:v1+s2+$0x0], $0xffff  }
0x24: {  	v4 =	vld.idx.msk [tilespmem:v1+s11+$0x0], $0xffff  }
0x25: {  	v5 =	vld.idx.msk [tilespmem:v0+s11+$0x0], $0xffff  }
0x26: {  	v1 =	vld.idx.msk [tilespmem:v1+s12+$0x0], $0xffff  }
0x27: {  	v0 =	vld.idx.msk [tilespmem:v0+s12+$0x0], $0xffff;
	_ =	sdelay $0x2  }
0x28: {  	v2 =	vsub.f32 v2, v3;
	v3 =	vsub.f32 v5, v4;
	_ =	sdelay $0x1  }
0x29: {  	s18 =	simm.s32 $0x10;
	v4 =	vsub.f32 v0, v1;
	v2 =	vmul.f32 v2, v2;
	v3 =	vmul.f32 v3, v3  }
0x2a: {  	v0 =	vld [tilespmem:s18+$0x9E00]  }
0x2b: {  	v1 =	vld [tilespmem:s18+$0x7680];
	v2 =	vadd.f32 v3, v2;
	v3 =	vmul.f32 v4, v4  }
0x2c: {  	s19 =	simm.s32 $0x80  }
.LBB2_2:
0x2d: {  	p0 =	sne.s32 s19, $0x9C00;
	v2 =	vadd.f32 v3, v2;
	_ =	sdelay $0x1  }
0x2e: {  	v2 =	vadd.f32 $9.999999960e-13, v2;
	_ =	sdelay $0x1  }
0x2f: {  	[tilespmem:s17+$0xC580] =	vst v2;
	s17 =	smov.u32 s18  }
0x30: {  	v2 =	vld.idx.msk [tilespmem:v0+s2+$0x0], $0xffff  }
0x31: {  	v3 =	vld.idx.msk [tilespmem:v1+s2+$0x0], $0xffff  }
0x32: {  	v4 =	vld.idx.msk [tilespmem:v1+s11+$0x0], $0xffff  }
0x33: {  	v5 =	vld.idx.msk [tilespmem:v0+s11+$0x0], $0xffff  }
0x34: {  	v1 =	vld.idx.msk [tilespmem:v1+s12+$0x0], $0xffff  }
0x35: {  	v0 =	vld.idx.msk [tilespmem:v0+s12+$0x0], $0xffff;
	_ =	sdelay $0x3  }
0x36: {  	v2 =	vsub.f32 v2, v3;
	v3 =	vsub.f32 v5, v4  }
.Ltmp0:
0x37: {  	(pc) =	sbr.rel @p0 .LBB2_2-.Ltmp0, $4  }
0x38: {  	s18 =	sshra.s32 s19, $0x2;
	v2 =	vmul.f32 v2, v2;
	v4 =	vsub.f32 v0, v1;
	v3 =	vmul.f32 v3, v3  }
0x39: {  	v0 =	vld [tilespmem:s18+$0x9E00]  }
0x3a: {  	v2 =	vadd.f32 v3, v2;
	v3 =	vmul.f32 v4, v4;
	v1 =	vld [tilespmem:s18+$0x7680]  }
0x3b: {  	s19 =	sadd.s32 $0x40, s19  }
0x3c: {  	_ = 	snop  }
0x3d: {  	v2 =	vadd.f32 v3, v2;
	_ =	sdelay $0x1  }
0x3e: {  	v2 =	vadd.f32 $9.999999960e-13, v2;
	_ =	sdelay $0x1  }
0x3f: {  	[tilespmem:s17+$0xC580] =	vst v2  }
0x40: {  	v2 =	vld.idx.msk [tilespmem:v0+s2+$0x0], $0xffff  }
0x41: {  	v58 =	vld.idx.msk [tilespmem:v1+s2+$0x0], $0xffff  }
0x42: {  	v4 =	vld.idx.msk [tilespmem:v1+s11+$0x0], $0xffff  }
0x43: {  	v5 =	vld.idx.msk [tilespmem:v0+s11+$0x0], $0xffff  }
0x44: {  	v59 =	vld.idx.msk [tilespmem:v1+s12+$0x0], $0xffff  }
0x45: {  	v60 =	vld.idx.msk [tilespmem:v0+s12+$0x0], $0xffff;
	_ =	sdelay $0x2  }
0x46: {  	v2 =	vsub.f32 v2, v58;
	v61 =	vsub.f32 v5, v4;
	_ =	sdelay $0x1  }
0x47: {  	v0 =	vsub.f32 v60, v59;
	v62 =	vmul.f32 v2, v2;
	v63 =	vmul.f32 v61, v61;
	_ =	sdelay $0x1  }
0x48: {  	v0 =	vmul.f32 v0, v0;
	v1 =	vadd.f32 v63, v62;
	_ =	sdelay $0x1  }
0x49: {  	v0 =	vadd.f32 v0, v1;
	_ =	sdelay $0x1  }
0x4a: {  	s16 =	sadd.s32 $0x1, s16;
	v0 =	vadd.f32 $9.999999960e-13, v0  }
0x4b: {  	p0 =	sne.s32 s16, s9  }
.Ltmp1:
0x4c: {  	[tilespmem:s18+$0xC580] =	vst v0;
	(pc) =	sbr.rel @p0 .LBB2_1-.Ltmp1, $4  }
0x4d: {  	[hbm4b:s8+s2] =	stream.linear.scatter [tilespmem:s15], [sflag:$0x1], $0x2710, $0x38;
	[tilespmem:$0xED00] =	vst v63  }
0x4e: {  	_ =	swait.ge [sflag:s10], $0x2710  }
0x4f: {  	[sflag:s10] =	ssyncset.done $0x0  }
0x50: {  	[sflag:s10] =	ssyncadd.s32 $0xFFFFD8F0  }
0x51: {  	_ =	sfence.sel $0x180000  }
0x52: {  	[bflag:$0x0] =	sbarrier.arrive $0xFFFF  }
0x53: {  	p0 =	sne.s32 s1, $0x0;
	_ =	strace $0x90000047  }
0x54: {  	s0 =	sadd.s32 @!p0 $0x100000, s0;
	[bflag:$0x2] =	sbarrier.arrive $0xFFFF  }
0x55: {  	[sflag:s0] =	ssyncadd.tile.s32 @!p0 $0x1;
	_ =	shalt  }
.Lfunc_end2:
_tile_overlayer_lowered:
.L_overlay_start_2:
0x56: {  	(tag) =	ssettag $0x2  }
0x57: {  	s0 =	rddreg [dreg:$0x0];
	s2 =	stileid.u32  }
0x58: {  	s1 =	rddreg [dreg:$0x1];
	p0 =	sne.s32 s2, $0x0  }
0x59: {  	s3 =	rddreg [dreg:$0x2];
	[bflag:$0x3] =	sbarrier.arrive $0xFFFF;
	s2 =	simm.s32 @!p0 $0x1C01  }
0x5a: {  	[timem:s3], [sflag:s2] =	dma.local @!p0 [hbm:s0], s1  }
0x5b: {  	s0 =	simm.s32 @!p0 $0x1  }
0x5c: {  	_ =	swait.ge @!p0 [sflag:s0], s1  }
0x5d: {  	s1 =	ssub.s32 @!p0 $0x0, s1;
	[sflag:s0] =	ssyncset.done @!p0 $0x0  }
0x5e: {  	[sflag:s0] =	ssyncadd.s32 @!p0 s1  }
0x5f: {  	[bflag:$0x3] =	sbarrier.arrive $0xFFFF  }
0x60: {  	_ =	shalt  }

// kernel: kernel.9.cloned.1.call-start
scs
__scs_entry_jumppad:
0x0: {  	(pc) =	sbr.rel $0x88, $3  }
0x1: {  	(tag) =	ssettag $0x0;
	lr =	simm.s32 $0x1  }
0x2: {  	[smem:$0x3F99] =	sst lr;
	_ =	strace $0xD0000000  }
0x3: {  	_ = 	snop  }
0x4: {  	_ = 	snop  }
0x5: {  	_ = 	snop  }
0x6: {  	_ = 	snop  }
0x7: {  	_ = 	snop  }
__scs_overlays_trampoline_lowered:
0x8: {  	[smem:$0x3FA8] =	sst s0  }
0x9: {  	[smem:$0x3FA9] =	sst s1  }
0xa: {  	[smem:$0x3FAA] =	sst s2  }
0xb: {  	[smem:$0x3FAB] =	sst s3  }
0xc: {  	[smem:$0x3FAC] =	sst s4  }
0xd: {  	[smem:$0x3FAD] =	sst s5  }
0xe: {  	[smem:$0x3FAE] =	sst s6  }
0xf: {  	[smem:$0x3FAF] =	sst s7  }
0x10: {  	[smem:$0x3FB0] =	sst s8  }
0x11: {  	[smem:$0x3FB1] =	sst s9;
	s0 =	simm.s32 @!p0 $0x0  }
0x12: {  	s1 =	sld [smem:$0x3F97];
	s0 =	simm.s32 @p0 $0x1  }
0x13: {  	[smem:$0x3FB2] =	sst s0;
	s0 =	simm.s32 @!p1 $0x0  }
0x14: {  	s2 =	sld [smem:$0x3F96];
	s0 =	simm.s32 @p1 $0x1  }
0x15: {  	[smem:$0x3FB3] =	sst s0;
	s0 =	simm.s32 @!p2 $0x0  }
0x16: {  	s3 =	sld [smem:$0x3FDB];
	s0 =	simm.s32 @p2 $0x1  }
0x17: {  	s4 =	simm.s32 $0x1BF5;
	[smem:$0x3FB5] =	sst s0  }
0x18: {  	s0 =	sld [smem:$0x3F98];
	_ =	swait.ge [sflag:s4], $0x0  }
0x19: {  	s7 =	sld [smem:$0x3F99]  }
0x1a: {  	s8 =	sadd.s32 $0xFFFFE003, lr  }
0x1b: {  	s9 =	sadd.s32 $0xFFFFFEF7, lr;
	s5 =	simm.s32 $0xFFFFFFFF;
	p2 =	slt.u32 s8, $0xFFFFF086  }
0x1c: {  	p1 =	slt.u32 s9, $0xF7A;
	s5 =	simm.s32 @!p2 $0x0  }
0x1d: {  	s5 =	simm.s32 @p1 $0x1;
	p0 =	seq.s32 s7, s2  }
0x1e: {  	s7 =	smul.u32 @!p0 $0xF7A, s2;
	p2 =	seq.s32 @!p0 s5, $0x0  }
0x1f: {  	s9 =	smul.u32 $0xF7A, s1;
	s8 =	simm.s32 @!p0 $0x1BF5;
	p2 =	por !p2, p0  }
0x20: {  	[sflag:s8] =	ssyncset.s32 @!p0 $0xFFFFF086;
	s6 =	sadd.s32 @!p0 s3, s7;
	s7 =	simm.s32 @!p0 $0x108  }
0x21: {  	s3 =	sadd.s32 s3, s9;
	s6 =	sadd.s32 @!p0 $0x88, s6;
	s7 =	simm.s32 @p2 $0x1082  }
0x22: {  	[simem:s7], [sflag:s8] =	dma.local @!p0 [hbm:s6], $0xF7A  }
0x23: {  	s9 =	sor.u32 $0xD0000000, s2;
	s6 =	simm.s32 $0x108;
	_ =	swait.ge @!p0 [sflag:s8], $0x0  }
0x24: {  	s3 =	sadd.s32 $0x88, s3;
	s6 =	simm.s32 @!p1 $0x1082;
	[sflag:s4] =	ssyncset.s32 $0xFFFFF086  }
0x25: {  	[simem:s6], [sflag:s4] =	dma.local [hbm:s3], $0xF7A  }
0x26: {  	[smem:$0x3F99] =	sst s1;
	(tag) =	ssettag s2;
	_ =	strace s9  }
0x27: {  	s1 =	sld [smem:$0x3FA9]  }
0x28: {  	s2 =	sld [smem:$0x3FAA]  }
0x29: {  	s4 =	sld [smem:$0x3FAC]  }
0x2a: {  	p0 =	seq.s32 s5, $0x0;
	s5 =	sld [smem:$0x3FAD]  }
0x2b: {  	s6 =	sld [smem:$0x3FAE]  }
0x2c: {  	s7 =	sld [smem:$0x3FAF]  }
0x2d: {  	s3 =	simm.s32 $0x108;
	s8 =	sld [smem:$0x3FB0]  }
0x2e: {  	s3 =	simm.s32 @!p0 $0x1082;
	s9 =	sld [smem:$0x3FB1]  }
0x2f: {  	lr =	sadd.s32 s0, s3;
	s0 =	sld [smem:$0x3FA8]  }
0x30: {  	s3 =	sld [smem:$0x3FAB]  }
0x31: {  	[smem:$0x3FB4] =	sst s10  }
0x32: {  	s10 =	sld [smem:$0x3FB2];
	_ =	sdelay $0x3  }
0x33: {  	p0 =	seq.s32 s10, $0x1;
	s10 =	sld [smem:$0x3FB4];
	_ =	sdelay $0x3  }
0x34: {  	[smem:$0x3FB4] =	sst s10  }
0x35: {  	s10 =	sld [smem:$0x3FB3];
	_ =	sdelay $0x3  }
0x36: {  	p1 =	seq.s32 s10, $0x1;
	s10 =	sld [smem:$0x3FB4];
	_ =	sdelay $0x3  }
0x37: {  	[smem:$0x3FB4] =	sst s10  }
0x38: {  	s10 =	sld [smem:$0x3FB5]  }
0x39: {  	_ = 	snop;
	(pc) =	sbr.ind lr, $3  }
0x3a: {  	_ = 	snop  }
0x3b: {  	_ = 	snop  }
0x3c: {  	p2 =	seq.s32 s10, $0x1;
	s10 =	sld [smem:$0x3FB4]  }
0x3d: {  	_ =	shalt  }
0x3e: {  	_ =	shalt  }
0x3f: {  	_ =	shalt  }
0x40: {  	_ =	shalt  }
0x41: {  	_ =	shalt  }
0x42: {  	_ =	shalt  }
0x43: {  	_ =	shalt  }
0x44: {  	_ =	shalt  }
0x45: {  	_ =	shalt  }
0x46: {  	_ =	shalt  }
0x47: {  	_ =	shalt  }
0x48: {  	_ =	shalt  }
0x49: {  	_ =	shalt  }
0x4a: {  	_ =	shalt  }
0x4b: {  	_ =	shalt  }
0x4c: {  	_ =	shalt  }
0x4d: {  	_ =	shalt  }
0x4e: {  	_ =	shalt  }
0x4f: {  	_ =	shalt  }
0x50: {  	_ =	shalt  }
0x51: {  	_ =	shalt  }
0x52: {  	_ =	shalt  }
0x53: {  	_ =	shalt  }
0x54: {  	_ =	shalt  }
0x55: {  	_ =	shalt  }
0x56: {  	_ =	shalt  }
0x57: {  	_ =	shalt  }
0x58: {  	_ =	shalt  }
0x59: {  	_ =	shalt  }
0x5a: {  	_ =	shalt  }
0x5b: {  	_ =	shalt  }
0x5c: {  	_ =	shalt  }
0x5d: {  	_ =	shalt  }
0x5e: {  	_ =	shalt  }
0x5f: {  	_ =	shalt  }
0x60: {  	_ =	shalt  }
0x61: {  	_ =	shalt  }
0x62: {  	_ =	shalt  }
0x63: {  	_ =	shalt  }
0x64: {  	_ =	shalt  }
0x65: {  	_ =	shalt  }
0x66: {  	_ =	shalt  }
0x67: {  	_ =	shalt  }
0x68: {  	_ =	shalt  }
0x69: {  	_ =	shalt  }
0x6a: {  	_ =	shalt  }
0x6b: {  	_ =	shalt  }
0x6c: {  	_ =	shalt  }
0x6d: {  	_ =	shalt  }
0x6e: {  	_ =	shalt  }
0x6f: {  	_ =	shalt  }
0x70: {  	_ =	shalt  }
0x71: {  	_ =	shalt  }
0x72: {  	_ =	shalt  }
0x73: {  	_ =	shalt  }
0x74: {  	_ =	shalt  }
0x75: {  	_ =	shalt  }
0x76: {  	_ =	shalt  }
0x77: {  	_ =	shalt  }
0x78: {  	_ =	shalt  }
0x79: {  	_ =	shalt  }
0x7a: {  	_ =	shalt  }
0x7b: {  	_ =	shalt  }
0x7c: {  	_ =	shalt  }
0x7d: {  	_ =	shalt  }
0x7e: {  	_ =	shalt  }
0x7f: {  	_ =	shalt  }
0x80: {  	_ =	shalt  }
0x81: {  	_ =	shalt  }
0x82: {  	_ =	shalt  }
0x83: {  	_ =	shalt  }
0x84: {  	_ =	shalt  }
0x85: {  	_ =	shalt  }
0x86: {  	_ =	shalt  }
0x87: {  	_ =	shalt  }
.Lfunc_end0:
.L_simem_size_0:
called_computation.1_lowered:
.L_overlay_start_0:
0x88: {  	s2 =	sld [smem:$0x3FD9]  }
0x89: {  	s3 =	sld [smem:$0x3FFE];
	_ =	sdelay $0x1  }
0x8a: {  	s1 =	srdreg.scid  }
0x8b: {  	s0 =	sand.u32 $0x1, s1  }
0x8c: {  	s17 =	sshll.u32 s0, $0xA;
	s2 =	sadd.s32 s3, s2  }
0x8d: {  	s2 =	sadd.s32 s2, s17  }
0x8e: {  	[smem:$0x3FC0] =	sst s2  }
0x8f: {  	_ = 	snop  }
0x90: {  	s2 =	sld [smem:$0x3FD0];
	(tm) =	ssettm $0x1  }
0x91: {  	s18 =	sld [smem:$0x3FFB];
	_ =	sdelay $0x3  }
0x92: {  	_ =	strace s18  }
0x93: {  	s3 =	sld [smem:$0x3FFC];
	_ =	sdelay $0x3  }
0x94: {  	_ =	strace s3  }
0x95: {  	s3 =	sld [smem:$0x3FFD];
	_ =	sdelay $0x3  }
0x96: {  	_ =	strace s3  }
0x97: {  	_ =	strace $0x8FFFFFFF  }
0x98: {  	s19 =	sld [smem:$0x3FDB];
	_ =	sdelay $0x1  }
0x99: {  	s4 =	simm.s32 $_scs_section_size  }
0x9a: {  	s5 =	simm.s32 $_size__tile_overlayer_lowered;
	s6 =	simm.s32 $_tile_overlayer_lowered  }
0x9b: {  	s22 =	simm.s32 $0x1BFF;
	s21 =	sshll.u32 s6, $0x1;
	s3 =	sadd.s32 s4, s19  }
0x9c: {  	s7 =	simm.s32 $0x0;
	s20 =	sshll.u32 s5, $0x1;
	s5 =	sadd.s32 s21, s3  }
0x9d: {  	[timem:s7], [sflag:s22] =	dma.local [hbm:s5], s20  }
0x9e: {  	_ =	swait.ge [sflag:s22], s20  }
0x9f: {  	s4 =	ssub.s32 $0x0, s20;
	[sflag:s22] =	ssyncset.done $0x0  }
0xa0: {  	[sflag:s22] =	ssyncadd.s32 s4;
	_ =	sdelay $0x1  }
0xa1: {  	s23 =	simm.s32 $0x1B8B  }
0xa2: {  	_ =	swait.ge [sflag:s23], $0x1  }
0xa3: {  	[sflag:s23] =	ssyncset.done $0x0  }
0xa4: {  	s25 =	simm.s32 $0x1B8E;
	s24 =	sld [smem:$0x3FFE];
	[sflag:s23] =	ssyncadd.s32 $0xFFFFFFFF  }
0xa5: {  	s26 =	simm.s32 $execute0_lowered;
	[smem:$0x3FD2] =	sst s25  }
0xa6: {  	s5 =	sshll.u32 s26, $0x1;
	_ =	strace $0x80000049;
	[dreg:$0x1] =	wrdreg $0xFFFFFFFF  }
0xa7: {  	s28 =	simm.s32 $_size_execute0_lowered;
	s3 =	sadd.s32 s3, s5;
	[dreg:$0x0] =	wrdreg $0x0  }
0xa8: {  	s5 =	sshll.u32 s28, $0x1;
	[dreg:$0x2] =	wrdreg s3  }
0xa9: {  	[dreg:$0x3] =	wrdreg s5  }
0xaa: {  	[dreg:$0x4] =	wrdreg $0xC0  }
0xab: {  	_ =	task [dreg:s7], $0x5FFFF  }
0xac: {  	[dreg:$0x1] =	wrdreg $0xFFFFFFFF  }
0xad: {  	[dreg:$0x0] =	wrdreg $0x60  }
0xae: {  	[dreg:$0x2] =	wrdreg s2  }
0xaf: {  	[dreg:$0x3] =	wrdreg s24  }
0xb0: {  	[dreg:$0x4] =	wrdreg $0x103C00  }
0xb1: {  	[dreg:$0x5] =	wrdreg $0x9  }
0xb2: {  	_ =	task.clear_ibuf [dreg:s7], $0x6FFFF;
	_ =	strace $0x90000049  }
0xb3: {  	s29 =	simm.s32 $0x9;
	_ =	strace $0x8000004B  }
0xb4: {  	_ =	swait.ge [sflag:s29], $0x1  }
0xb5: {  	[sflag:s29] =	ssyncadd.s32 $0xFFFFFFFF  }
0xb6: {  	_ =	strace $0x9000004B  }
0xb7: {  	_ =	sfence  }
0xb8: {  	s30 =	sld [smem:$0x0];
	_ =	sdelay $0x2  }
0xb9: {  	s31 =	sshll.u32 s1, $0xD;
	s1 =	sshrl.u32 s1, $0x2  }
0xba: {  	s3 =	sand.u32 $0x4000, s31;
	s1 =	sadd.s32 s1, s30  }
0xbb: {  	s0 =	sor.u32 s3, s0;
	s1 =	sshll.u32 s1, $0x11  }
0xbc: {  	s0 =	sor.u32 s1, s0  }
0xbd: {  	s0 =	sadd.s32 $0x8F2B, s0  }
0xbe: {  	[sflag:s0] =	ssyncadd.remote.s32 $0x1  }
0xbf: {  	_ =	sfence.sel $0xFFFF  }
0xc0: {  	[dreg:$0x0] =	wrdreg $0xFFFFFFFF;
	(pc) =	sbr.abs _section_cstart, $3  }
0xc1: {  	[dreg:$0x1] =	wrdreg $0xFFFFFFFF  }
0xc2: {  	_ =	task.clear_ibuf [dreg:s7], $0x2FFFF;
	_ =	strace $0x9FFFFFFF  }
0xc3: {  	(tm) =	ssettm $0x7FFFFFFF  }
tec
execute0_lowered:
.L_overlay_start_1:
0x0: {  	(tag) =	ssettag $0x1  }
0x1: {  	s1 =	rddreg [dreg:$0x0]  }
0x2: {  	s5 =	rddreg [dreg:$0x1]  }
0x3: {  	s2 =	rddreg [dreg:$0x2];
	s0 =	srdreg.scid;
	s3 =	simm.s32 $0x0  }
0x4: {  	s7 =	stileid.u32;
	s29 =	simm.s32 $0x6;
	s30 =	simm.s32 $0x8  }
0x5: {  	s31 =	simm.s32 $0xA;
	s0 =	sand.u32 $0x1, s0;
	s20 =	smul.u32 $0x5140, s7  }
0x6: {  	[smem:$0x7FF] =	sst s3;
	s21 =	sadd.s32 $0x1FA00, s5;
	s13 =	smul.u32 $0x3200, s7  }
0x7: {  	s9 =	sadd.s32 $0x53E400, s5;
	s10 =	sor.u32 $0x10, s7;
	s4 =	smul.u32 $0x51400, s0  }
0x8: {  	s11 =	sor.u32 $0x20, s7;
	s12 =	sor.u32 $0x30, s7;
	s15 =	smul.u32 $0x3200, s10  }
0x9: {  	s14 =	sor.u32 $0x40, s7;
	s23 =	ssub.s32 $0x2, s0;
	s16 =	smul.u32 $0x3200, s11  }
0xa: {  	_ =	strace $0x8000004A;
	s8 =	sshll.u32 s0, $0x6;
	s17 =	smul.u32 $0x3200, s12  }
0xb: {  	s0 =	sor.u32 $0x60, s7;
	s25 =	smul.u32 $0x3200, s14;
	[dreg:$0x4] =	wrdreg s21  }
0xc: {  	s6 =	sshrl.u32 s23, $0x1;
	s13 =	sor.u32 s8, s13;
	s19 =	smul.u32 $0x3200, s0  }
0xd: {  	[dreg:$0xd] =	wrdreg s20;
	p0 =	sgt.u32 s0, $0x63;
	s0 =	smul.u32 $0x6400, s0  }
0xe: {  	s3 =	ssub.s32 s23, s6;
	s22 =	sadd.s32 s20, s4;
	s6 =	smul.u32 $0x271000, s7  }
0xf: {  	s4 =	sor.u32 $0x50, s7;
	s13 =	sshrl.u32 s13, $0x3;
	s15 =	sor.u32 s8, s15  }
0x10: {  	s16 =	sor.u32 s8, s16;
	s17 =	sor.u32 s8, s17;
	s13 =	sadd.s32 s9, s13  }
0x11: {  	s24 =	sshrl.u32 s15, $0x3;
	s18 =	smul.u32 $0x3200, s4;
	s16 =	sshrl.u32 s16, $0x3  }
0x12: {  	s17 =	sshrl.u32 s17, $0x3;
	s23 =	sor.u32 s8, s19;
	[dreg:$0x5] =	wrdreg s22  }
0x13: {  	s3 =	smax.u32 s3, $0x1;
	s4 =	smul.u32 $0x6400, s4;
	[dreg:$0x6] =	wrdreg s13  }
0x14: {  	s0 =	sshrl.u32 s0, $0x2;
	s13 =	sadd.s32 s9, s24;
	[dreg:$0x14] =	wrdreg s3  }
0x15: {  	s26 =	sadd.s32 s9, s16;
	s16 =	sadd.s32 s9, s17;
	[dreg:$0x7] =	wrdreg s13  }
0x16: {  	s17 =	sor.u32 s8, s25;
	s25 =	sadd.s32 $0x34000, s5;
	[dreg:$0x8] =	wrdreg s26  }
0x17: {  	s6 =	sor.u32 s8, s6;
	s0 =	sadd.s32 s0, s2;
	[dreg:$0x9] =	wrdreg s16  }
0x18: {  	s18 =	sor.u32 s8, s18;
	s26 =	sshrl.u32 s22, $0x3;
	s22 =	smul.u32 $0x6400, s10  }
0x19: {  	s13 =	sshrl.u32 s17, $0x3;
	s16 =	sshrl.u32 s23, $0x3;
	s23 =	smul.u32 $0x4E20, s7  }
0x1a: {  	s17 =	sadd.s32 $0x3E400, s5;
	s19 =	sshrl.u32 s6, $0x3;
	s10 =	smul.u32 $0x6400, s12  }
0x1b: {  	s12 =	smul.u32 $0x6400, s14;
	s4 =	sshrl.u32 s4, $0x2;
	[dreg:$0x1b] =	wrdreg s0  }
0x1c: {  	s0 =	simm.s32 $0x5;
	s15 =	sshrl.u32 s18, $0x3;
	s13 =	sadd.s32 s9, s13  }
0x1d: {  	s18 =	sadd.s32 s21, s26;
	s21 =	sadd.s32 $0x6400, s6;
	[dreg:$0xa] =	wrdreg s13  }
0x1e: {  	s24 =	sadd.s32 s9, s15;
	s9 =	sadd.s32 s9, s16;
	s13 =	sshrl.u32 s20, $0x3  }
0x1f: {  	s16 =	smov.u32 s25;
	s20 =	sadd.s32 s17, s19;
	[dreg:$0xe] =	wrdreg s18  }
0x20: {  	s28 =	sadd.s32 $0x2BC, s23;
	s3 =	sshrl.u32 s10, $0x2;
	[dreg:$0xb] =	wrdreg s24  }
0x21: {  	s19 =	sadd.s32 s4, s2;
	s4 =	simm.s32 $0xB;
	[dreg:$0xc] =	wrdreg s9  }
0x22: {  	s9 =	sadd.s32 $0x3200, s6;
	s15 =	sadd.s32 s25, s13;
	[dreg:$0x10] =	wrdreg s20  }
0x23: {  	s6 =	sadd.s32 $0x9600, s6;
	s24 =	sadd.s32 $0x190, s23;
	s25 =	sadd.s32 $0x1F4, s23  }
0x24: {  	s3 =	sadd.s32 s3, s2;
	s13 =	sshrl.u32 s12, $0x2;
	[dreg:$0x1a] =	wrdreg s19  }
0x25: {  	s20 =	sadd.s32 $0x34, s18;
	s18 =	simm.s32 $0x3;
	s19 =	simm.s32 $0x7  }
0x26: {  	s12 =	simm.s32 $0x4;
	s5 =	sshrl.u32 s9, $0x3;
	[dreg:$0x18] =	wrdreg s3  }
0x27: {  	s6 =	sshrl.u32 s6, $0x3;
	s3 =	sadd.s32 s13, s2;
	[dreg:$0x1c] =	wrdreg s20  }
0x28: {  	[dreg:$0xf] =	wrdreg s15;
	s13 =	simm.s32 $0xD1C0;
	s20 =	simm.s32 $0x64  }
0x29: {  	s5 =	sadd.s32 s17, s5;
	s26 =	sadd.s32 s17, s6;
	s6 =	smul.u32 $0x6400, s7  }
0x2a: {  	s7 =	smul.u32 $0x6400, s11;
	s11 =	sshrl.u32 s22, $0x2;
	[dreg:$0x19] =	wrdreg s3  }
0x2b: {  	s3 =	simm.s32 $0x9;
	[dreg:$0x11] =	wrdreg s5;
	s5 =	sshrl.u32 s21, $0x3  }
0x2c: {  	[dreg:$0x13] =	wrdreg s26;
	s26 =	sadd.s32 $0x258, s23;
	s23 =	sadd.s32 $0x34, s15  }
0x2d: {  	s14 =	sadd.s32 s11, s2;
	s5 =	sadd.s32 s17, s5;
	[dreg:$0x1d] =	wrdreg s23  }
0x2e: {  	s15 =	simm.s32 $0xC;
	[dreg:$0x12] =	wrdreg s5;
	s5 =	sshrl.u32 s6, $0x2  }
0x2f: {  	[dreg:$0x16] =	wrdreg s14;
	s6 =	sshrl.u32 s7, $0x2;
	s21 =	sadd.s32 s5, s2  }
0x30: {  	s11 =	simm.s32 $0xEAC0;
	s22 =	sadd.s32 s6, s2;
	[dreg:$0x15] =	wrdreg s21  }
0x31: {  	v0 =	vimm.f32 $0.0e+00;
	s23 =	simm.s32 $0x2;
	s7 =	simm.s32 $0x0;
	[dreg:$0x17] =	wrdreg s22  }
.LBB2_1:
0x32: {  	s6 =	simm.s32 $0x0  }
0x33: {  	s5 =	sand.u32 $0x7F00, s6  }
0x34: {  	[dreg:$0x1e] =	wrdreg s7;
	s6 =	sand.u32 $0x30, s6;
	s9 =	sshrl.u32 s5, $0x2  }
0x35: {  	s5 =	simm.s32 $0x40;
	s9 =	sor.u32 s6, s9;
	s6 =	simm.s32 $0x0  }
.LBB2_2:
0x36: {  	p1 =	sne.s32 s5, $0x63C0  }
0x37: {  	[tilespmem:s9+$0xD1C0] =	vst v0;
	s6 =	sadd.s32 $0x10, s6;
	s9 =	smov.u32 s5;
	s5 =	sadd.s32 $0x40, s5  }
.Ltmp0:
0x38: {  	(pc) =	sbr.rel @p1 .LBB2_2-.Ltmp0, $4  }
0x39: {  	_ = 	snop  }
0x3a: {  	s9 =	sand.u32 $0x7F00, s9  }
0x3b: {  	s10 =	sand.u32 $0x30, s6;
	s9 =	sshrl.u32 s9, $0x2  }
0x3c: {  	s9 =	sor.u32 s10, s9  }
0x3d: {  	[tilespmem:s9+$0xD1C0] =	vst v0  }
0x3e: {  	[spmem:s21] =	stream.linear.scatter [tilespmem:s13], [sflag:$0xC], $0x1900, $0x38;
	[tilespmem:$0x1A000] =	vst v63  }
0x3f: {  	_ =	swait.ge [sflag:s15], $0x1900  }
0x40: {  	[sflag:s15] =	ssyncset.done $0x0  }
0x41: {  	[sflag:s15] =	ssyncadd.s32 $0xFFFFE700  }
0x42: {  	[spmem:s14] =	stream.linear.scatter [tilespmem:s13], [sflag:$0xC], $0x1900, $0x38;
	[tilespmem:$0x1A000] =	vst v63  }
0x43: {  	_ =	swait.ge [sflag:s15], $0x1900  }
0x44: {  	[sflag:s15] =	ssyncset.done $0x0  }
0x45: {  	[sflag:s15] =	ssyncadd.s32 $0xFFFFE700  }
0x46: {  	[spmem:s22] =	stream.linear.scatter [tilespmem:s13], [sflag:$0xC], $0x1900, $0x38;
	[tilespmem:$0x1A000] =	vst v63  }
0x47: {  	_ =	swait.ge [sflag:s15], $0x1900  }
0x48: {  	[sflag:s15] =	ssyncset.done $0x0  }
0x49: {  	s5 =	rddreg [dreg:$0x18];
	[sflag:s15] =	ssyncadd.s32 $0xFFFFE700  }
0x4a: {  	[spmem:s5] =	stream.linear.scatter [tilespmem:s13], [sflag:$0xC], $0x1900, $0x38;
	[tilespmem:$0x1A000] =	vst v63  }
0x4b: {  	_ =	swait.ge [sflag:s15], $0x1900  }
0x4c: {  	[sflag:s15] =	ssyncset.done $0x0  }
0x4d: {  	s21 =	rddreg [dreg:$0x19];
	[sflag:s15] =	ssyncadd.s32 $0xFFFFE700  }
0x4e: {  	[spmem:s21] =	stream.linear.scatter [tilespmem:s13], [sflag:$0xC], $0x1900, $0x38;
	[tilespmem:$0x1A000] =	vst v63  }
0x4f: {  	_ =	swait.ge [sflag:s15], $0x1900  }
0x50: {  	[sflag:s15] =	ssyncset.done $0x0  }
0x51: {  	s22 =	rddreg [dreg:$0x1a];
	[sflag:s15] =	ssyncadd.s32 $0xFFFFE700  }
0x52: {  	[spmem:s22] =	stream.linear.scatter [tilespmem:s13], [sflag:$0xC], $0x1900, $0x38;
	[tilespmem:$0x1A000] =	vst v63  }
0x53: {  	_ =	swait.ge [sflag:s15], $0x1900  }
0x54: {  	[sflag:s15] =	ssyncset.done $0x0  }
0x55: {  	s5 =	simm.s32 @!p0 $0xD1C0;
	s6 =	rddreg [dreg:$0x1b];
	[sflag:s15] =	ssyncadd.s32 $0xFFFFE700  }
0x56: {  	[spmem:s6] =	stream.linear.scatter @!p0 [tilespmem:s5], [sflag:$0xC], $0x1900, $0x38;
	[tilespmem:$0x1A000] =	vst v63  }
0x57: {  	s5 =	simm.s32 @!p0 $0xC  }
0x58: {  	_ =	swait.ge @!p0 [sflag:s5], $0x1900  }
0x59: {  	[sflag:s5] =	ssyncset.done @!p0 $0x0  }
0x5a: {  	[sflag:s5] =	ssyncadd.s32 @!p0 $0xFFFFE700  }
0x5b: {  	[bflag:$0x0] =	sbarrier.arrive $0xFFFF  }
0x5c: {  	s15 =	simm.s32 $0x0;
	s6 =	rddreg [dreg:$0xe]  }
0x5d: {  	[tilespmem:s15], [sflag:$0x1] =	stream.linear.gather [hbm4b:s6+s15], $0x1A0, $0x38;
	[tilespmem:$0x1A000] =	vst v63  }
0x5e: {  	s9 =	simm.s32 $0x4E0;
	s10 =	simm.s32 $0x1;
	s7 =	rddreg [dreg:$0xf]  }
0x5f: {  	[tilespmem:s9], [sflag:$0x1] =	stream.linear.gather [hbm4b:s7+s15], $0x1A0, $0x38;
	[tilespmem:$0x1A000] =	vst v63  }
0x60: {  	_ =	swait.ge [sflag:s10], $0x1A0  }
0x61: {  	[sflag:s10] =	ssyncset.done $0x0  }
0x62: {  	[sflag:s10] =	ssyncadd.s32 $0xFFFFFE60  }
0x63: {  	_ =	swait.ge [sflag:s10], $0x1A0  }
0x64: {  	[sflag:s10] =	ssyncset.done $0x0  }
0x65: {  	s14 =	simm.s32 $0x9C0;
	s22 =	simm.s32 $0x6DC0;
	[sflag:s10] =	ssyncadd.s32 $0xFFFFFE60  }
0x66: {  	[tilespmem:s14], [sflag:$0x2] =	stream.indirect.gather [hbm4b:s1+s20], $0x40, s15, s20, $0xb8;
	[tilespmem:$0x1A000] =	vst v63  }
0x67: {  	s6 =	simm.s32 $0x40;
	s7 =	simm.s32 $0x80;
	s21 =	rddreg [dreg:$0x10]  }
0x68: {  	[tilespmem:s22], [sflag:$0x6] =	stream.strided.gather [hbm4b:s21+s6], $0x1900, s7, s6, $0x38;
	[tilespmem:$0x1A000] =	vst v63  }
0x69: {  	s10 =	simm.s32 $0x68;
	s14 =	simm.s32 $0x22C0  }
0x6a: {  	[tilespmem:s14], [sflag:$0x3] =	stream.indirect.gather [hbm4b:s1+s20], $0x40, s10, s20, $0xb8;
	[tilespmem:$0x1A000] =	vst v63  }
0x6b: {  	s21 =	rddreg [dreg:$0x11];
	s22 =	simm.s32 $0x86C0  }
0x6c: {  	[tilespmem:s22], [sflag:$0x7] =	stream.strided.gather [hbm4b:s21+s6], $0x1900, s7, s6, $0x38;
	[tilespmem:$0x1A000] =	vst v63  }
0x6d: {  	s10 =	simm.s32 $0xD0;
	s14 =	simm.s32 $0x3BC0  }
0x6e: {  	[tilespmem:s14], [sflag:$0x4] =	stream.indirect.gather [hbm4b:s1+s20], $0x40, s10, s20, $0xb8;
	[tilespmem:$0x1A000] =	vst v63  }
0x6f: {  	s21 =	rddreg [dreg:$0x12];
	s22 =	simm.s32 $0x9FC0  }
0x70: {  	[tilespmem:s22], [sflag:$0x8] =	stream.strided.gather [hbm4b:s21+s6], $0x1900, s7, s6, $0x38;
	[tilespmem:$0x1A000] =	vst v63  }
0x71: {  	s10 =	simm.s32 $0x138;
	s14 =	simm.s32 $0x54C0  }
0x72: {  	[tilespmem:s14], [sflag:$0x5] =	stream.indirect.gather [hbm4b:s1+s20], $0x40, s10, s20, $0xb8;
	[tilespmem:$0x1A000] =	vst v63  }
0x73: {  	s21 =	rddreg [dreg:$0x13];
	s22 =	simm.s32 $0xB8C0  }
0x74: {  	[tilespmem:s22], [sflag:$0x9] =	stream.strided.gather [hbm4b:s21+s6], $0x1900, s7, s6, $0x38;
	[tilespmem:$0x1A000] =	vst v63  }
0x75: {  	s10 =	rddreg [dreg:$0x1c];
	s14 =	simm.s32 $0x1A0  }
0x76: {  	[tilespmem:s14], [sflag:$0x1] =	stream.linear.gather [hbm4b:s10+s15], $0x1A0, $0x38;
	[tilespmem:$0x1A000] =	vst v63  }
0x77: {  	s21 =	rddreg [dreg:$0x1d];
	s22 =	simm.s32 $0x680  }
0x78: {  	[tilespmem:s22], [sflag:$0x1] =	stream.linear.gather [hbm4b:s21+s15], $0x1A0, $0x38;
	[tilespmem:$0x1A000] =	vst v63  }
.LBB2_4:
0x79: {  	_ =	swait.ge [sflag:s23], $0x1900  }
0x7a: {  	[sflag:s23] =	ssyncset.done $0x0  }
0x7b: {  	[sflag:s23] =	ssyncadd.s32 $0xFFFFE700  }
0x7c: {  	_ =	swait.ge [sflag:s29], $0x1900  }
0x7d: {  	p2 =	seq.s32 s15, $0x0;
	[sflag:s29] =	ssyncset.done $0x0  }
0x7e: {  	s5 =	simm.s32 @!p2 $0xA;
	[sflag:s29] =	ssyncadd.s32 $0xFFFFE700  }
0x7f: {  	_ =	swait.ge @!p2 [sflag:s5], $0x1900  }
0x80: {  	[sflag:s5] =	ssyncset.done @!p2 $0x0  }
0x81: {  	s9 =	simm.s32 $0x70;
	[sflag:s5] =	ssyncadd.s32 @!p2 $0xFFFFE700  }
0x82: {  	v1 =	vld [tilespmem:s9+$0x9C0]  }
0x83: {  	v2 =	vld [tilespmem:s9+$0x6DC0]  }
0x84: {  	v3 =	vld [tilespmem:s9+$0x950]  }
0x85: {  	v4 =	vld [tilespmem:s9+$0x6D50]  }
0x86: {  	v5 =	vld [tilespmem:s9+$0x960]  }
0x87: {  	v6 =	vld [tilespmem:s9+$0x6D60]  }
0x88: {  	v7 =	vld [tilespmem:s9+$0x970]  }
0x89: {  	v8 =	vld [tilespmem:s9+$0x980]  }
0x8a: {  	s22 =	smul.u32 $0xAB, s15;
	v1 =	vmul.f32 v2, v1;
	v2 =	vld [tilespmem:s9+$0x6D70]  }
0x8b: {  	v3 =	vmul.f32 v4, v3;
	v4 =	vld [tilespmem:s9+$0x6D80]  }
0x8c: {  	s6 =	sshrl.u32 s22, $0x9;
	s5 =	sadd.s32 $0xAB, s22;
	v9 =	vld [tilespmem:s9+$0x6D90]  }
0x8d: {  	s6 =	sand.u32 $0x7F, s6;
	s5 =	sshrl.u32 s5, $0x9;
	[tilespmem:s9+$0xD1C0] =	vst v1;
	v1 =	vmul.f32 v6, v5;
	v6 =	vld [tilespmem:s9+$0x990]  }
0x8e: {  	s6 =	smul.u32 $0x3, s6;
	s5 =	sand.u32 $0x7F, s5;
	[tilespmem:s9+$0xD150] =	vst v3;
	v3 =	vld [tilespmem:s9+$0x6DA0]  }
0x8f: {  	s10 =	smul.u32 $0x3, s5;
	[tilespmem:s9+$0xD160] =	vst v1;
	v1 =	vld [tilespmem:s9+$0x9A0];
	v2 =	vmul.f32 v2, v7  }
0x90: {  	s21 =	sadd.s32 $0x1, s15;
	v5 =	vld [tilespmem:s9+$0x6DB0];
	v7 =	vmul.f32 v4, v8  }
0x91: {  	s6 =	ssub.s32 s15, s6;
	s5 =	simm.s32 $0xF0;
	s10 =	ssub.s32 s21, s10;
	[tilespmem:s9+$0xD170] =	vst v2;
	v2 =	vld [tilespmem:s9+$0x9B0]  }
0x92: {  	s14 =	sand.u32 $0xFF, s6;
	s22 =	simm.s32 $0x5C0;
	s10 =	sand.u32 $0xFF, s10;
	v6 =	vmul.f32 v9, v6;
	v4 =	vld [tilespmem:s5+$0x9C0];
	[tilespmem:s9+$0xD180] =	vst v7  }
.LBB2_5:
0x93: {  	p1 =	sne.s32 s22, $0x63C0;
	v7 =	vld [tilespmem:s5+$0x6DC0]  }
0x94: {  	v8 =	vld [tilespmem:s5+$0x950];
	[tilespmem:s9+$0xD190] =	vst v6;
	v1 =	vmul.f32 v3, v1  }
0x95: {  	v3 =	vld [tilespmem:s5+$0x6D50]  }
0x96: {  	v6 =	vld [tilespmem:s5+$0x960];
	[tilespmem:s9+$0xD1A0] =	vst v1;
	v1 =	vmul.f32 v5, v2  }
0x97: {  	v2 =	vld [tilespmem:s5+$0x6D60]  }
0x98: {  	v5 =	vld [tilespmem:s5+$0x970];
	v4 =	vmul.f32 v7, v4;
	[tilespmem:s9+$0xD1B0] =	vst v1;
	s9 =	smov.u32 s5  }
0x99: {  	v1 =	vld [tilespmem:s9+$0x6D70]  }
0x9a: {  	v3 =	vmul.f32 v3, v8;
	v7 =	vld [tilespmem:s9+$0x980];
	[tilespmem:s9+$0xD1C0] =	vst v4  }
0x9b: {  	v4 =	vld [tilespmem:s9+$0x6D80]  }
0x9c: {  	[tilespmem:s9+$0xD150] =	vst v3;
	v2 =	vmul.f32 v2, v6;
	v6 =	vld [tilespmem:s9+$0x990]  }
0x9d: {  	v8 =	vld [tilespmem:s9+$0x6D90]  }
.Ltmp1:
0x9e: {  	[tilespmem:s9+$0xD160] =	vst v2;
	v2 =	vmul.f32 v1, v5;
	v1 =	vld [tilespmem:s9+$0x9A0];
	(pc) =	sbr.rel @p1 .LBB2_5-.Ltmp1, $4  }
0x9f: {  	v3 =	vld [tilespmem:s9+$0x6DA0]  }
0xa0: {  	[tilespmem:s9+$0xD170] =	vst v2;
	v7 =	vmul.f32 v4, v7;
	v2 =	vld [tilespmem:s9+$0x9B0]  }
0xa1: {  	s5 =	sshra.s32 s22, $0x2;
	v5 =	vld [tilespmem:s9+$0x6DB0]  }
0xa2: {  	s22 =	sadd.s32 $0x200, s22;
	v4 =	vld [tilespmem:s5+$0x9C0];
	[tilespmem:s9+$0xD180] =	vst v7;
	v6 =	vmul.f32 v8, v6  }
0xa3: {  	v7 =	vld [tilespmem:s5+$0x6DC0]  }
0xa4: {  	v8 =	vld [tilespmem:s5+$0x950];
	[tilespmem:s9+$0xD190] =	vst v6;
	v1 =	vmul.f32 v3, v1  }
0xa5: {  	v3 =	vld [tilespmem:s5+$0x6D50]  }
0xa6: {  	v6 =	vld [tilespmem:s5+$0x960];
	[tilespmem:s9+$0xD1A0] =	vst v1;
	v1 =	vmul.f32 v5, v2  }
0xa7: {  	v2 =	vld [tilespmem:s5+$0x6D60]  }
0xa8: {  	v5 =	vld [tilespmem:s5+$0x970];
	[tilespmem:s9+$0xD1B0] =	vst v1  }
0xa9: {  	v1 =	vmul.f32 v7, v4;
	v4 =	vld [tilespmem:s5+$0x6D70]  }
0xaa: {  	v7 =	vld [tilespmem:s5+$0x980]  }
0xab: {  	v3 =	vmul.f32 v3, v8;
	[tilespmem:s5+$0xD1C0] =	vst v1;
	v1 =	vld [tilespmem:s5+$0x6D80]  }
0xac: {  	v8 =	vld [tilespmem:s5+$0x6DB0]  }
0xad: {  	[tilespmem:s5+$0xD150] =	vst v3;
	v2 =	vmul.f32 v2, v6;
	v3 =	vld [tilespmem:s5+$0x990]  }
0xae: {  	v6 =	vld [tilespmem:s5+$0x6D90]  }
0xaf: {  	[tilespmem:s5+$0xD160] =	vst v2;
	v2 =	vmul.f32 v4, v5;
	v4 =	vld [tilespmem:s5+$0x9A0]  }
0xb0: {  	v5 =	vld [tilespmem:s5+$0x6DA0]  }
0xb1: {  	[tilespmem:s5+$0xD170] =	vst v2;
	v2 =	vld [tilespmem:s5+$0x9B0];
	_ =	sdelay $0x1  }
0xb2: {  	v1 =	vmul.f32 v1, v7  }
0xb3: {  	v3 =	vmul.f32 v6, v3  }
0xb4: {  	s6 =	smul.u32 $0x680, s14;
	[tilespmem:s5+$0xD180] =	vst v1;
	v1 =	vmul.f32 v5, v4  }
0xb5: {  	[tilespmem:s5+$0xD190] =	vst v3;
	v2 =	vmul.f32 v8, v2  }
0xb6: {  	p1 =	seq.s32 s15, $0x31;
	s22 =	sshrl.u32 s6, $0x2;
	[tilespmem:s5+$0xD1A0] =	vst v1  }
0xb7: {  	s14 =	sadd.s32 $0x4E0, s22;
	[tilespmem:s5+$0xD1B0] =	vst v2;
	s5 =	simm.s32 @!p1 $0x1  }
0xb8: {  	[spmem:s2] =	stream.indirect.scatter.add.f32 [tilespmem:s13], [sflag:$0xA], $0x40, s14, s20, $0xb8;
	[tilespmem:$0x1A000] =	vst v63  }
0xb9: {  	_ =	swait.ge @!p1 [sflag:s5], $0x1A0  }
0xba: {  	[sflag:s5] =	ssyncset.done @!p1 $0x0  }
0xbb: {  	s6 =	smul.u32 @!p1 $0x680, s10;
	[sflag:s5] =	ssyncadd.s32 @!p1 $0xFFFFFE60  }
0xbc: {  	_ =	swait.ge @!p1 [sflag:s5], $0x1A0  }
0xbd: {  	s10 =	smul.u32 @!p1 $0x190, s15;
	s9 =	sshrl.u32 @!p1 s6, $0x2;
	[sflag:s5] =	ssyncset.done @!p1 $0x0  }
0xbe: {  	s6 =	simm.s32 @!p1 $0x9C0;
	[sflag:s5] =	ssyncadd.s32 @!p1 $0xFFFFFE60;
	s5 =	simm.s32 @!p1 $0x64  }
0xbf: {  	[tilespmem:s6], [sflag:$0x2] =	stream.indirect.gather @!p1 [hbm4b:s1+s5], $0x40, s9, s5, $0xb8;
	[tilespmem:$0x1A000] =	vst v63  }
0xc0: {  	s5 =	sadd.s32 @!p1 s10, s24  }
0xc1: {  	s5 =	sshll.u32 @!p1 s5, $0x7  }
0xc2: {  	s5 =	sor.u32 @!p1 s8, s5  }
0xc3: {  	s7 =	simm.s32 @!p1 $0x6DC0;
	s5 =	sshrl.u32 @!p1 s5, $0x3  }
0xc4: {  	s14 =	simm.s32 @!p1 $0x80;
	s6 =	simm.s32 @!p1 $0x40;
	s5 =	sadd.s32 @!p1 s17, s5  }
0xc5: {  	[tilespmem:s7], [sflag:$0x6] =	stream.strided.gather @!p1 [hbm4b:s5+s6], $0x1900, s14, s6, $0x38;
	[tilespmem:$0x1A000] =	vst v63  }
0xc6: {  	_ =	swait.ge [sflag:s18], $0x1900  }
0xc7: {  	[sflag:s18] =	ssyncset.done $0x0  }
0xc8: {  	[sflag:s18] =	ssyncadd.s32 $0xFFFFE700  }
0xc9: {  	_ =	swait.ge [sflag:s19], $0x1900  }
0xca: {  	[sflag:s19] =	ssyncset.done $0x0  }
0xcb: {  	s5 =	simm.s32 @!p2 $0xB;
	[sflag:s19] =	ssyncadd.s32 $0xFFFFE700  }
0xcc: {  	_ =	swait.ge @!p2 [sflag:s5], $0x1900  }
0xcd: {  	[sflag:s5] =	ssyncset.done @!p2 $0x0  }
0xce: {  	s14 =	simm.s32 $0x0;
	[sflag:s5] =	ssyncadd.s32 @!p2 $0xFFFFE700  }
0xcf: {  	v1 =	vld [tilespmem:s14+$0x2330]  }
0xd0: {  	v2 =	vld [tilespmem:s14+$0x8730]  }
0xd1: {  	v3 =	vld [tilespmem:s14+$0x22C0]  }
0xd2: {  	v4 =	vld [tilespmem:s14+$0x86C0]  }
0xd3: {  	v5 =	vld [tilespmem:s14+$0x22D0]  }
0xd4: {  	v6 =	vld [tilespmem:s14+$0x86D0]  }
0xd5: {  	v7 =	vld [tilespmem:s14+$0x22E0]  }
0xd6: {  	v8 =	vld [tilespmem:s14+$0x22F0]  }
0xd7: {  	v1 =	vmul.f32 v2, v1;
	v2 =	vld [tilespmem:s14+$0x86E0]  }
0xd8: {  	v9 =	vld [tilespmem:s14+$0x86F0]  }
0xd9: {  	v10 =	vld [tilespmem:s14+$0x8700];
	v3 =	vmul.f32 v4, v3  }
0xda: {  	[tilespmem:s14+$0xEB30] =	vst v1;
	v1 =	vmul.f32 v6, v5;
	v6 =	vld [tilespmem:s14+$0x2300]  }
0xdb: {  	v4 =	vld [tilespmem:s14+$0x8710];
	[tilespmem:s14+$0xEAC0] =	vst v3  }
0xdc: {  	v3 =	vld [tilespmem:s14+$0x2310];
	[tilespmem:s14+$0xEAD0] =	vst v1;
	v1 =	vmul.f32 v2, v7  }
0xdd: {  	v5 =	vld [tilespmem:s14+$0x8720];
	v7 =	vmul.f32 v9, v8  }
0xde: {  	s5 =	simm.s32 $0x80;
	[tilespmem:s14+$0xEAE0] =	vst v1;
	v1 =	vld [tilespmem:s14+$0x2320]  }
0xdf: {  	s6 =	simm.s32 $0x400;
	v6 =	vmul.f32 v10, v6;
	v2 =	vld [tilespmem:s5+$0x2330];
	[tilespmem:s14+$0xEAF0] =	vst v7  }
.LBB2_7:
0xe0: {  	p2 =	sne.s32 s6, $0x6200;
	v7 =	vld [tilespmem:s5+$0x8730]  }
0xe1: {  	v8 =	vld [tilespmem:s5+$0x22C0];
	[tilespmem:s14+$0xEB00] =	vst v6;
	v3 =	vmul.f32 v4, v3  }
0xe2: {  	v4 =	vld [tilespmem:s5+$0x86C0]  }
0xe3: {  	v6 =	vld [tilespmem:s5+$0x22D0];
	[tilespmem:s14+$0xEB10] =	vst v3;
	v1 =	vmul.f32 v5, v1  }
0xe4: {  	v3 =	vld [tilespmem:s5+$0x86D0]  }
0xe5: {  	v5 =	vld [tilespmem:s5+$0x22E0];
	v2 =	vmul.f32 v7, v2;
	[tilespmem:s14+$0xEB20] =	vst v1;
	s14 =	smov.u32 s5  }
0xe6: {  	v1 =	vld [tilespmem:s14+$0x86E0]  }
0xe7: {  	v4 =	vmul.f32 v4, v8;
	v7 =	vld [tilespmem:s14+$0x22F0];
	[tilespmem:s14+$0xEB30] =	vst v2  }
0xe8: {  	v2 =	vld [tilespmem:s14+$0x86F0]  }
0xe9: {  	[tilespmem:s14+$0xEAC0] =	vst v4;
	v3 =	vmul.f32 v3, v6;
	v6 =	vld [tilespmem:s14+$0x2300]  }
0xea: {  	v8 =	vld [tilespmem:s14+$0x8700]  }
.Ltmp2:
0xeb: {  	[tilespmem:s14+$0xEAD0] =	vst v3;
	v1 =	vmul.f32 v1, v5;
	v3 =	vld [tilespmem:s14+$0x2310];
	(pc) =	sbr.rel @p2 .LBB2_7-.Ltmp2, $4  }
0xec: {  	v4 =	vld [tilespmem:s14+$0x8710]  }
0xed: {  	[tilespmem:s14+$0xEAE0] =	vst v1;
	v7 =	vmul.f32 v2, v7;
	v1 =	vld [tilespmem:s14+$0x2320]  }
0xee: {  	s5 =	sshra.s32 s6, $0x2;
	v5 =	vld [tilespmem:s14+$0x8720]  }
0xef: {  	s6 =	sadd.s32 $0x200, s6;
	v2 =	vld [tilespmem:s5+$0x2330];
	[tilespmem:s14+$0xEAF0] =	vst v7;
	v6 =	vmul.f32 v8, v6  }
0xf0: {  	v7 =	vld [tilespmem:s5+$0x8730]  }
0xf1: {  	v8 =	vld [tilespmem:s5+$0x22C0];
	[tilespmem:s14+$0xEB00] =	vst v6;
	v3 =	vmul.f32 v4, v3  }
0xf2: {  	v4 =	vld [tilespmem:s5+$0x86C0]  }
0xf3: {  	v6 =	vld [tilespmem:s5+$0x22D0];
	[tilespmem:s14+$0xEB10] =	vst v3;
	v1 =	vmul.f32 v5, v1  }
0xf4: {  	v3 =	vld [tilespmem:s5+$0x86D0]  }
0xf5: {  	v5 =	vld [tilespmem:s5+$0x22E0];
	[tilespmem:s14+$0xEB20] =	vst v1  }
0xf6: {  	v1 =	vmul.f32 v7, v2;
	v2 =	vld [tilespmem:s5+$0x86E0]  }
0xf7: {  	v7 =	vld [tilespmem:s5+$0x22F0]  }
0xf8: {  	v4 =	vmul.f32 v4, v8;
	[tilespmem:s5+$0xEB30] =	vst v1;
	v1 =	vld [tilespmem:s5+$0x86F0]  }
0xf9: {  	v8 =	vld [tilespmem:s5+$0x8720]  }
0xfa: {  	[tilespmem:s5+$0xEAC0] =	vst v4;
	v3 =	vmul.f32 v3, v6;
	v4 =	vld [tilespmem:s5+$0x2300]  }
0xfb: {  	v6 =	vld [tilespmem:s5+$0x8700]  }
0xfc: {  	[tilespmem:s5+$0xEAD0] =	vst v3;
	v2 =	vmul.f32 v2, v5;
	v3 =	vld [tilespmem:s5+$0x2310]  }
0xfd: {  	v5 =	vld [tilespmem:s5+$0x8710]  }
0xfe: {  	[tilespmem:s5+$0xEAE0] =	vst v2;
	v2 =	vld [tilespmem:s5+$0x2320];
	_ =	sdelay $0x1  }
0xff: {  	v1 =	vmul.f32 v1, v7  }
0x100: {  	v4 =	vmul.f32 v6, v4  }
0x101: {  	[tilespmem:s5+$0xEAF0] =	vst v1;
	v1 =	vmul.f32 v5, v3  }
0x102: {  	[tilespmem:s5+$0xEB00] =	vst v4;
	v2 =	vmul.f32 v8, v2  }
0x103: {  	[tilespmem:s5+$0xEB10] =	vst v1  }
0x104: {  	s14 =	sadd.s32 $0x548, s22;
	[tilespmem:s5+$0xEB20] =	vst v2  }
0x105: {  	[spmem:s2] =	stream.indirect.scatter.add.f32 [tilespmem:s11], [sflag:$0xB], $0x40, s14, s20, $0xb8;
	[tilespmem:$0x1A000] =	vst v63  }
0x106: {  	s6 =	simm.s32 @!p1 $0x64;
	s7 =	simm.s32 @!p1 $0x22C0;
	s5 =	sadd.s32 @!p1 $0x68, s9  }
0x107: {  	[tilespmem:s7], [sflag:$0x3] =	stream.indirect.gather @!p1 [hbm4b:s1+s6], $0x40, s5, s6, $0xb8;
	[tilespmem:$0x1A000] =	vst v63  }
0x108: {  	s5 =	sadd.s32 @!p1 s10, s25  }
0x109: {  	s5 =	sshll.u32 @!p1 s5, $0x7  }
0x10a: {  	s5 =	sor.u32 @!p1 s8, s5  }
0x10b: {  	s14 =	simm.s32 @!p1 $0x86C0;
	s5 =	sshrl.u32 @!p1 s5, $0x3  }
0x10c: {  	s6 =	simm.s32 @!p1 $0x40;
	s7 =	simm.s32 @!p1 $0x80;
	s5 =	sadd.s32 @!p1 s17, s5  }
0x10d: {  	[tilespmem:s14], [sflag:$0x7] =	stream.strided.gather @!p1 [hbm4b:s5+s6], $0x1900, s7, s6, $0x38;
	[tilespmem:$0x1A000] =	vst v63  }
0x10e: {  	_ =	swait.ge [sflag:s12], $0x1900  }
0x10f: {  	[sflag:s12] =	ssyncset.done $0x0  }
0x110: {  	[sflag:s12] =	ssyncadd.s32 $0xFFFFE700  }
0x111: {  	_ =	swait.ge [sflag:s30], $0x1900  }
0x112: {  	[sflag:s30] =	ssyncset.done $0x0  }
0x113: {  	[sflag:s30] =	ssyncadd.s32 $0xFFFFE700  }
0x114: {  	_ =	swait.ge [sflag:s31], $0x1900  }
0x115: {  	[sflag:s31] =	ssyncset.done $0x0  }
0x116: {  	s14 =	simm.s32 $0x0;
	[sflag:s31] =	ssyncadd.s32 $0xFFFFE700  }
0x117: {  	v1 =	vld [tilespmem:s14+$0x3C30]  }
0x118: {  	v2 =	vld [tilespmem:s14+$0xA030]  }
0x119: {  	v3 =	vld [tilespmem:s14+$0x3BC0]  }
0x11a: {  	v4 =	vld [tilespmem:s14+$0x9FC0]  }
0x11b: {  	v5 =	vld [tilespmem:s14+$0x3BD0]  }
0x11c: {  	v6 =	vld [tilespmem:s14+$0x9FD0]  }
0x11d: {  	v7 =	vld [tilespmem:s14+$0x3BE0]  }
0x11e: {  	v8 =	vld [tilespmem:s14+$0x3BF0]  }
0x11f: {  	v1 =	vmul.f32 v2, v1;
	v2 =	vld [tilespmem:s14+$0x9FE0]  }
0x120: {  	v9 =	vld [tilespmem:s14+$0x9FF0]  }
0x121: {  	v10 =	vld [tilespmem:s14+$0xA000];
	v3 =	vmul.f32 v4, v3  }
0x122: {  	[tilespmem:s14+$0xD230] =	vst v1;
	v1 =	vmul.f32 v6, v5;
	v6 =	vld [tilespmem:s14+$0x3C00]  }
0x123: {  	v4 =	vld [tilespmem:s14+$0xA010];
	[tilespmem:s14+$0xD1C0] =	vst v3  }
0x124: {  	v3 =	vld [tilespmem:s14+$0x3C10];
	[tilespmem:s14+$0xD1D0] =	vst v1;
	v1 =	vmul.f32 v2, v7  }
0x125: {  	v5 =	vld [tilespmem:s14+$0xA020];
	v7 =	vmul.f32 v9, v8  }
0x126: {  	s5 =	simm.s32 $0x80;
	[tilespmem:s14+$0xD1E0] =	vst v1;
	v1 =	vld [tilespmem:s14+$0x3C20]  }
0x127: {  	s6 =	simm.s32 $0x400;
	v6 =	vmul.f32 v10, v6;
	v2 =	vld [tilespmem:s5+$0x3C30];
	[tilespmem:s14+$0xD1F0] =	vst v7  }
.LBB2_9:
0x128: {  	p2 =	sne.s32 s6, $0x6200;
	v7 =	vld [tilespmem:s5+$0xA030]  }
0x129: {  	v8 =	vld [tilespmem:s5+$0x3BC0];
	[tilespmem:s14+$0xD200] =	vst v6;
	v3 =	vmul.f32 v4, v3  }
0x12a: {  	v4 =	vld [tilespmem:s5+$0x9FC0]  }
0x12b: {  	v6 =	vld [tilespmem:s5+$0x3BD0];
	[tilespmem:s14+$0xD210] =	vst v3;
	v1 =	vmul.f32 v5, v1  }
0x12c: {  	v3 =	vld [tilespmem:s5+$0x9FD0]  }
0x12d: {  	v5 =	vld [tilespmem:s5+$0x3BE0];
	v2 =	vmul.f32 v7, v2;
	[tilespmem:s14+$0xD220] =	vst v1;
	s14 =	smov.u32 s5  }
0x12e: {  	v1 =	vld [tilespmem:s14+$0x9FE0]  }
0x12f: {  	v4 =	vmul.f32 v4, v8;
	v7 =	vld [tilespmem:s14+$0x3BF0];
	[tilespmem:s14+$0xD230] =	vst v2  }
0x130: {  	v2 =	vld [tilespmem:s14+$0x9FF0]  }
0x131: {  	[tilespmem:s14+$0xD1C0] =	vst v4;
	v3 =	vmul.f32 v3, v6;
	v6 =	vld [tilespmem:s14+$0x3C00]  }
0x132: {  	v8 =	vld [tilespmem:s14+$0xA000]  }
.Ltmp3:
0x133: {  	[tilespmem:s14+$0xD1D0] =	vst v3;
	v1 =	vmul.f32 v1, v5;
	v3 =	vld [tilespmem:s14+$0x3C10];
	(pc) =	sbr.rel @p2 .LBB2_9-.Ltmp3, $4  }
0x134: {  	v4 =	vld [tilespmem:s14+$0xA010]  }
0x135: {  	[tilespmem:s14+$0xD1E0] =	vst v1;
	v7 =	vmul.f32 v2, v7;
	v1 =	vld [tilespmem:s14+$0x3C20]  }
0x136: {  	s5 =	sshra.s32 s6, $0x2;
	v5 =	vld [tilespmem:s14+$0xA020]  }
0x137: {  	s6 =	sadd.s32 $0x200, s6;
	v2 =	vld [tilespmem:s5+$0x3C30];
	[tilespmem:s14+$0xD1F0] =	vst v7;
	v6 =	vmul.f32 v8, v6  }
0x138: {  	v7 =	vld [tilespmem:s5+$0xA030]  }
0x139: {  	v8 =	vld [tilespmem:s5+$0x3BC0];
	[tilespmem:s14+$0xD200] =	vst v6;
	v3 =	vmul.f32 v4, v3  }
0x13a: {  	v4 =	vld [tilespmem:s5+$0x9FC0]  }
0x13b: {  	v6 =	vld [tilespmem:s5+$0x3BD0];
	[tilespmem:s14+$0xD210] =	vst v3;
	v1 =	vmul.f32 v5, v1  }
0x13c: {  	v3 =	vld [tilespmem:s5+$0x9FD0]  }
0x13d: {  	v5 =	vld [tilespmem:s5+$0x3BE0];
	[tilespmem:s14+$0xD220] =	vst v1  }
0x13e: {  	v1 =	vmul.f32 v7, v2;
	v2 =	vld [tilespmem:s5+$0x9FE0]  }
0x13f: {  	v7 =	vld [tilespmem:s5+$0x3BF0]  }
0x140: {  	v4 =	vmul.f32 v4, v8;
	[tilespmem:s5+$0xD230] =	vst v1;
	v1 =	vld [tilespmem:s5+$0x9FF0]  }
0x141: {  	v8 =	vld [tilespmem:s5+$0xA020]  }
0x142: {  	[tilespmem:s5+$0xD1C0] =	vst v4;
	v3 =	vmul.f32 v3, v6;
	v4 =	vld [tilespmem:s5+$0x3C00]  }
0x143: {  	v6 =	vld [tilespmem:s5+$0xA000]  }
0x144: {  	[tilespmem:s5+$0xD1D0] =	vst v3;
	v2 =	vmul.f32 v2, v5;
	v3 =	vld [tilespmem:s5+$0x3C10]  }
0x145: {  	v5 =	vld [tilespmem:s5+$0xA010]  }
0x146: {  	[tilespmem:s5+$0xD1E0] =	vst v2;
	v2 =	vld [tilespmem:s5+$0x3C20];
	_ =	sdelay $0x1  }
0x147: {  	v1 =	vmul.f32 v1, v7  }
0x148: {  	v4 =	vmul.f32 v6, v4  }
0x149: {  	[tilespmem:s5+$0xD1F0] =	vst v1;
	v1 =	vmul.f32 v5, v3  }
0x14a: {  	[tilespmem:s5+$0xD200] =	vst v4;
	v2 =	vmul.f32 v8, v2  }
0x14b: {  	[tilespmem:s5+$0xD210] =	vst v1  }
0x14c: {  	s14 =	sadd.s32 $0x5B0, s22;
	[tilespmem:s5+$0xD220] =	vst v2  }
0x14d: {  	[spmem:s2] =	stream.indirect.scatter.add.f32 [tilespmem:s13], [sflag:$0xA], $0x40, s14, s20, $0xb8;
	[tilespmem:$0x1A000] =	vst v63  }
0x14e: {  	s6 =	simm.s32 @!p1 $0x64;
	s7 =	simm.s32 @!p1 $0x3BC0;
	s5 =	sadd.s32 @!p1 $0xD0, s9  }
0x14f: {  	[tilespmem:s7], [sflag:$0x4] =	stream.indirect.gather @!p1 [hbm4b:s1+s6], $0x40, s5, s6, $0xb8;
	[tilespmem:$0x1A000] =	vst v63  }
0x150: {  	s5 =	sadd.s32 @!p1 s10, s26  }
0x151: {  	s5 =	sshll.u32 @!p1 s5, $0x7  }
0x152: {  	s5 =	sor.u32 @!p1 s8, s5  }
0x153: {  	s14 =	simm.s32 @!p1 $0x9FC0;
	s5 =	sshrl.u32 @!p1 s5, $0x3  }
0x154: {  	s6 =	simm.s32 @!p1 $0x40;
	s7 =	simm.s32 @!p1 $0x80;
	s5 =	sadd.s32 @!p1 s17, s5  }
0x155: {  	[tilespmem:s14], [sflag:$0x8] =	stream.strided.gather @!p1 [hbm4b:s5+s6], $0x1900, s7, s6, $0x38;
	[tilespmem:$0x1A000] =	vst v63  }
0x156: {  	_ =	swait.ge [sflag:s0], $0x1900  }
0x157: {  	[sflag:s0] =	ssyncset.done $0x0  }
0x158: {  	[sflag:s0] =	ssyncadd.s32 $0xFFFFE700  }
0x159: {  	_ =	swait.ge [sflag:s3], $0x1900  }
0x15a: {  	[sflag:s3] =	ssyncset.done $0x0  }
0x15b: {  	[sflag:s3] =	ssyncadd.s32 $0xFFFFE700  }
0x15c: {  	_ =	swait.ge [sflag:s4], $0x1900  }
0x15d: {  	[sflag:s4] =	ssyncset.done $0x0  }
0x15e: {  	s14 =	simm.s32 $0x0;
	[sflag:s4] =	ssyncadd.s32 $0xFFFFE700  }
0x15f: {  	v1 =	vld [tilespmem:s14+$0x5530]  }
0x160: {  	v2 =	vld [tilespmem:s14+$0xB930]  }
0x161: {  	v3 =	vld [tilespmem:s14+$0x54C0]  }
0x162: {  	v4 =	vld [tilespmem:s14+$0xB8C0]  }
0x163: {  	v5 =	vld [tilespmem:s14+$0x54D0]  }
0x164: {  	v6 =	vld [tilespmem:s14+$0xB8D0]  }
0x165: {  	v7 =	vld [tilespmem:s14+$0x54E0]  }
0x166: {  	v8 =	vld [tilespmem:s14+$0x54F0]  }
0x167: {  	v1 =	vmul.f32 v2, v1;
	v2 =	vld [tilespmem:s14+$0xB8E0]  }
0x168: {  	v9 =	vld [tilespmem:s14+$0xB8F0]  }
0x169: {  	v10 =	vld [tilespmem:s14+$0xB900];
	v3 =	vmul.f32 v4, v3  }
0x16a: {  	[tilespmem:s14+$0xEB30] =	vst v1;
	v1 =	vmul.f32 v6, v5;
	v6 =	vld [tilespmem:s14+$0x5500]  }
0x16b: {  	v4 =	vld [tilespmem:s14+$0xB910];
	[tilespmem:s14+$0xEAC0] =	vst v3  }
0x16c: {  	v3 =	vld [tilespmem:s14+$0x5510];
	[tilespmem:s14+$0xEAD0] =	vst v1;
	v1 =	vmul.f32 v2, v7  }
0x16d: {  	v5 =	vld [tilespmem:s14+$0xB920];
	v7 =	vmul.f32 v9, v8  }
0x16e: {  	s5 =	simm.s32 $0x80;
	[tilespmem:s14+$0xEAE0] =	vst v1;
	v1 =	vld [tilespmem:s14+$0x5520]  }
0x16f: {  	s6 =	simm.s32 $0x400;
	v6 =	vmul.f32 v10, v6;
	v2 =	vld [tilespmem:s5+$0x5530];
	[tilespmem:s14+$0xEAF0] =	vst v7  }
.LBB2_11:
0x170: {  	p2 =	sne.s32 s6, $0x6200;
	v7 =	vld [tilespmem:s5+$0xB930]  }
0x171: {  	v8 =	vld [tilespmem:s5+$0x54C0];
	[tilespmem:s14+$0xEB00] =	vst v6;
	v3 =	vmul.f32 v4, v3  }
0x172: {  	v4 =	vld [tilespmem:s5+$0xB8C0]  }
0x173: {  	v6 =	vld [tilespmem:s5+$0x54D0];
	[tilespmem:s14+$0xEB10] =	vst v3;
	v1 =	vmul.f32 v5, v1  }
0x174: {  	v3 =	vld [tilespmem:s5+$0xB8D0]  }
0x175: {  	v5 =	vld [tilespmem:s5+$0x54E0];
	v2 =	vmul.f32 v7, v2;
	[tilespmem:s14+$0xEB20] =	vst v1;
	s14 =	smov.u32 s5  }
0x176: {  	v1 =	vld [tilespmem:s14+$0xB8E0]  }
0x177: {  	v4 =	vmul.f32 v4, v8;
	v7 =	vld [tilespmem:s14+$0x54F0];
	[tilespmem:s14+$0xEB30] =	vst v2  }
0x178: {  	v2 =	vld [tilespmem:s14+$0xB8F0]  }
0x179: {  	[tilespmem:s14+$0xEAC0] =	vst v4;
	v3 =	vmul.f32 v3, v6;
	v6 =	vld [tilespmem:s14+$0x5500]  }
0x17a: {  	v8 =	vld [tilespmem:s14+$0xB900]  }
.Ltmp4:
0x17b: {  	[tilespmem:s14+$0xEAD0] =	vst v3;
	v1 =	vmul.f32 v1, v5;
	v3 =	vld [tilespmem:s14+$0x5510];
	(pc) =	sbr.rel @p2 .LBB2_11-.Ltmp4, $4  }
0x17c: {  	v4 =	vld [tilespmem:s14+$0xB910]  }
0x17d: {  	[tilespmem:s14+$0xEAE0] =	vst v1;
	v7 =	vmul.f32 v2, v7;
	v1 =	vld [tilespmem:s14+$0x5520]  }
0x17e: {  	s5 =	sshra.s32 s6, $0x2;
	v5 =	vld [tilespmem:s14+$0xB920]  }
0x17f: {  	s6 =	sadd.s32 $0x200, s6;
	v2 =	vld [tilespmem:s5+$0x5530];
	[tilespmem:s14+$0xEAF0] =	vst v7;
	v6 =	vmul.f32 v8, v6  }
0x180: {  	v7 =	vld [tilespmem:s5+$0xB930]  }
0x181: {  	v8 =	vld [tilespmem:s5+$0x54C0];
	[tilespmem:s14+$0xEB00] =	vst v6;
	v3 =	vmul.f32 v4, v3  }
0x182: {  	v57 =	vld [tilespmem:s5+$0xB8C0]  }
0x183: {  	v6 =	vld [tilespmem:s5+$0x54D0];
	[tilespmem:s14+$0xEB10] =	vst v3;
	v1 =	vmul.f32 v5, v1  }
0x184: {  	v3 =	vld [tilespmem:s5+$0xB8D0]  }
0x185: {  	v58 =	vld [tilespmem:s5+$0x54E0];
	[tilespmem:s14+$0xEB20] =	vst v1  }
0x186: {  	v1 =	vmul.f32 v7, v2;
	v2 =	vld [tilespmem:s5+$0xB8E0]  }
0x187: {  	v59 =	vld [tilespmem:s5+$0x54F0]  }
0x188: {  	v60 =	vld [tilespmem:s5+$0x5500]  }
0x189: {  	v61 =	vld [tilespmem:s5+$0xB900]  }
0x18a: {  	v62 =	vld [tilespmem:s5+$0xB910]  }
0x18b: {  	[tilespmem:s5+$0xEB30] =	vst v1;
	v1 =	vld [tilespmem:s5+$0xB8F0];
	v3 =	vmul.f32 v3, v6  }
0x18c: {  	v63 =	vld [tilespmem:s5+$0xB920];
	v2 =	vmul.f32 v2, v58  }
0x18d: {  	[tilespmem:s5+$0xEAD0] =	vst v3;
	v3 =	vld [tilespmem:s5+$0x5510]  }
0x18e: {  	[tilespmem:s5+$0xEAE0] =	vst v2;
	v2 =	vld [tilespmem:s5+$0x5520]  }
0x18f: {  	v4 =	vmul.f32 v57, v8  }
0x190: {  	v1 =	vmul.f32 v1, v59  }
0x191: {  	[tilespmem:s5+$0xEAC0] =	vst v4;
	v4 =	vmul.f32 v61, v60  }
0x192: {  	[tilespmem:s5+$0xEAF0] =	vst v1;
	v1 =	vmul.f32 v62, v3  }
0x193: {  	[tilespmem:s5+$0xEB00] =	vst v4;
	v2 =	vmul.f32 v63, v2  }
0x194: {  	[tilespmem:s5+$0xEB10] =	vst v1  }
0x195: {  	s22 =	sadd.s32 $0x618, s22;
	[tilespmem:s5+$0xEB20] =	vst v2  }
0x196: {  	[spmem:s2] =	stream.indirect.scatter.add.f32 [tilespmem:s11], [sflag:$0xB], $0x40, s22, s20, $0xb8;
	[tilespmem:$0x1A000] =	vst v63  }
0x197: {  	s6 =	simm.s32 @!p1 $0x64;
	s7 =	simm.s32 @!p1 $0x54C0;
	s5 =	sadd.s32 @!p1 $0x138, s9  }
0x198: {  	[tilespmem:s7], [sflag:$0x5] =	stream.indirect.gather @!p1 [hbm4b:s1+s6], $0x40, s5, s6, $0xb8;
	[tilespmem:$0x1A000] =	vst v63  }
0x199: {  	s5 =	sadd.s32 @!p1 s10, s28  }
0x19a: {  	p2 =	sgt.u32 @!p1 s15, $0x2F;
	s5 =	sshll.u32 @!p1 s5, $0x7  }
0x19b: {  	p2 =	por p2, p1;
	s9 =	simm.s32 @!p1 $0x80;
	s5 =	sor.u32 @!p1 s8, s5  }
0x19c: {  	s6 =	simm.s32 @!p1 $0x40;
	s7 =	sadd.s32 @!p2 $0x2, s15;
	s5 =	sshrl.u32 @!p1 s5, $0x3  }
0x19d: {  	s10 =	simm.s32 @!p1 $0xB8C0;
	s14 =	smul.u32 @!p2 $0xAB, s7;
	s5 =	sadd.s32 @!p1 s17, s5  }
0x19e: {  	[tilespmem:s10], [sflag:$0x9] =	stream.strided.gather @!p1 [hbm4b:s5+s6], $0x1900, s9, s6, $0x38;
	[tilespmem:$0x1A000] =	vst v63  }
0x19f: {  	s5 =	sshrl.u32 @!p2 s14, $0x9  }
0x1a0: {  	s5 =	sand.u32 @!p2 $0x7F, s5  }
0x1a1: {  	s5 =	smul.u32 @!p2 $0x3, s5  }
0x1a2: {  	s6 =	smul.u32 @!p2 $0x1A0, s7  }
0x1a3: {  	s5 =	ssub.s32 @!p2 s7, s5;
	s7 =	rddreg [dreg:$0x5]  }
0x1a4: {  	s7 =	sadd.s32 @!p2 s7, s6;
	s5 =	sand.u32 @!p2 $0xFF, s5  }
0x1a5: {  	s9 =	rddreg [dreg:$0x4];
	s5 =	smul.u32 @!p2 $0x1A0, s5;
	s7 =	sshrl.u32 @!p2 s7, $0x3  }
0x1a6: {  	s7 =	sadd.s32 @!p2 s9, s7;
	s9 =	simm.s32 @!p2 $0x0  }
0x1a7: {  	[tilespmem:s5], [sflag:$0x1] =	stream.linear.gather @!p2 [hbm4b:s7+s9], $0x1A0, $0x38;
	[tilespmem:$0x1A000] =	vst v63  }
0x1a8: {  	s7 =	rddreg [dreg:$0xd]  }
0x1a9: {  	s6 =	sadd.s32 @!p2 s7, s6  }
0x1aa: {  	s6 =	sshrl.u32 @!p2 s6, $0x3  }
0x1ab: {  	s5 =	sadd.s32 @!p2 $0x4E0, s5;
	s6 =	sadd.s32 @!p2 s16, s6  }
0x1ac: {  	[tilespmem:s5], [sflag:$0x1] =	stream.linear.gather @!p2 [hbm4b:s6+s9], $0x1A0, $0x38;
	[tilespmem:$0x1A000] =	vst v63  }
0x1ad: {  	p2 =	sne.s32 @!p1 s21, $0x32  }
0x1ae: {  	p1 =	por p1, !p2  }
.Ltmp5:
0x1af: {  	_ = 	snop;
	(pc) =	sbr.rel @!p1 .LBB2_4-.Ltmp5, $2  }
0x1b0: {  	_ =	sdelay $0x2  }
0x1b1: {  	s15 =	smov.u32 s21  }
0x1b2: {  	_ =	swait.ge [sflag:s31], $0x1900  }
0x1b3: {  	[sflag:s31] =	ssyncset.done $0x0  }
0x1b4: {  	[sflag:s31] =	ssyncadd.s32 $0xFFFFE700  }
0x1b5: {  	_ =	swait.ge [sflag:s4], $0x1900  }
0x1b6: {  	[sflag:s4] =	ssyncset.done $0x0  }
0x1b7: {  	[sflag:s4] =	ssyncadd.s32 $0xFFFFE700  }
0x1b8: {  	[bflag:$0x0] =	sbarrier.arrive $0xFFFF  }
0x1b9: {  	s9 =	simm.s32 $0xD;
	s21 =	rddreg [dreg:$0x15]  }
0x1ba: {  	[tilespmem:s13], [sflag:$0xD] =	stream.linear.gather [spmem:s21], $0x1900, $0x38;
	[tilespmem:$0x1A000] =	vst v63  }
0x1bb: {  	_ =	swait.ge [sflag:s9], $0x1900  }
0x1bc: {  	s6 =	simm.s32 $0x40;
	s7 =	simm.s32 $0x80;
	[sflag:s9] =	ssyncset.done $0x0  }
0x1bd: {  	s15 =	simm.s32 $0xC;
	s5 =	rddreg [dreg:$0x6];
	[sflag:s9] =	ssyncadd.s32 $0xFFFFE700  }
0x1be: {  	[hbm4b:s5+s6] =	stream.strided.scatter [tilespmem:s13], [sflag:$0xC], $0x1900, s7, s6, $0x38;
	[tilespmem:$0x1A000] =	vst v63  }
0x1bf: {  	_ =	swait.ge [sflag:s15], $0x1900  }
0x1c0: {  	[sflag:s15] =	ssyncset.done $0x0  }
0x1c1: {  	s14 =	rddreg [dreg:$0x16];
	[sflag:s15] =	ssyncadd.s32 $0xFFFFE700  }
0x1c2: {  	[tilespmem:s13], [sflag:$0xD] =	stream.linear.gather [spmem:s14], $0x1900, $0x38;
	[tilespmem:$0x1A000] =	vst v63  }
0x1c3: {  	_ =	swait.ge [sflag:s9], $0x1900  }
0x1c4: {  	[sflag:s9] =	ssyncset.done $0x0  }
0x1c5: {  	s22 =	rddreg [dreg:$0x7];
	[sflag:s9] =	ssyncadd.s32 $0xFFFFE700  }
0x1c6: {  	[hbm4b:s22+s6] =	stream.strided.scatter [tilespmem:s13], [sflag:$0xC], $0x1900, s7, s6, $0x38;
	[tilespmem:$0x1A000] =	vst v63  }
0x1c7: {  	_ =	swait.ge [sflag:s15], $0x1900  }
0x1c8: {  	[sflag:s15] =	ssyncset.done $0x0  }
0x1c9: {  	s22 =	rddreg [dreg:$0x17];
	[sflag:s15] =	ssyncadd.s32 $0xFFFFE700  }
0x1ca: {  	[tilespmem:s13], [sflag:$0xD] =	stream.linear.gather [spmem:s22], $0x1900, $0x38;
	[tilespmem:$0x1A000] =	vst v63  }
0x1cb: {  	_ =	swait.ge [sflag:s9], $0x1900  }
0x1cc: {  	[sflag:s9] =	ssyncset.done $0x0  }
0x1cd: {  	s10 =	rddreg [dreg:$0x8];
	[sflag:s9] =	ssyncadd.s32 $0xFFFFE700  }
0x1ce: {  	[hbm4b:s10+s6] =	stream.strided.scatter [tilespmem:s13], [sflag:$0xC], $0x1900, s7, s6, $0x38;
	[tilespmem:$0x1A000] =	vst v63  }
0x1cf: {  	_ =	swait.ge [sflag:s15], $0x1900  }
0x1d0: {  	[sflag:s15] =	ssyncset.done $0x0  }
0x1d1: {  	s10 =	rddreg [dreg:$0x18];
	[sflag:s15] =	ssyncadd.s32 $0xFFFFE700  }
0x1d2: {  	[tilespmem:s13], [sflag:$0xD] =	stream.linear.gather [spmem:s10], $0x1900, $0x38;
	[tilespmem:$0x1A000] =	vst v63  }
0x1d3: {  	_ =	swait.ge [sflag:s9], $0x1900  }
0x1d4: {  	[sflag:s9] =	ssyncset.done $0x0  }
0x1d5: {  	s10 =	rddreg [dreg:$0x9];
	[sflag:s9] =	ssyncadd.s32 $0xFFFFE700  }
0x1d6: {  	[hbm4b:s10+s6] =	stream.strided.scatter [tilespmem:s13], [sflag:$0xC], $0x1900, s7, s6, $0x38;
	[tilespmem:$0x1A000] =	vst v63  }
0x1d7: {  	_ =	swait.ge [sflag:s15], $0x1900  }
0x1d8: {  	[sflag:s15] =	ssyncset.done $0x0  }
0x1d9: {  	s10 =	rddreg [dreg:$0x19];
	[sflag:s15] =	ssyncadd.s32 $0xFFFFE700  }
0x1da: {  	[tilespmem:s13], [sflag:$0xD] =	stream.linear.gather [spmem:s10], $0x1900, $0x38;
	[tilespmem:$0x1A000] =	vst v63  }
0x1db: {  	_ =	swait.ge [sflag:s9], $0x1900  }
0x1dc: {  	[sflag:s9] =	ssyncset.done $0x0  }
0x1dd: {  	s10 =	rddreg [dreg:$0xa];
	[sflag:s9] =	ssyncadd.s32 $0xFFFFE700  }
0x1de: {  	[hbm4b:s10+s6] =	stream.strided.scatter [tilespmem:s13], [sflag:$0xC], $0x1900, s7, s6, $0x38;
	[tilespmem:$0x1A000] =	vst v63  }
0x1df: {  	_ =	swait.ge [sflag:s15], $0x1900  }
0x1e0: {  	[sflag:s15] =	ssyncset.done $0x0  }
0x1e1: {  	s10 =	rddreg [dreg:$0x1a];
	[sflag:s15] =	ssyncadd.s32 $0xFFFFE700  }
0x1e2: {  	[tilespmem:s13], [sflag:$0xD] =	stream.linear.gather [spmem:s10], $0x1900, $0x38;
	[tilespmem:$0x1A000] =	vst v63  }
0x1e3: {  	_ =	swait.ge [sflag:s9], $0x1900  }
0x1e4: {  	[sflag:s9] =	ssyncset.done $0x0  }
0x1e5: {  	s10 =	rddreg [dreg:$0xb];
	[sflag:s9] =	ssyncadd.s32 $0xFFFFE700  }
0x1e6: {  	[hbm4b:s10+s6] =	stream.strided.scatter [tilespmem:s13], [sflag:$0xC], $0x1900, s7, s6, $0x38;
	[tilespmem:$0x1A000] =	vst v63  }
0x1e7: {  	_ =	swait.ge [sflag:s15], $0x1900  }
0x1e8: {  	[sflag:s15] =	ssyncset.done $0x0  }
0x1e9: {  	s5 =	simm.s32 @!p0 $0xD1C0;
	s6 =	rddreg [dreg:$0x1b];
	[sflag:s15] =	ssyncadd.s32 $0xFFFFE700  }
0x1ea: {  	[tilespmem:s5], [sflag:$0xD] =	stream.linear.gather @!p0 [spmem:s6], $0x1900, $0x38;
	[tilespmem:$0x1A000] =	vst v63  }
0x1eb: {  	s6 =	simm.s32 @!p0 $0xD  }
0x1ec: {  	_ =	swait.ge @!p0 [sflag:s6], $0x1900  }
0x1ed: {  	s7 =	simm.s32 @!p0 $0x80;
	[sflag:s6] =	ssyncset.done @!p0 $0x0  }
0x1ee: {  	s9 =	rddreg [dreg:$0xc];
	[sflag:s6] =	ssyncadd.s32 @!p0 $0xFFFFE700;
	s6 =	simm.s32 @!p0 $0x40  }
0x1ef: {  	[hbm4b:s9+s6] =	stream.strided.scatter @!p0 [tilespmem:s5], [sflag:$0xC], $0x1900, s7, s6, $0x38;
	[tilespmem:$0x1A000] =	vst v63  }
0x1f0: {  	s5 =	simm.s32 @!p0 $0xC  }
0x1f1: {  	_ =	swait.ge @!p0 [sflag:s5], $0x1900  }
0x1f2: {  	s9 =	rddreg [dreg:$0x1e]  }
0x1f3: {  	s10 =	rddreg [dreg:$0x14];
	s7 =	sadd.s32 $0x1, s9  }
0x1f4: {  	p1 =	sne.s32 s7, s10  }
.Ltmp6:
0x1f5: {  	_ = 	snop;
	(pc) =	sbr.rel @p1 .LBB2_1-.Ltmp6, $3  }
0x1f6: {  	_ =	sdelay $0x1  }
0x1f7: {  	[sflag:s5] =	ssyncset.done @!p0 $0x0  }
0x1f8: {  	[sflag:s5] =	ssyncadd.s32 @!p0 $0xFFFFE700  }
0x1f9: {  	_ =	sfence.sel $0x180000  }
0x1fa: {  	[bflag:$0x0] =	sbarrier.arrive $0xFFFF  }
0x1fb: {  	_ =	strace $0x9000004A  }
0x1fc: {  	s0 =	stileid.u32;
	[bflag:$0x2] =	sbarrier.arrive $0xFFFF  }
0x1fd: {  	p0 =	sne.s32 s0, $0x0;
	s0 =	rddreg [dreg:$0x3]  }
0x1fe: {  	s0 =	sadd.s32 @!p0 $0x100000, s0  }
0x1ff: {  	[sflag:s0] =	ssyncadd.tile.s32 @!p0 $0x1;
	_ =	shalt  }
.Lfunc_end2:
_tile_overlayer_lowered:
.L_overlay_start_2:
0x200: {  	(tag) =	ssettag $0x2  }
0x201: {  	s0 =	rddreg [dreg:$0x0];
	s2 =	stileid.u32  }
0x202: {  	s1 =	rddreg [dreg:$0x1];
	p0 =	sne.s32 s2, $0x0  }
0x203: {  	s3 =	rddreg [dreg:$0x2];
	[bflag:$0x3] =	sbarrier.arrive $0xFFFF;
	s2 =	simm.s32 @!p0 $0x1C0C  }
0x204: {  	[timem:s3], [sflag:s2] =	dma.local @!p0 [hbm:s0], s1  }
0x205: {  	s0 =	simm.s32 @!p0 $0xC  }
0x206: {  	_ =	swait.ge @!p0 [sflag:s0], s1  }
0x207: {  	s1 =	ssub.s32 @!p0 $0x0, s1;
	[sflag:s0] =	ssyncset.done @!p0 $0x0  }
0x208: {  	[sflag:s0] =	ssyncadd.s32 @!p0 s1  }
0x209: {  	[bflag:$0x3] =	sbarrier.arrive $0xFFFF  }
0x20a: {  	_ =	shalt  }

</sc_bundles>
